<compile_context>
chip_gen: v7x
topology: tpu7x:2x2x1
jax: 0.10.2.dev20260603
libtpu: 0.0.44.dev20260713+nightly
codegen_flags: <defaults>
</compile_context>

<pallas_src>
import functools

import jax
import jax.numpy as jnp
from jax import lax
from jax.experimental import pallas as pl
from jax.experimental.pallas import tpu as pltpu
from jax.experimental.pallas import tpu_sc as plsc

_NC = 2
_NS = 16
_NW = _NC * _NS
_CH = 128
_NU = 2
_ROW_BLK = 5120


def _b16(a):
    return a.astype(jnp.bfloat16)


def _dotb(a, b):
    return jnp.dot(_b16(a), _b16(b), preferred_element_type=jnp.float32)


def _blockdiag(w):
    h_in, h_out = w.shape
    z = jnp.zeros((h_in, h_out), jnp.float32)
    top = jnp.concatenate([w, z], axis=1)
    bot = jnp.concatenate([z, w], axis=1)
    return jnp.concatenate([top, bot], axis=0)


def _mlp1_body(x_ref, p_ref, w1a_ref, b1a_ref, w1b_ref, b1b_ref, o_ref):
    a = x_ref[...] + p_ref[0] + p_ref[1]
    pre = _dotb(a, w1a_ref[...]) + b1a_ref[...]
    hh = jnp.maximum(pre, 0.0)
    o_ref[...] = _dotb(hh, w1b_ref[...]) + b1b_ref[...]


def _mlp2_body(h1_ref, q_ref, w2a_ref, b2a_ref, w2b_ref, b2b_ref, wo_ref,
               bo_ref, o_ref):
    a = h1_ref[...] + q_ref[0] + q_ref[1]
    pre = _dotb(a, w2a_ref[...]) + b2a_ref[...]
    hh = jnp.maximum(pre, 0.0)
    h2 = _dotb(hh, w2b_ref[...]) + b2b_ref[...]
    h2b = _b16(h2).astype(jnp.float32)
    wob = _b16(wo_ref[...]).astype(jnp.float32)
    o_ref[...] = jnp.sum(h2b * wob[:, 0], axis=1, keepdims=True) + bo_ref[...]


def _agg_phase(src_v, dst_v, rows_v, acc_sh, t_sh, sg, ss, ng):
    def group(g, carry):
        j0 = g * _NU
        gat = [pltpu.async_copy(t_sh.at[src_v.at[j0 + k]], rows_v.at[k],
                                sg[k]) for k in range(_NU)]
        sca = []
        for k in range(_NU):
            gat[k].wait()
            sca.append(pltpu.async_copy(rows_v.at[k],
                                        acc_sh.at[dst_v.at[j0 + k]],
                                        ss[k], add=True))
        for d in sca:
            d.wait()
        return carry

    lax.fori_loop(0, ng, group, 0)


_SC_SCRATCH = None


def _sc_scratch(np_, h, nchw):
    return [
        pltpu.VMEM((nchw, _CH), jnp.int32),
        pltpu.VMEM((nchw, _CH), jnp.int32),
        pltpu.VMEM((_NU, _CH, h), jnp.float32),
        pltpu.VMEM_SHARED((np_, h), jnp.float32),
        pltpu.VMEM_SHARED((np_, h), jnp.float32),
        [pltpu.SemaphoreType.DMA] * _NU,
        [pltpu.SemaphoreType.DMA] * _NU,
    ]


@functools.lru_cache(maxsize=None)
def _make_sc_agg(np_, h, nchw):
    rpt = np_ // _NS
    ng = nchw // _NU
    nzc = rpt // _CH
    mesh = plsc.VectorSubcoreMesh(core_axis_name="c", subcore_axis_name="s")

    @functools.partial(
        pl.kernel,
        out_type=jax.ShapeDtypeStruct((_NC, np_, h), jnp.float32),
        mesh=mesh,
        scratch_types=_sc_scratch(np_, h, nchw),
        compiler_params=pltpu.CompilerParams(use_tc_tiling_on_sc=False),
    )
    def agg(t_hbm, edges_hbm, zero_hbm, out_hbm, src_v, dst_v, rows_v,
            acc_sh, t_sh, sg, ss):
        c = lax.axis_index("c")
        s = lax.axis_index("s")
        wid = c * _NS + s
        base = s * rpt
        pltpu.sync_copy(t_hbm.at[pl.ds(base, rpt)], t_sh.at[pl.ds(base, rpt)])
        pltpu.sync_copy(zero_hbm, rows_v.at[0])
        for k in range(nzc):
            pltpu.sync_copy(rows_v.at[0], acc_sh.at[pl.ds(base + k * _CH, _CH)])
        pltpu.sync_copy(edges_hbm.at[0, wid], src_v)
        pltpu.sync_copy(edges_hbm.at[1, wid], dst_v)
        plsc.subcore_barrier()
        _agg_phase(src_v, dst_v, rows_v, acc_sh, t_sh, sg, ss, ng)
        plsc.subcore_barrier()
        for k in range(nzc):
            pltpu.sync_copy(acc_sh.at[pl.ds(base + k * _CH, _CH)], rows_v.at[0])
            pltpu.sync_copy(rows_v.at[0],
                            out_hbm.at[c, pl.ds(base + k * _CH, _CH)])

    return agg


@functools.lru_cache(maxsize=None)
def _make_sc_agg_wide(np_, h, nchw):
    rpt = np_ // _NS
    ng = nchw // _NU
    nzc = rpt // _CH
    mesh = plsc.VectorSubcoreMesh(core_axis_name="c", subcore_axis_name="s")

    @functools.partial(
        pl.kernel,
        out_type=jax.ShapeDtypeStruct((_NC, np_, 2 * h), jnp.float32),
        mesh=mesh,
        scratch_types=_sc_scratch(np_, h, nchw),
        compiler_params=pltpu.CompilerParams(use_tc_tiling_on_sc=False),
    )
    def agg(x_hbm, edges_hbm, zero_hbm, out_hbm, src_v, dst_v, rows_v,
            acc_sh, t_sh, sg, ss):
        c = lax.axis_index("c")
        s = lax.axis_index("s")
        wid = c * _NS + s
        base = s * rpt
        pltpu.sync_copy(edges_hbm.at[0, wid], src_v)
        pltpu.sync_copy(edges_hbm.at[1, wid], dst_v)
        for f in range(2):
            pltpu.sync_copy(x_hbm.at[pl.ds(base, rpt), pl.ds(f * h, h)],
                            t_sh.at[pl.ds(base, rpt)])
            pltpu.sync_copy(zero_hbm, rows_v.at[0])
            for k in range(nzc):
                pltpu.sync_copy(rows_v.at[0],
                                acc_sh.at[pl.ds(base + k * _CH, _CH)])
            plsc.subcore_barrier()
            _agg_phase(src_v, dst_v, rows_v, acc_sh, t_sh, sg, ss, ng)
            plsc.subcore_barrier()
            for k in range(nzc):
                pltpu.sync_copy(acc_sh.at[pl.ds(base + k * _CH, _CH)],
                                rows_v.at[0])
                pltpu.sync_copy(
                    rows_v.at[0],
                    out_hbm.at[c, pl.ds(base + k * _CH, _CH), pl.ds(f * h, h)])
            plsc.subcore_barrier()

    return agg


def _blk(shp):
    return pl.BlockSpec(shp, lambda i: (i, 0))


def _whole(shp):
    return pl.BlockSpec(shp, lambda i: (0, 0))


def kernel(x, edge_index, W1a, b1a, W1b, b1b, W2a, b2a, W2b, b2b, Wo, bo):
    n, d = x.shape
    h = W1a.shape[1]
    e = edge_index.shape[1]
    np_ = ((n + 1 + _ROW_BLK - 1) // _ROW_BLK) * _ROW_BLK
    nblk = np_ // _ROW_BLK
    nchw = -(-e // (_NW * _CH * _NU)) * _NU
    e_pad = _NW * _CH * nchw

    pad_n = e_pad - e
    fill_src = jnp.full((pad_n,), n, jnp.int32)
    fill_dst = n + 1 + jnp.arange(pad_n, dtype=jnp.int32) % (np_ - n - 1)
    edges = jnp.concatenate([edge_index, jnp.stack([fill_src, fill_dst])],
                            axis=1).reshape(2, _NW, nchw, _CH)
    x_pad = jnp.pad(x, ((0, np_ - n), (0, 0)))
    zeros = jnp.zeros((_CH, h), jnp.float32)

    b1a_r, b1b_r, b2a_r, b2b_r = (v.reshape(1, h) for v in (b1a, b1b, b2a, b2b))
    bo_r = bo.reshape(1, 1)

    pspec = pl.BlockSpec((2, _ROW_BLK, 2 * h), lambda i: (0, i, 0))
    qspec = pl.BlockSpec((2, _ROW_BLK, h), lambda i: (0, i, 0))

    p = _make_sc_agg_wide(np_, h, nchw)(x_pad, edges, zeros)

    h1 = pl.pallas_call(
        _mlp1_body,
        grid=(nblk,),
        in_specs=[_blk((_ROW_BLK, d)), pspec,
                  _whole((d, h)), _whole((1, h)), _whole((h, h)),
                  _whole((1, h))],
        out_specs=_blk((_ROW_BLK, h)),
        out_shape=jax.ShapeDtypeStruct((np_, h), jnp.float32),
    )(x_pad, p, W1a, b1a_r, W1b, b1b_r)

    q = _make_sc_agg(np_, h, nchw)(h1, edges, zeros)

    res = pl.pallas_call(
        _mlp2_body,
        grid=(nblk,),
        in_specs=[_blk((_ROW_BLK, h)), qspec,
                  _whole((h, h)), _whole((1, h)), _whole((h, h)),
                  _whole((1, h)), _whole((h, 1)), _whole((1, 1))],
        out_specs=_blk((_ROW_BLK, 1)),
        out_shape=jax.ShapeDtypeStruct((np_, 1), jnp.float32),
    )(h1, q, W2a, b2a_r, W2b, b2b_r, Wo, bo_r)

    return res[:n, 0]

# --- scband reference (transcript-rebuilt; emitter-appended) ---
"""Pipeline reference for scband-ginregressor-5085241279117 (READ-ONLY COPY).

The authoritative reference and input builder live on the scoring server;
editing this copy changes nothing except your own understanding.
"""

import jax, jax.numpy as jnp
import numpy as np

N = 10000
E = 320000
D = 128
H = 64


def _init_linear(key, fan_in, fan_out):
    k1, k2 = jax.random.split(key)
    bound = 1.0 / np.sqrt(fan_in)
    W = jax.random.uniform(k1, (fan_in, fan_out), minval=-bound, maxval=bound, dtype=jnp.float32)
    b = jax.random.uniform(k2, (fan_out,), minval=-bound, maxval=bound, dtype=jnp.float32)
    return W, b


def setup_inputs(seed: int = 0) -> dict:
    key = jax.random.key(seed)
    ks = jax.random.split(key, 8)
    x = jax.random.normal(ks[0], (N, D), dtype=jnp.float32)
    edge_index = jax.random.randint(ks[1], (2, E), 0, N, dtype=jnp.int32)
    W1a, b1a = _init_linear(ks[2], D, H)
    W1b, b1b = _init_linear(ks[3], H, H)
    W2a, b2a = _init_linear(ks[4], H, H)
    W2b, b2b = _init_linear(ks[5], H, H)
    Wo, bo = _init_linear(ks[6], H, 1)
    return {"x": x, "edge_index": edge_index,
            "W1a": W1a, "b1a": b1a, "W1b": W1b, "b1b": b1b,
            "W2a": W2a, "b2a": b2a, "W2b": W2b, "b2b": b2b,
            "Wo": Wo, "bo": bo}


def _mlp(h, Wa, ba, Wb, bb):
    h = jnp.maximum(h @ Wa + ba, 0.0)
    return h @ Wb + bb


def _gin_conv(x, edge_index, Wa, ba, Wb, bb):
    # GINConv with eps=0: nn((1+eps)*x + sum_{j in N(i)} x_j)
    src = edge_index[0]
    dst = edge_index[1]
    agg = jnp.zeros_like(x).at[dst].add(x[src])
    return _mlp(x + agg, Wa, ba, Wb, bb)


def reference(x, edge_index, W1a, b1a, W1b, b1b, W2a, b2a, W2b, b2b, Wo, bo):
    h = _gin_conv(x, edge_index, W1a, b1a, W1b, b1b)
    h = _gin_conv(h, edge_index, W2a, b2a, W2b, b2b)
    out = h @ Wo + bo
    return out.squeeze(-1)

if __name__ == "__main__":
    import jax
    _d = setup_inputs()
    print(jax.jit(kernel)(*tuple(_d.values())))

</pallas_src>

<mosaic_0001>
#map = affine_map<(d0, d1) -> (0, 0)>
#map1 = affine_map<(d0, d1) -> (0, 0, 0, 0)>
#map2 = affine_map<(d0, d1) -> (0, 0, 0)>
module attributes {stable_mosaic.version = 14 : i64} {
  func.func @agg(%arg0: i32, %arg1: i32, %arg2: memref<10240x128xf32, #tpu.memory_space<hbm>>, %arg3: memref<2x32x80x128xi32, #tpu.memory_space<hbm>>, %arg4: memref<128x64xf32, #tpu.memory_space<hbm>>, %arg5: memref<2x10240x128xf32, #tpu.memory_space<hbm>>, %arg6: memref<80x128xi32, #tpu.memory_space<vmem>>, %arg7: memref<80x128xi32, #tpu.memory_space<vmem>>, %arg8: memref<2x128x64xf32, #tpu.memory_space<vmem>>, %arg9: memref<10240x64xf32, #tpu.memory_space<vmem_shared>>, %arg10: memref<10240x64xf32, #tpu.memory_space<vmem_shared>>, %arg11: memref<!tpu.dma_semaphore, #tpu.memory_space<semaphore_mem>>, %arg12: memref<!tpu.dma_semaphore, #tpu.memory_space<semaphore_mem>>, %arg13: memref<!tpu.dma_semaphore, #tpu.memory_space<semaphore_mem>>, %arg14: memref<!tpu.dma_semaphore, #tpu.memory_space<semaphore_mem>>) attributes {dimension_semantics = [#tpu.dimension_semantics<core_parallel>, #tpu.dimension_semantics<subcore_parallel>], iteration_bounds = array<i64: 2, 16>, scalar_prefetch = 0 : i64, scratch_operands = 9 : i64, tpu.core_type = #tpu.core_type<sc_vector_subcore>, window_params = [{transform_indices = #map}, {transform_indices = #map1}, {transform_indices = #map}, {transform_indices = #map2}]} {
    %mul3A = arith.constant 16 : i32
    %mul3A_0 = arith.muli %arg0, %mul3A : i32
    %add3A = arith.addi %mul3A_0, %arg1 : i32
    %mul3A_1 = arith.constant 640 : i32
    %mul3A_2 = arith.muli %arg1, %mul3A_1 : i32
    %run_scoped3A = arith.constant 0 : i32
    "tpu.region"() ({
      %run_scoped3A_112 = tpu.sem_alloc : memref<!tpu.dma_semaphore, #tpu.memory_space<semaphore_mem>>
      %dma_start3A = arith.constant 0 : i32
      %dma_start3A_113 = arith.constant 0 : i32
      %dma_start3A_114 = tpu.memref_slice %arg3[%run_scoped3A, %add3A, %dma_start3A, %dma_start3A_113] : memref<2x32x80x128xi32, #tpu.memory_space<hbm>> -> memref<1x1x80x128xi32, #tpu.memory_space<hbm>>
      %dma_start3A_115 = tpu.memref_squeeze %dma_start3A_114 : memref<1x1x80x128xi32, #tpu.memory_space<hbm>> -> memref<80x128xi32, #tpu.memory_space<hbm>>
      %dma_start3A_116 = arith.constant 0 : i32
      %dma_start3A_117 = arith.constant 0 : i32
      %dma_start3A_118 = tpu.memref_slice %arg3[%run_scoped3A, %add3A, %dma_start3A_116, %dma_start3A_117] : memref<2x32x80x128xi32, #tpu.memory_space<hbm>> -> memref<1x1x80x128xi32, #tpu.memory_space<hbm>>
      %dma_start3A_119 = tpu.memref_squeeze %dma_start3A_118 : memref<1x1x80x128xi32, #tpu.memory_space<hbm>> -> memref<80x128xi32, #tpu.memory_space<hbm>>
      tpu.enqueue_dma source(%dma_start3A_119 : memref<80x128xi32, #tpu.memory_space<hbm>>) target(%arg6 : memref<80x128xi32, #tpu.memory_space<vmem>>) target_semaphore(%run_scoped3A_112 : memref<!tpu.dma_semaphore, #tpu.memory_space<semaphore_mem>>)
      %dma_wait3A = arith.constant 0 : i32
      %dma_wait3A_120 = arith.constant 0 : i32
      %dma_wait3A_121 = tpu.memref_slice %arg3[%run_scoped3A, %add3A, %dma_wait3A, %dma_wait3A_120] : memref<2x32x80x128xi32, #tpu.memory_space<hbm>> -> memref<1x1x80x128xi32, #tpu.memory_space<hbm>>
      %dma_wait3A_122 = tpu.memref_squeeze %dma_wait3A_121 : memref<1x1x80x128xi32, #tpu.memory_space<hbm>> -> memref<80x128xi32, #tpu.memory_space<hbm>>
      %dma_wait3A_123 = arith.constant 0 : i32
      %dma_wait3A_124 = arith.constant 0 : i32
      %dma_wait3A_125 = tpu.memref_slice %arg3[%run_scoped3A, %add3A, %dma_wait3A_123, %dma_wait3A_124] : memref<2x32x80x128xi32, #tpu.memory_space<hbm>> -> memref<1x1x80x128xi32, #tpu.memory_space<hbm>>
      %dma_wait3A_126 = tpu.memref_squeeze %dma_wait3A_125 : memref<1x1x80x128xi32, #tpu.memory_space<hbm>> -> memref<80x128xi32, #tpu.memory_space<hbm>>
      tpu.wait_dma2 semaphore(%run_scoped3A_112 : memref<!tpu.dma_semaphore, #tpu.memory_space<semaphore_mem>>) src(%dma_wait3A_126 : memref<80x128xi32, #tpu.memory_space<hbm>>) dst(%arg6 : memref<80x128xi32, #tpu.memory_space<vmem>>)
      tpu.yield
    }) : () -> ()
    %run_scoped3A_3 = arith.constant 1 : i32
    "tpu.region"() ({
      %run_scoped3A_112 = tpu.sem_alloc : memref<!tpu.dma_semaphore, #tpu.memory_space<semaphore_mem>>
      %dma_start3A = arith.constant 0 : i32
      %dma_start3A_113 = arith.constant 0 : i32
      %dma_start3A_114 = tpu.memref_slice %arg3[%run_scoped3A_3, %add3A, %dma_start3A, %dma_start3A_113] : memref<2x32x80x128xi32, #tpu.memory_space<hbm>> -> memref<1x1x80x128xi32, #tpu.memory_space<hbm>>
      %dma_start3A_115 = tpu.memref_squeeze %dma_start3A_114 : memref<1x1x80x128xi32, #tpu.memory_space<hbm>> -> memref<80x128xi32, #tpu.memory_space<hbm>>
      %dma_start3A_116 = arith.constant 0 : i32
      %dma_start3A_117 = arith.constant 0 : i32
      %dma_start3A_118 = tpu.memref_slice %arg3[%run_scoped3A_3, %add3A, %dma_start3A_116, %dma_start3A_117] : memref<2x32x80x128xi32, #tpu.memory_space<hbm>> -> memref<1x1x80x128xi32, #tpu.memory_space<hbm>>
      %dma_start3A_119 = tpu.memref_squeeze %dma_start3A_118 : memref<1x1x80x128xi32, #tpu.memory_space<hbm>> -> memref<80x128xi32, #tpu.memory_space<hbm>>
      tpu.enqueue_dma source(%dma_start3A_119 : memref<80x128xi32, #tpu.memory_space<hbm>>) target(%arg7 : memref<80x128xi32, #tpu.memory_space<vmem>>) target_semaphore(%run_scoped3A_112 : memref<!tpu.dma_semaphore, #tpu.memory_space<semaphore_mem>>)
      %dma_wait3A = arith.constant 0 : i32
      %dma_wait3A_120 = arith.constant 0 : i32
      %dma_wait3A_121 = tpu.memref_slice %arg3[%run_scoped3A_3, %add3A, %dma_wait3A, %dma_wait3A_120] : memref<2x32x80x128xi32, #tpu.memory_space<hbm>> -> memref<1x1x80x128xi32, #tpu.memory_space<hbm>>
      %dma_wait3A_122 = tpu.memref_squeeze %dma_wait3A_121 : memref<1x1x80x128xi32, #tpu.memory_space<hbm>> -> memref<80x128xi32, #tpu.memory_space<hbm>>
      %dma_wait3A_123 = arith.constant 0 : i32
      %dma_wait3A_124 = arith.constant 0 : i32
      %dma_wait3A_125 = tpu.memref_slice %arg3[%run_scoped3A_3, %add3A, %dma_wait3A_123, %dma_wait3A_124] : memref<2x32x80x128xi32, #tpu.memory_space<hbm>> -> memref<1x1x80x128xi32, #tpu.memory_space<hbm>>
      %dma_wait3A_126 = tpu.memref_squeeze %dma_wait3A_125 : memref<1x1x80x128xi32, #tpu.memory_space<hbm>> -> memref<80x128xi32, #tpu.memory_space<hbm>>
      tpu.wait_dma2 semaphore(%run_scoped3A_112 : memref<!tpu.dma_semaphore, #tpu.memory_space<semaphore_mem>>) src(%dma_wait3A_126 : memref<80x128xi32, #tpu.memory_space<hbm>>) dst(%arg7 : memref<80x128xi32, #tpu.memory_space<vmem>>)
      tpu.yield
    }) : () -> ()
    "tpu.region"() ({
      %run_scoped3A_112 = tpu.sem_alloc : memref<!tpu.dma_semaphore, #tpu.memory_space<semaphore_mem>>
      %dma_start3A = arith.constant 0 : i32
      %dma_start3A_113 = tpu.memref_slice %arg10[%mul3A_2, %dma_start3A] : memref<10240x64xf32, #tpu.memory_space<vmem_shared>> -> memref<640x64xf32, #tpu.memory_space<vmem_shared>>
      %dma_start3A_114 = arith.constant 0 : i32
      %dma_start3A_115 = tpu.memref_slice %arg2[%mul3A_2, %dma_start3A_114] : memref<10240x128xf32, #tpu.memory_space<hbm>> -> memref<640x64xf32, #tpu.memory_space<hbm>>
      tpu.enqueue_dma source(%dma_start3A_115 : memref<640x64xf32, #tpu.memory_space<hbm>>) target(%dma_start3A_113 : memref<640x64xf32, #tpu.memory_space<vmem_shared>>) target_semaphore(%run_scoped3A_112 : memref<!tpu.dma_semaphore, #tpu.memory_space<semaphore_mem>>)
      %dma_wait3A = arith.constant 0 : i32
      %dma_wait3A_116 = tpu.memref_slice %arg10[%mul3A_2, %dma_wait3A] : memref<10240x64xf32, #tpu.memory_space<vmem_shared>> -> memref<640x64xf32, #tpu.memory_space<vmem_shared>>
      %dma_wait3A_117 = arith.constant 0 : i32
      %dma_wait3A_118 = tpu.memref_slice %arg2[%mul3A_2, %dma_wait3A_117] : memref<10240x128xf32, #tpu.memory_space<hbm>> -> memref<640x64xf32, #tpu.memory_space<hbm>>
      tpu.wait_dma2 semaphore(%run_scoped3A_112 : memref<!tpu.dma_semaphore, #tpu.memory_space<semaphore_mem>>) src(%dma_wait3A_118 : memref<640x64xf32, #tpu.memory_space<hbm>>) dst(%dma_wait3A_116 : memref<640x64xf32, #tpu.memory_space<vmem_shared>>)
      tpu.yield
    }) : () -> ()
    %run_scoped3A_4 = arith.constant 0 : i32
    "tpu.region"() ({
      %run_scoped3A_112 = tpu.sem_alloc : memref<!tpu.dma_semaphore, #tpu.memory_space<semaphore_mem>>
      %dma_start3A = arith.constant 0 : i32
      %dma_start3A_113 = arith.constant 0 : i32
      %dma_start3A_114 = tpu.memref_slice %arg8[%run_scoped3A_4, %dma_start3A, %dma_start3A_113] : memref<2x128x64xf32, #tpu.memory_space<vmem>> -> memref<1x128x64xf32, #tpu.memory_space<vmem>>
      %dma_start3A_115 = tpu.memref_squeeze %dma_start3A_114 : memref<1x128x64xf32, #tpu.memory_space<vmem>> -> memref<128x64xf32, #tpu.memory_space<vmem>>
      %dma_start3A_116 = arith.constant 0 : i32
      %dma_start3A_117 = arith.constant 0 : i32
      %dma_start3A_118 = tpu.memref_slice %arg8[%run_scoped3A_4, %dma_start3A_116, %dma_start3A_117] : memref<2x128x64xf32, #tpu.memory_space<vmem>> -> memref<1x128x64xf32, #tpu.memory_space<vmem>>
      %dma_start3A_119 = tpu.memref_squeeze %dma_start3A_118 : memref<1x128x64xf32, #tpu.memory_space<vmem>> -> memref<128x64xf32, #tpu.memory_space<vmem>>
      tpu.enqueue_dma source(%arg4 : memref<128x64xf32, #tpu.memory_space<hbm>>) target(%dma_start3A_119 : memref<128x64xf32, #tpu.memory_space<vmem>>) target_semaphore(%run_scoped3A_112 : memref<!tpu.dma_semaphore, #tpu.memory_space<semaphore_mem>>)
      %dma_wait3A = arith.constant 0 : i32
      %dma_wait3A_120 = arith.constant 0 : i32
      %dma_wait3A_121 = tpu.memref_slice %arg8[%run_scoped3A_4, %dma_wait3A, %dma_wait3A_120] : memref<2x128x64xf32, #tpu.memory_space<vmem>> -> memref<1x128x64xf32, #tpu.memory_space<vmem>>
      %dma_wait3A_122 = tpu.memref_squeeze %dma_wait3A_121 : memref<1x128x64xf32, #tpu.memory_space<vmem>> -> memref<128x64xf32, #tpu.memory_space<vmem>>
      %dma_wait3A_123 = arith.constant 0 : i32
      %dma_wait3A_124 = arith.constant 0 : i32
      %dma_wait3A_125 = tpu.memref_slice %arg8[%run_scoped3A_4, %dma_wait3A_123, %dma_wait3A_124] : memref<2x128x64xf32, #tpu.memory_space<vmem>> -> memref<1x128x64xf32, #tpu.memory_space<vmem>>
      %dma_wait3A_126 = tpu.memref_squeeze %dma_wait3A_125 : memref<1x128x64xf32, #tpu.memory_space<vmem>> -> memref<128x64xf32, #tpu.memory_space<vmem>>
      tpu.wait_dma2 semaphore(%run_scoped3A_112 : memref<!tpu.dma_semaphore, #tpu.memory_space<semaphore_mem>>) src(%arg4 : memref<128x64xf32, #tpu.memory_space<hbm>>) dst(%dma_wait3A_126 : memref<128x64xf32, #tpu.memory_space<vmem>>)
      tpu.yield
    }) : () -> ()
    %add3A_5 = arith.constant 0 : i32
    %add3A_6 = arith.addi %mul3A_2, %add3A_5 : i32
    %run_scoped3A_7 = arith.constant 0 : i32
    "tpu.region"() ({
      %run_scoped3A_112 = tpu.sem_alloc : memref<!tpu.dma_semaphore, #tpu.memory_space<semaphore_mem>>
      %dma_start3A = arith.constant 0 : i32
      %dma_start3A_113 = arith.constant 0 : i32
      %dma_start3A_114 = tpu.memref_slice %arg8[%run_scoped3A_7, %dma_start3A, %dma_start3A_113] : memref<2x128x64xf32, #tpu.memory_space<vmem>> -> memref<1x128x64xf32, #tpu.memory_space<vmem>>
      %dma_start3A_115 = tpu.memref_squeeze %dma_start3A_114 : memref<1x128x64xf32, #tpu.memory_space<vmem>> -> memref<128x64xf32, #tpu.memory_space<vmem>>
      %dma_start3A_116 = arith.constant 0 : i32
      %dma_start3A_117 = tpu.memref_slice %arg9[%add3A_6, %dma_start3A_116] : memref<10240x64xf32, #tpu.memory_space<vmem_shared>> -> memref<128x64xf32, #tpu.memory_space<vmem_shared>>
      %dma_start3A_118 = arith.constant 0 : i32
      %dma_start3A_119 = tpu.memref_slice %arg9[%add3A_6, %dma_start3A_118] : memref<10240x64xf32, #tpu.memory_space<vmem_shared>> -> memref<128x64xf32, #tpu.memory_space<vmem_shared>>
      %dma_start3A_120 = arith.constant 0 : i32
      %dma_start3A_121 = arith.constant 0 : i32
      %dma_start3A_122 = tpu.memref_slice %arg8[%run_scoped3A_7, %dma_start3A_120, %dma_start3A_121] : memref<2x128x64xf32, #tpu.memory_space<vmem>> -> memref<1x128x64xf32, #tpu.memory_space<vmem>>
      %dma_start3A_123 = tpu.memref_squeeze %dma_start3A_122 : memref<1x128x64xf32, #tpu.memory_space<vmem>> -> memref<128x64xf32, #tpu.memory_space<vmem>>
      tpu.enqueue_dma source(%dma_start3A_123 : memref<128x64xf32, #tpu.memory_space<vmem>>) target(%dma_start3A_119 : memref<128x64xf32, #tpu.memory_space<vmem_shared>>) target_semaphore(%run_scoped3A_112 : memref<!tpu.dma_semaphore, #tpu.memory_space<semaphore_mem>>)
      %dma_wait3A = arith.constant 0 : i32
      %dma_wait3A_124 = arith.constant 0 : i32
      %dma_wait3A_125 = tpu.memref_slice %arg8[%run_scoped3A_7, %dma_wait3A, %dma_wait3A_124] : memref<2x128x64xf32, #tpu.memory_space<vmem>> -> memref<1x128x64xf32, #tpu.memory_space<vmem>>
      %dma_wait3A_126 = tpu.memref_squeeze %dma_wait3A_125 : memref<1x128x64xf32, #tpu.memory_space<vmem>> -> memref<128x64xf32, #tpu.memory_space<vmem>>
      %dma_wait3A_127 = arith.constant 0 : i32
      %dma_wait3A_128 = tpu.memref_slice %arg9[%add3A_6, %dma_wait3A_127] : memref<10240x64xf32, #tpu.memory_space<vmem_shared>> -> memref<128x64xf32, #tpu.memory_space<vmem_shared>>
      %dma_wait3A_129 = arith.constant 0 : i32
      %dma_wait3A_130 = tpu.memref_slice %arg9[%add3A_6, %dma_wait3A_129] : memref<10240x64xf32, #tpu.memory_space<vmem_shared>> -> memref<128x64xf32, #tpu.memory_space<vmem_shared>>
      %dma_wait3A_131 = arith.constant 0 : i32
      %dma_wait3A_132 = arith.constant 0 : i32
      %dma_wait3A_133 = tpu.memref_slice %arg8[%run_scoped3A_7, %dma_wait3A_131, %dma_wait3A_132] : memref<2x128x64xf32, #tpu.memory_space<vmem>> -> memref<1x128x64xf32, #tpu.memory_space<vmem>>
      %dma_wait3A_134 = tpu.memref_squeeze %dma_wait3A_133 : memref<1x128x64xf32, #tpu.memory_space<vmem>> -> memref<128x64xf32, #tpu.memory_space<vmem>>
      tpu.wait_dma2 semaphore(%run_scoped3A_112 : memref<!tpu.dma_semaphore, #tpu.memory_space<semaphore_mem>>) src(%dma_wait3A_134 : memref<128x64xf32, #tpu.memory_space<vmem>>) dst(%dma_wait3A_130 : memref<128x64xf32, #tpu.memory_space<vmem_shared>>)
      tpu.yield
    }) : () -> ()
    %add3A_8 = arith.constant 128 : i32
    %add3A_9 = arith.addi %mul3A_2, %add3A_8 : i32
    %run_scoped3A_10 = arith.constant 0 : i32
    "tpu.region"() ({
      %run_scoped3A_112 = tpu.sem_alloc : memref<!tpu.dma_semaphore, #tpu.memory_space<semaphore_mem>>
      %dma_start3A = arith.constant 0 : i32
      %dma_start3A_113 = arith.constant 0 : i32
      %dma_start3A_114 = tpu.memref_slice %arg8[%run_scoped3A_10, %dma_start3A, %dma_start3A_113] : memref<2x128x64xf32, #tpu.memory_space<vmem>> -> memref<1x128x64xf32, #tpu.memory_space<vmem>>
      %dma_start3A_115 = tpu.memref_squeeze %dma_start3A_114 : memref<1x128x64xf32, #tpu.memory_space<vmem>> -> memref<128x64xf32, #tpu.memory_space<vmem>>
      %dma_start3A_116 = arith.constant 0 : i32
      %dma_start3A_117 = tpu.memref_slice %arg9[%add3A_9, %dma_start3A_116] : memref<10240x64xf32, #tpu.memory_space<vmem_shared>> -> memref<128x64xf32, #tpu.memory_space<vmem_shared>>
      %dma_start3A_118 = arith.constant 0 : i32
      %dma_start3A_119 = tpu.memref_slice %arg9[%add3A_9, %dma_start3A_118] : memref<10240x64xf32, #tpu.memory_space<vmem_shared>> -> memref<128x64xf32, #tpu.memory_space<vmem_shared>>
      %dma_start3A_120 = arith.constant 0 : i32
      %dma_start3A_121 = arith.constant 0 : i32
      %dma_start3A_122 = tpu.memref_slice %arg8[%run_scoped3A_10, %dma_start3A_120, %dma_start3A_121] : memref<2x128x64xf32, #tpu.memory_space<vmem>> -> memref<1x128x64xf32, #tpu.memory_space<vmem>>
      %dma_start3A_123 = tpu.memref_squeeze %dma_start3A_122 : memref<1x128x64xf32, #tpu.memory_space<vmem>> -> memref<128x64xf32, #tpu.memory_space<vmem>>
      tpu.enqueue_dma source(%dma_start3A_123 : memref<128x64xf32, #tpu.memory_space<vmem>>) target(%dma_start3A_119 : memref<128x64xf32, #tpu.memory_space<vmem_shared>>) target_semaphore(%run_scoped3A_112 : memref<!tpu.dma_semaphore, #tpu.memory_space<semaphore_mem>>)
      %dma_wait3A = arith.constant 0 : i32
      %dma_wait3A_124 = arith.constant 0 : i32
      %dma_wait3A_125 = tpu.memref_slice %arg8[%run_scoped3A_10, %dma_wait3A, %dma_wait3A_124] : memref<2x128x64xf32, #tpu.memory_space<vmem>> -> memref<1x128x64xf32, #tpu.memory_space<vmem>>
      %dma_wait3A_126 = tpu.memref_squeeze %dma_wait3A_125 : memref<1x128x64xf32, #tpu.memory_space<vmem>> -> memref<128x64xf32, #tpu.memory_space<vmem>>
      %dma_wait3A_127 = arith.constant 0 : i32
      %dma_wait3A_128 = tpu.memref_slice %arg9[%add3A_9, %dma_wait3A_127] : memref<10240x64xf32, #tpu.memory_space<vmem_shared>> -> memref<128x64xf32, #tpu.memory_space<vmem_shared>>
      %dma_wait3A_129 = arith.constant 0 : i32
      %dma_wait3A_130 = tpu.memref_slice %arg9[%add3A_9, %dma_wait3A_129] : memref<10240x64xf32, #tpu.memory_space<vmem_shared>> -> memref<128x64xf32, #tpu.memory_space<vmem_shared>>
      %dma_wait3A_131 = arith.constant 0 : i32
      %dma_wait3A_132 = arith.constant 0 : i32
      %dma_wait3A_133 = tpu.memref_slice %arg8[%run_scoped3A_10, %dma_wait3A_131, %dma_wait3A_132] : memref<2x128x64xf32, #tpu.memory_space<vmem>> -> memref<1x128x64xf32, #tpu.memory_space<vmem>>
      %dma_wait3A_134 = tpu.memref_squeeze %dma_wait3A_133 : memref<1x128x64xf32, #tpu.memory_space<vmem>> -> memref<128x64xf32, #tpu.memory_space<vmem>>
      tpu.wait_dma2 semaphore(%run_scoped3A_112 : memref<!tpu.dma_semaphore, #tpu.memory_space<semaphore_mem>>) src(%dma_wait3A_134 : memref<128x64xf32, #tpu.memory_space<vmem>>) dst(%dma_wait3A_130 : memref<128x64xf32, #tpu.memory_space<vmem_shared>>)
      tpu.yield
    }) : () -> ()
    %add3A_11 = arith.constant 256 : i32
    %add3A_12 = arith.addi %mul3A_2, %add3A_11 : i32
    %run_scoped3A_13 = arith.constant 0 : i32
    "tpu.region"() ({
      %run_scoped3A_112 = tpu.sem_alloc : memref<!tpu.dma_semaphore, #tpu.memory_space<semaphore_mem>>
      %dma_start3A = arith.constant 0 : i32
      %dma_start3A_113 = arith.constant 0 : i32
      %dma_start3A_114 = tpu.memref_slice %arg8[%run_scoped3A_13, %dma_start3A, %dma_start3A_113] : memref<2x128x64xf32, #tpu.memory_space<vmem>> -> memref<1x128x64xf32, #tpu.memory_space<vmem>>
      %dma_start3A_115 = tpu.memref_squeeze %dma_start3A_114 : memref<1x128x64xf32, #tpu.memory_space<vmem>> -> memref<128x64xf32, #tpu.memory_space<vmem>>
      %dma_start3A_116 = arith.constant 0 : i32
      %dma_start3A_117 = tpu.memref_slice %arg9[%add3A_12, %dma_start3A_116] : memref<10240x64xf32, #tpu.memory_space<vmem_shared>> -> memref<128x64xf32, #tpu.memory_space<vmem_shared>>
      %dma_start3A_118 = arith.constant 0 : i32
      %dma_start3A_119 = tpu.memref_slice %arg9[%add3A_12, %dma_start3A_118] : memref<10240x64xf32, #tpu.memory_space<vmem_shared>> -> memref<128x64xf32, #tpu.memory_space<vmem_shared>>
      %dma_start3A_120 = arith.constant 0 : i32
      %dma_start3A_121 = arith.constant 0 : i32
      %dma_start3A_122 = tpu.memref_slice %arg8[%run_scoped3A_13, %dma_start3A_120, %dma_start3A_121] : memref<2x128x64xf32, #tpu.memory_space<vmem>> -> memref<1x128x64xf32, #tpu.memory_space<vmem>>
      %dma_start3A_123 = tpu.memref_squeeze %dma_start3A_122 : memref<1x128x64xf32, #tpu.memory_space<vmem>> -> memref<128x64xf32, #tpu.memory_space<vmem>>
      tpu.enqueue_dma source(%dma_start3A_123 : memref<128x64xf32, #tpu.memory_space<vmem>>) target(%dma_start3A_119 : memref<128x64xf32, #tpu.memory_space<vmem_shared>>) target_semaphore(%run_scoped3A_112 : memref<!tpu.dma_semaphore, #tpu.memory_space<semaphore_mem>>)
      %dma_wait3A = arith.constant 0 : i32
      %dma_wait3A_124 = arith.constant 0 : i32
      %dma_wait3A_125 = tpu.memref_slice %arg8[%run_scoped3A_13, %dma_wait3A, %dma_wait3A_124] : memref<2x128x64xf32, #tpu.memory_space<vmem>> -> memref<1x128x64xf32, #tpu.memory_space<vmem>>
      %dma_wait3A_126 = tpu.memref_squeeze %dma_wait3A_125 : memref<1x128x64xf32, #tpu.memory_space<vmem>> -> memref<128x64xf32, #tpu.memory_space<vmem>>
      %dma_wait3A_127 = arith.constant 0 : i32
      %dma_wait3A_128 = tpu.memref_slice %arg9[%add3A_12, %dma_wait3A_127] : memref<10240x64xf32, #tpu.memory_space<vmem_shared>> -> memref<128x64xf32, #tpu.memory_space<vmem_shared>>
      %dma_wait3A_129 = arith.constant 0 : i32
      %dma_wait3A_130 = tpu.memref_slice %arg9[%add3A_12, %dma_wait3A_129] : memref<10240x64xf32, #tpu.memory_space<vmem_shared>> -> memref<128x64xf32, #tpu.memory_space<vmem_shared>>
      %dma_wait3A_131 = arith.constant 0 : i32
      %dma_wait3A_132 = arith.constant 0 : i32
      %dma_wait3A_133 = tpu.memref_slice %arg8[%run_scoped3A_13, %dma_wait3A_131, %dma_wait3A_132] : memref<2x128x64xf32, #tpu.memory_space<vmem>> -> memref<1x128x64xf32, #tpu.memory_space<vmem>>
      %dma_wait3A_134 = tpu.memref_squeeze %dma_wait3A_133 : memref<1x128x64xf32, #tpu.memory_space<vmem>> -> memref<128x64xf32, #tpu.memory_space<vmem>>
      tpu.wait_dma2 semaphore(%run_scoped3A_112 : memref<!tpu.dma_semaphore, #tpu.memory_space<semaphore_mem>>) src(%dma_wait3A_134 : memref<128x64xf32, #tpu.memory_space<vmem>>) dst(%dma_wait3A_130 : memref<128x64xf32, #tpu.memory_space<vmem_shared>>)
      tpu.yield
    }) : () -> ()
    %add3A_14 = arith.constant 384 : i32
    %add3A_15 = arith.addi %mul3A_2, %add3A_14 : i32
    %run_scoped3A_16 = arith.constant 0 : i32
    "tpu.region"() ({
      %run_scoped3A_112 = tpu.sem_alloc : memref<!tpu.dma_semaphore, #tpu.memory_space<semaphore_mem>>
      %dma_start3A = arith.constant 0 : i32
      %dma_start3A_113 = arith.constant 0 : i32
      %dma_start3A_114 = tpu.memref_slice %arg8[%run_scoped3A_16, %dma_start3A, %dma_start3A_113] : memref<2x128x64xf32, #tpu.memory_space<vmem>> -> memref<1x128x64xf32, #tpu.memory_space<vmem>>
      %dma_start3A_115 = tpu.memref_squeeze %dma_start3A_114 : memref<1x128x64xf32, #tpu.memory_space<vmem>> -> memref<128x64xf32, #tpu.memory_space<vmem>>
      %dma_start3A_116 = arith.constant 0 : i32
      %dma_start3A_117 = tpu.memref_slice %arg9[%add3A_15, %dma_start3A_116] : memref<10240x64xf32, #tpu.memory_space<vmem_shared>> -> memref<128x64xf32, #tpu.memory_space<vmem_shared>>
      %dma_start3A_118 = arith.constant 0 : i32
      %dma_start3A_119 = tpu.memref_slice %arg9[%add3A_15, %dma_start3A_118] : memref<10240x64xf32, #tpu.memory_space<vmem_shared>> -> memref<128x64xf32, #tpu.memory_space<vmem_shared>>
      %dma_start3A_120 = arith.constant 0 : i32
      %dma_start3A_121 = arith.constant 0 : i32
      %dma_start3A_122 = tpu.memref_slice %arg8[%run_scoped3A_16, %dma_start3A_120, %dma_start3A_121] : memref<2x128x64xf32, #tpu.memory_space<vmem>> -> memref<1x128x64xf32, #tpu.memory_space<vmem>>
      %dma_start3A_123 = tpu.memref_squeeze %dma_start3A_122 : memref<1x128x64xf32, #tpu.memory_space<vmem>> -> memref<128x64xf32, #tpu.memory_space<vmem>>
      tpu.enqueue_dma source(%dma_start3A_123 : memref<128x64xf32, #tpu.memory_space<vmem>>) target(%dma_start3A_119 : memref<128x64xf32, #tpu.memory_space<vmem_shared>>) target_semaphore(%run_scoped3A_112 : memref<!tpu.dma_semaphore, #tpu.memory_space<semaphore_mem>>)
      %dma_wait3A = arith.constant 0 : i32
      %dma_wait3A_124 = arith.constant 0 : i32
      %dma_wait3A_125 = tpu.memref_slice %arg8[%run_scoped3A_16, %dma_wait3A, %dma_wait3A_124] : memref<2x128x64xf32, #tpu.memory_space<vmem>> -> memref<1x128x64xf32, #tpu.memory_space<vmem>>
      %dma_wait3A_126 = tpu.memref_squeeze %dma_wait3A_125 : memref<1x128x64xf32, #tpu.memory_space<vmem>> -> memref<128x64xf32, #tpu.memory_space<vmem>>
      %dma_wait3A_127 = arith.constant 0 : i32
      %dma_wait3A_128 = tpu.memref_slice %arg9[%add3A_15, %dma_wait3A_127] : memref<10240x64xf32, #tpu.memory_space<vmem_shared>> -> memref<128x64xf32, #tpu.memory_space<vmem_shared>>
      %dma_wait3A_129 = arith.constant 0 : i32
      %dma_wait3A_130 = tpu.memref_slice %arg9[%add3A_15, %dma_wait3A_129] : memref<10240x64xf32, #tpu.memory_space<vmem_shared>> -> memref<128x64xf32, #tpu.memory_space<vmem_shared>>
      %dma_wait3A_131 = arith.constant 0 : i32
      %dma_wait3A_132 = arith.constant 0 : i32
      %dma_wait3A_133 = tpu.memref_slice %arg8[%run_scoped3A_16, %dma_wait3A_131, %dma_wait3A_132] : memref<2x128x64xf32, #tpu.memory_space<vmem>> -> memref<1x128x64xf32, #tpu.memory_space<vmem>>
      %dma_wait3A_134 = tpu.memref_squeeze %dma_wait3A_133 : memref<1x128x64xf32, #tpu.memory_space<vmem>> -> memref<128x64xf32, #tpu.memory_space<vmem>>
      tpu.wait_dma2 semaphore(%run_scoped3A_112 : memref<!tpu.dma_semaphore, #tpu.memory_space<semaphore_mem>>) src(%dma_wait3A_134 : memref<128x64xf32, #tpu.memory_space<vmem>>) dst(%dma_wait3A_130 : memref<128x64xf32, #tpu.memory_space<vmem_shared>>)
      tpu.yield
    }) : () -> ()
    %add3A_17 = arith.constant 512 : i32
    %add3A_18 = arith.addi %mul3A_2, %add3A_17 : i32
    %run_scoped3A_19 = arith.constant 0 : i32
    "tpu.region"() ({
      %run_scoped3A_112 = tpu.sem_alloc : memref<!tpu.dma_semaphore, #tpu.memory_space<semaphore_mem>>
      %dma_start3A = arith.constant 0 : i32
      %dma_start3A_113 = arith.constant 0 : i32
      %dma_start3A_114 = tpu.memref_slice %arg8[%run_scoped3A_19, %dma_start3A, %dma_start3A_113] : memref<2x128x64xf32, #tpu.memory_space<vmem>> -> memref<1x128x64xf32, #tpu.memory_space<vmem>>
      %dma_start3A_115 = tpu.memref_squeeze %dma_start3A_114 : memref<1x128x64xf32, #tpu.memory_space<vmem>> -> memref<128x64xf32, #tpu.memory_space<vmem>>
      %dma_start3A_116 = arith.constant 0 : i32
      %dma_start3A_117 = tpu.memref_slice %arg9[%add3A_18, %dma_start3A_116] : memref<10240x64xf32, #tpu.memory_space<vmem_shared>> -> memref<128x64xf32, #tpu.memory_space<vmem_shared>>
      %dma_start3A_118 = arith.constant 0 : i32
      %dma_start3A_119 = tpu.memref_slice %arg9[%add3A_18, %dma_start3A_118] : memref<10240x64xf32, #tpu.memory_space<vmem_shared>> -> memref<128x64xf32, #tpu.memory_space<vmem_shared>>
      %dma_start3A_120 = arith.constant 0 : i32
      %dma_start3A_121 = arith.constant 0 : i32
      %dma_start3A_122 = tpu.memref_slice %arg8[%run_scoped3A_19, %dma_start3A_120, %dma_start3A_121] : memref<2x128x64xf32, #tpu.memory_space<vmem>> -> memref<1x128x64xf32, #tpu.memory_space<vmem>>
      %dma_start3A_123 = tpu.memref_squeeze %dma_start3A_122 : memref<1x128x64xf32, #tpu.memory_space<vmem>> -> memref<128x64xf32, #tpu.memory_space<vmem>>
      tpu.enqueue_dma source(%dma_start3A_123 : memref<128x64xf32, #tpu.memory_space<vmem>>) target(%dma_start3A_119 : memref<128x64xf32, #tpu.memory_space<vmem_shared>>) target_semaphore(%run_scoped3A_112 : memref<!tpu.dma_semaphore, #tpu.memory_space<semaphore_mem>>)
      %dma_wait3A = arith.constant 0 : i32
      %dma_wait3A_124 = arith.constant 0 : i32
      %dma_wait3A_125 = tpu.memref_slice %arg8[%run_scoped3A_19, %dma_wait3A, %dma_wait3A_124] : memref<2x128x64xf32, #tpu.memory_space<vmem>> -> memref<1x128x64xf32, #tpu.memory_space<vmem>>
      %dma_wait3A_126 = tpu.memref_squeeze %dma_wait3A_125 : memref<1x128x64xf32, #tpu.memory_space<vmem>> -> memref<128x64xf32, #tpu.memory_space<vmem>>
      %dma_wait3A_127 = arith.constant 0 : i32
      %dma_wait3A_128 = tpu.memref_slice %arg9[%add3A_18, %dma_wait3A_127] : memref<10240x64xf32, #tpu.memory_space<vmem_shared>> -> memref<128x64xf32, #tpu.memory_space<vmem_shared>>
      %dma_wait3A_129 = arith.constant 0 : i32
      %dma_wait3A_130 = tpu.memref_slice %arg9[%add3A_18, %dma_wait3A_129] : memref<10240x64xf32, #tpu.memory_space<vmem_shared>> -> memref<128x64xf32, #tpu.memory_space<vmem_shared>>
      %dma_wait3A_131 = arith.constant 0 : i32
      %dma_wait3A_132 = arith.constant 0 : i32
      %dma_wait3A_133 = tpu.memref_slice %arg8[%run_scoped3A_19, %dma_wait3A_131, %dma_wait3A_132] : memref<2x128x64xf32, #tpu.memory_space<vmem>> -> memref<1x128x64xf32, #tpu.memory_space<vmem>>
      %dma_wait3A_134 = tpu.memref_squeeze %dma_wait3A_133 : memref<1x128x64xf32, #tpu.memory_space<vmem>> -> memref<128x64xf32, #tpu.memory_space<vmem>>
      tpu.wait_dma2 semaphore(%run_scoped3A_112 : memref<!tpu.dma_semaphore, #tpu.memory_space<semaphore_mem>>) src(%dma_wait3A_134 : memref<128x64xf32, #tpu.memory_space<vmem>>) dst(%dma_wait3A_130 : memref<128x64xf32, #tpu.memory_space<vmem_shared>>)
      tpu.yield
    }) : () -> ()
    %barrier3A = arith.constant 0 : index
    tpu.barrier barrier_id(%barrier3A)
    %scan3A = arith.constant 0 : i32
    %scan3A_20 = arith.constant 0 : i32
    %scan3A_21 = arith.constant 40 : i32
    %scan3A_22 = arith.addi %scan3A_20, %scan3A_21 : i32
    %scan3A_23 = arith.constant 1 : i32
    scf.for %scan3A_112 = %scan3A_20 to %scan3A_22 step %scan3A_23  : i32 {
      %mul3A_113 = arith.constant 2 : i32
      %mul3A_114 = arith.muli %scan3A_112, %mul3A_113 : i32
      %add3A_115 = arith.constant 0 : i32
      %add3A_116 = arith.addi %mul3A_114, %add3A_115 : i32
      %dma_start3A = arith.constant 0 : i32
      %dma_start3A_117 = arith.constant 0 : i32
      %dma_start3A_118 = arith.constant 0 : i32
      %dma_start3A_119 = tpu.memref_slice %arg8[%dma_start3A, %dma_start3A_117, %dma_start3A_118] : memref<2x128x64xf32, #tpu.memory_space<vmem>> -> memref<1x128x64xf32, #tpu.memory_space<vmem>>
      %dma_start3A_120 = tpu.memref_squeeze %dma_start3A_119 : memref<1x128x64xf32, #tpu.memory_space<vmem>> -> memref<128x64xf32, #tpu.memory_space<vmem>>
      %dma_start3A_121 = arith.constant 0 : i32
      %dma_start3A_122 = tpu.memref_slice %arg6[%add3A_116, %dma_start3A_121] : memref<80x128xi32, #tpu.memory_space<vmem>> -> memref<1x128xi32, #tpu.memory_space<vmem>>
      %dma_start3A_123 = tpu.memref_squeeze %dma_start3A_122 : memref<1x128xi32, #tpu.memory_space<vmem>> -> memref<128xi32, #tpu.memory_space<vmem>>
      %dma_start3A_124 = arith.constant 0 : i32
      %dma_start3A_125 = arith.constant 0 : i32
      %dma_start3A_126 = tpu.memref_slice %arg10[%dma_start3A_124, %dma_start3A_125] : memref<10240x64xf32, #tpu.memory_space<vmem_shared>> -> memref<10240x64xf32, #tpu.memory_space<vmem_shared>>
      tpu.enqueue_indirect_dma source(%dma_start3A_126 : memref<10240x64xf32, #tpu.memory_space<vmem_shared>>) target(%dma_start3A_120 : memref<128x64xf32, #tpu.memory_space<vmem>>) offsets(%dma_start3A_123 : memref<128xi32, #tpu.memory_space<vmem>>) semaphore(%arg11 : memref<!tpu.dma_semaphore, #tpu.memory_space<semaphore_mem>>)
      %add3A_127 = arith.constant 1 : i32
      %add3A_128 = arith.addi %mul3A_114, %add3A_127 : i32
      %dma_start3A_129 = arith.constant 1 : i32
      %dma_start3A_130 = arith.constant 0 : i32
      %dma_start3A_131 = arith.constant 0 : i32
      %dma_start3A_132 = tpu.memref_slice %arg8[%dma_start3A_129, %dma_start3A_130, %dma_start3A_131] : memref<2x128x64xf32, #tpu.memory_space<vmem>> -> memref<1x128x64xf32, #tpu.memory_space<vmem>>
      %dma_start3A_133 = tpu.memref_squeeze %dma_start3A_132 : memref<1x128x64xf32, #tpu.memory_space<vmem>> -> memref<128x64xf32, #tpu.memory_space<vmem>>
      %dma_start3A_134 = arith.constant 0 : i32
      %dma_start3A_135 = tpu.memref_slice %arg6[%add3A_128, %dma_start3A_134] : memref<80x128xi32, #tpu.memory_space<vmem>> -> memref<1x128xi32, #tpu.memory_space<vmem>>
      %dma_start3A_136 = tpu.memref_squeeze %dma_start3A_135 : memref<1x128xi32, #tpu.memory_space<vmem>> -> memref<128xi32, #tpu.memory_space<vmem>>
      %dma_start3A_137 = arith.constant 0 : i32
      %dma_start3A_138 = arith.constant 0 : i32
      %dma_start3A_139 = tpu.memref_slice %arg10[%dma_start3A_137, %dma_start3A_138] : memref<10240x64xf32, #tpu.memory_space<vmem_shared>> -> memref<10240x64xf32, #tpu.memory_space<vmem_shared>>
      tpu.enqueue_indirect_dma source(%dma_start3A_139 : memref<10240x64xf32, #tpu.memory_space<vmem_shared>>) target(%dma_start3A_133 : memref<128x64xf32, #tpu.memory_space<vmem>>) offsets(%dma_start3A_136 : memref<128xi32, #tpu.memory_space<vmem>>) semaphore(%arg12 : memref<!tpu.dma_semaphore, #tpu.memory_space<semaphore_mem>>)
      %dma_wait3A = arith.constant 0 : i32
      %dma_wait3A_140 = arith.constant 0 : i32
      %dma_wait3A_141 = arith.constant 0 : i32
      %dma_wait3A_142 = tpu.memref_slice %arg8[%dma_wait3A, %dma_wait3A_140, %dma_wait3A_141] : memref<2x128x64xf32, #tpu.memory_space<vmem>> -> memref<1x128x64xf32, #tpu.memory_space<vmem>>
      %dma_wait3A_143 = tpu.memref_squeeze %dma_wait3A_142 : memref<1x128x64xf32, #tpu.memory_space<vmem>> -> memref<128x64xf32, #tpu.memory_space<vmem>>
      %dma_wait3A_144 = arith.constant 0 : i32
      %dma_wait3A_145 = tpu.memref_slice %arg6[%add3A_116, %dma_wait3A_144] : memref<80x128xi32, #tpu.memory_space<vmem>> -> memref<1x128xi32, #tpu.memory_space<vmem>>
      %dma_wait3A_146 = tpu.memref_squeeze %dma_wait3A_145 : memref<1x128xi32, #tpu.memory_space<vmem>> -> memref<128xi32, #tpu.memory_space<vmem>>
      %dma_wait3A_147 = arith.constant 0 : i32
      %dma_wait3A_148 = arith.constant 0 : i32
      %dma_wait3A_149 = tpu.memref_slice %arg10[%dma_wait3A_147, %dma_wait3A_148] : memref<10240x64xf32, #tpu.memory_space<vmem_shared>> -> memref<10240x64xf32, #tpu.memory_space<vmem_shared>>
      tpu.wait_indirect_dma semaphore(%arg11 : memref<!tpu.dma_semaphore, #tpu.memory_space<semaphore_mem>>) src(%dma_wait3A_149 : memref<10240x64xf32, #tpu.memory_space<vmem_shared>>) dst(%dma_wait3A_143 : memref<128x64xf32, #tpu.memory_space<vmem>>)
      %add3A_150 = arith.constant 0 : i32
      %add3A_151 = arith.addi %mul3A_114, %add3A_150 : i32
      %dma_start3A_152 = arith.constant 0 : i32
      %dma_start3A_153 = arith.constant 0 : i32
      %dma_start3A_154 = arith.constant 0 : i32
      %dma_start3A_155 = tpu.memref_slice %arg8[%dma_start3A_152, %dma_start3A_153, %dma_start3A_154] : memref<2x128x64xf32, #tpu.memory_space<vmem>> -> memref<1x128x64xf32, #tpu.memory_space<vmem>>
      %dma_start3A_156 = tpu.memref_squeeze %dma_start3A_155 : memref<1x128x64xf32, #tpu.memory_space<vmem>> -> memref<128x64xf32, #tpu.memory_space<vmem>>
      %dma_start3A_157 = arith.constant 0 : i32
      %dma_start3A_158 = tpu.memref_slice %arg7[%add3A_151, %dma_start3A_157] : memref<80x128xi32, #tpu.memory_space<vmem>> -> memref<1x128xi32, #tpu.memory_space<vmem>>
      %dma_start3A_159 = tpu.memref_squeeze %dma_start3A_158 : memref<1x128xi32, #tpu.memory_space<vmem>> -> memref<128xi32, #tpu.memory_space<vmem>>
      %dma_start3A_160 = arith.constant 0 : i32
      %dma_start3A_161 = arith.constant 0 : i32
      %dma_start3A_162 = tpu.memref_slice %arg9[%dma_start3A_160, %dma_start3A_161] : memref<10240x64xf32, #tpu.memory_space<vmem_shared>> -> memref<10240x64xf32, #tpu.memory_space<vmem_shared>>
      tpu.enqueue_indirect_dma source(%dma_start3A_156 : memref<128x64xf32, #tpu.memory_space<vmem>>) target(%dma_start3A_162 : memref<10240x64xf32, #tpu.memory_space<vmem_shared>>) offsets(%dma_start3A_159 : memref<128xi32, #tpu.memory_space<vmem>>) semaphore(%arg13 : memref<!tpu.dma_semaphore, #tpu.memory_space<semaphore_mem>>) {add = true}
      %dma_wait3A_163 = arith.constant 1 : i32
      %dma_wait3A_164 = arith.constant 0 : i32
      %dma_wait3A_165 = arith.constant 0 : i32
      %dma_wait3A_166 = tpu.memref_slice %arg8[%dma_wait3A_163, %dma_wait3A_164, %dma_wait3A_165] : memref<2x128x64xf32, #tpu.memory_space<vmem>> -> memref<1x128x64xf32, #tpu.memory_space<vmem>>
      %dma_wait3A_167 = tpu.memref_squeeze %dma_wait3A_166 : memref<1x128x64xf32, #tpu.memory_space<vmem>> -> memref<128x64xf32, #tpu.memory_space<vmem>>
      %dma_wait3A_168 = arith.constant 0 : i32
      %dma_wait3A_169 = tpu.memref_slice %arg6[%add3A_128, %dma_wait3A_168] : memref<80x128xi32, #tpu.memory_space<vmem>> -> memref<1x128xi32, #tpu.memory_space<vmem>>
      %dma_wait3A_170 = tpu.memref_squeeze %dma_wait3A_169 : memref<1x128xi32, #tpu.memory_space<vmem>> -> memref<128xi32, #tpu.memory_space<vmem>>
      %dma_wait3A_171 = arith.constant 0 : i32
      %dma_wait3A_172 = arith.constant 0 : i32
      %dma_wait3A_173 = tpu.memref_slice %arg10[%dma_wait3A_171, %dma_wait3A_172] : memref<10240x64xf32, #tpu.memory_space<vmem_shared>> -> memref<10240x64xf32, #tpu.memory_space<vmem_shared>>
      tpu.wait_indirect_dma semaphore(%arg12 : memref<!tpu.dma_semaphore, #tpu.memory_space<semaphore_mem>>) src(%dma_wait3A_173 : memref<10240x64xf32, #tpu.memory_space<vmem_shared>>) dst(%dma_wait3A_167 : memref<128x64xf32, #tpu.memory_space<vmem>>)
      %add3A_174 = arith.constant 1 : i32
      %add3A_175 = arith.addi %mul3A_114, %add3A_174 : i32
      %dma_start3A_176 = arith.constant 1 : i32
      %dma_start3A_177 = arith.constant 0 : i32
      %dma_start3A_178 = arith.constant 0 : i32
      %dma_start3A_179 = tpu.memref_slice %arg8[%dma_start3A_176, %dma_start3A_177, %dma_start3A_178] : memref<2x128x64xf32, #tpu.memory_space<vmem>> -> memref<1x128x64xf32, #tpu.memory_space<vmem>>
      %dma_start3A_180 = tpu.memref_squeeze %dma_start3A_179 : memref<1x128x64xf32, #tpu.memory_space<vmem>> -> memref<128x64xf32, #tpu.memory_space<vmem>>
      %dma_start3A_181 = arith.constant 0 : i32
      %dma_start3A_182 = tpu.memref_slice %arg7[%add3A_175, %dma_start3A_181] : memref<80x128xi32, #tpu.memory_space<vmem>> -> memref<1x128xi32, #tpu.memory_space<vmem>>
      %dma_start3A_183 = tpu.memref_squeeze %dma_start3A_182 : memref<1x128xi32, #tpu.memory_space<vmem>> -> memref<128xi32, #tpu.memory_space<vmem>>
      %dma_start3A_184 = arith.constant 0 : i32
      %dma_start3A_185 = arith.constant 0 : i32
      %dma_start3A_186 = tpu.memref_slice %arg9[%dma_start3A_184, %dma_start3A_185] : memref<10240x64xf32, #tpu.memory_space<vmem_shared>> -> memref<10240x64xf32, #tpu.memory_space<vmem_shared>>
      tpu.enqueue_indirect_dma source(%dma_start3A_180 : memref<128x64xf32, #tpu.memory_space<vmem>>) target(%dma_start3A_186 : memref<10240x64xf32, #tpu.memory_space<vmem_shared>>) offsets(%dma_start3A_183 : memref<128xi32, #tpu.memory_space<vmem>>) semaphore(%arg14 : memref<!tpu.dma_semaphore, #tpu.memory_space<semaphore_mem>>) {add = true}
      %dma_wait3A_187 = arith.constant 0 : i32
      %dma_wait3A_188 = arith.constant 0 : i32
      %dma_wait3A_189 = arith.constant 0 : i32
      %dma_wait3A_190 = tpu.memref_slice %arg8[%dma_wait3A_187, %dma_wait3A_188, %dma_wait3A_189] : memref<2x128x64xf32, #tpu.memory_space<vmem>> -> memref<1x128x64xf32, #tpu.memory_space<vmem>>
      %dma_wait3A_191 = tpu.memref_squeeze %dma_wait3A_190 : memref<1x128x64xf32, #tpu.memory_space<vmem>> -> memref<128x64xf32, #tpu.memory_space<vmem>>
      %dma_wait3A_192 = arith.constant 0 : i32
      %dma_wait3A_193 = tpu.memref_slice %arg7[%add3A_151, %dma_wait3A_192] : memref<80x128xi32, #tpu.memory_space<vmem>> -> memref<1x128xi32, #tpu.memory_space<vmem>>
      %dma_wait3A_194 = tpu.memref_squeeze %dma_wait3A_193 : memref<1x128xi32, #tpu.memory_space<vmem>> -> memref<128xi32, #tpu.memory_space<vmem>>
      %dma_wait3A_195 = arith.constant 0 : i32
      %dma_wait3A_196 = arith.constant 0 : i32
      %dma_wait3A_197 = tpu.memref_slice %arg9[%dma_wait3A_195, %dma_wait3A_196] : memref<10240x64xf32, #tpu.memory_space<vmem_shared>> -> memref<10240x64xf32, #tpu.memory_space<vmem_shared>>
      tpu.wait_indirect_dma semaphore(%arg13 : memref<!tpu.dma_semaphore, #tpu.memory_space<semaphore_mem>>) src(%dma_wait3A_191 : memref<128x64xf32, #tpu.memory_space<vmem>>) dst(%dma_wait3A_197 : memref<10240x64xf32, #tpu.memory_space<vmem_shared>>)
      %dma_wait3A_198 = arith.constant 1 : i32
      %dma_wait3A_199 = arith.constant 0 : i32
      %dma_wait3A_200 = arith.constant 0 : i32
      %dma_wait3A_201 = tpu.memref_slice %arg8[%dma_wait3A_198, %dma_wait3A_199, %dma_wait3A_200] : memref<2x128x64xf32, #tpu.memory_space<vmem>> -> memref<1x128x64xf32, #tpu.memory_space<vmem>>
      %dma_wait3A_202 = tpu.memref_squeeze %dma_wait3A_201 : memref<1x128x64xf32, #tpu.memory_space<vmem>> -> memref<128x64xf32, #tpu.memory_space<vmem>>
      %dma_wait3A_203 = arith.constant 0 : i32
      %dma_wait3A_204 = tpu.memref_slice %arg7[%add3A_175, %dma_wait3A_203] : memref<80x128xi32, #tpu.memory_space<vmem>> -> memref<1x128xi32, #tpu.memory_space<vmem>>
      %dma_wait3A_205 = tpu.memref_squeeze %dma_wait3A_204 : memref<1x128xi32, #tpu.memory_space<vmem>> -> memref<128xi32, #tpu.memory_space<vmem>>
      %dma_wait3A_206 = arith.constant 0 : i32
      %dma_wait3A_207 = arith.constant 0 : i32
      %dma_wait3A_208 = tpu.memref_slice %arg9[%dma_wait3A_206, %dma_wait3A_207] : memref<10240x64xf32, #tpu.memory_space<vmem_shared>> -> memref<10240x64xf32, #tpu.memory_space<vmem_shared>>
      tpu.wait_indirect_dma semaphore(%arg14 : memref<!tpu.dma_semaphore, #tpu.memory_space<semaphore_mem>>) src(%dma_wait3A_202 : memref<128x64xf32, #tpu.memory_space<vmem>>) dst(%dma_wait3A_208 : memref<10240x64xf32, #tpu.memory_space<vmem_shared>>)
    }
    %scan3A_24 = arith.constant 40 : i32
    %barrier3A_25 = arith.constant 0 : index
    tpu.barrier barrier_id(%barrier3A_25)
    %add3A_26 = arith.constant 0 : i32
    %add3A_27 = arith.addi %mul3A_2, %add3A_26 : i32
    %run_scoped3A_28 = arith.constant 0 : i32
    "tpu.region"() ({
      %run_scoped3A_112 = tpu.sem_alloc : memref<!tpu.dma_semaphore, #tpu.memory_space<semaphore_mem>>
      %dma_start3A = arith.constant 0 : i32
      %dma_start3A_113 = arith.constant 0 : i32
      %dma_start3A_114 = tpu.memref_slice %arg8[%run_scoped3A_28, %dma_start3A, %dma_start3A_113] : memref<2x128x64xf32, #tpu.memory_space<vmem>> -> memref<1x128x64xf32, #tpu.memory_space<vmem>>
      %dma_start3A_115 = tpu.memref_squeeze %dma_start3A_114 : memref<1x128x64xf32, #tpu.memory_space<vmem>> -> memref<128x64xf32, #tpu.memory_space<vmem>>
      %dma_start3A_116 = arith.constant 0 : i32
      %dma_start3A_117 = tpu.memref_slice %arg9[%add3A_27, %dma_start3A_116] : memref<10240x64xf32, #tpu.memory_space<vmem_shared>> -> memref<128x64xf32, #tpu.memory_space<vmem_shared>>
      %dma_start3A_118 = arith.constant 0 : i32
      %dma_start3A_119 = arith.constant 0 : i32
      %dma_start3A_120 = tpu.memref_slice %arg8[%run_scoped3A_28, %dma_start3A_118, %dma_start3A_119] : memref<2x128x64xf32, #tpu.memory_space<vmem>> -> memref<1x128x64xf32, #tpu.memory_space<vmem>>
      %dma_start3A_121 = tpu.memref_squeeze %dma_start3A_120 : memref<1x128x64xf32, #tpu.memory_space<vmem>> -> memref<128x64xf32, #tpu.memory_space<vmem>>
      %dma_start3A_122 = arith.constant 0 : i32
      %dma_start3A_123 = tpu.memref_slice %arg9[%add3A_27, %dma_start3A_122] : memref<10240x64xf32, #tpu.memory_space<vmem_shared>> -> memref<128x64xf32, #tpu.memory_space<vmem_shared>>
      tpu.enqueue_dma source(%dma_start3A_123 : memref<128x64xf32, #tpu.memory_space<vmem_shared>>) target(%dma_start3A_121 : memref<128x64xf32, #tpu.memory_space<vmem>>) target_semaphore(%run_scoped3A_112 : memref<!tpu.dma_semaphore, #tpu.memory_space<semaphore_mem>>)
      %dma_wait3A = arith.constant 0 : i32
      %dma_wait3A_124 = arith.constant 0 : i32
      %dma_wait3A_125 = tpu.memref_slice %arg8[%run_scoped3A_28, %dma_wait3A, %dma_wait3A_124] : memref<2x128x64xf32, #tpu.memory_space<vmem>> -> memref<1x128x64xf32, #tpu.memory_space<vmem>>
      %dma_wait3A_126 = tpu.memref_squeeze %dma_wait3A_125 : memref<1x128x64xf32, #tpu.memory_space<vmem>> -> memref<128x64xf32, #tpu.memory_space<vmem>>
      %dma_wait3A_127 = arith.constant 0 : i32
      %dma_wait3A_128 = tpu.memref_slice %arg9[%add3A_27, %dma_wait3A_127] : memref<10240x64xf32, #tpu.memory_space<vmem_shared>> -> memref<128x64xf32, #tpu.memory_space<vmem_shared>>
      %dma_wait3A_129 = arith.constant 0 : i32
      %dma_wait3A_130 = arith.constant 0 : i32
      %dma_wait3A_131 = tpu.memref_slice %arg8[%run_scoped3A_28, %dma_wait3A_129, %dma_wait3A_130] : memref<2x128x64xf32, #tpu.memory_space<vmem>> -> memref<1x128x64xf32, #tpu.memory_space<vmem>>
      %dma_wait3A_132 = tpu.memref_squeeze %dma_wait3A_131 : memref<1x128x64xf32, #tpu.memory_space<vmem>> -> memref<128x64xf32, #tpu.memory_space<vmem>>
      %dma_wait3A_133 = arith.constant 0 : i32
      %dma_wait3A_134 = tpu.memref_slice %arg9[%add3A_27, %dma_wait3A_133] : memref<10240x64xf32, #tpu.memory_space<vmem_shared>> -> memref<128x64xf32, #tpu.memory_space<vmem_shared>>
      tpu.wait_dma2 semaphore(%run_scoped3A_112 : memref<!tpu.dma_semaphore, #tpu.memory_space<semaphore_mem>>) src(%dma_wait3A_134 : memref<128x64xf32, #tpu.memory_space<vmem_shared>>) dst(%dma_wait3A_132 : memref<128x64xf32, #tpu.memory_space<vmem>>)
      tpu.yield
    }) : () -> ()
    %add3A_29 = arith.constant 0 : i32
    %add3A_30 = arith.addi %mul3A_2, %add3A_29 : i32
    %run_scoped3A_31 = arith.constant 0 : i32
    "tpu.region"() ({
      %run_scoped3A_112 = tpu.sem_alloc : memref<!tpu.dma_semaphore, #tpu.memory_space<semaphore_mem>>
      %dma_start3A = arith.constant 0 : i32
      %dma_start3A_113 = arith.constant 0 : i32
      %dma_start3A_114 = tpu.memref_slice %arg8[%run_scoped3A_31, %dma_start3A, %dma_start3A_113] : memref<2x128x64xf32, #tpu.memory_space<vmem>> -> memref<1x128x64xf32, #tpu.memory_space<vmem>>
      %dma_start3A_115 = tpu.memref_squeeze %dma_start3A_114 : memref<1x128x64xf32, #tpu.memory_space<vmem>> -> memref<128x64xf32, #tpu.memory_space<vmem>>
      %dma_start3A_116 = arith.constant 0 : i32
      %dma_start3A_117 = tpu.memref_slice %arg5[%arg0, %add3A_30, %dma_start3A_116] : memref<2x10240x128xf32, #tpu.memory_space<hbm>> -> memref<1x128x64xf32, #tpu.memory_space<hbm>>
      %dma_start3A_118 = tpu.memref_squeeze %dma_start3A_117 : memref<1x128x64xf32, #tpu.memory_space<hbm>> -> memref<128x64xf32, #tpu.memory_space<hbm>>
      %dma_start3A_119 = arith.constant 0 : i32
      %dma_start3A_120 = tpu.memref_slice %arg5[%arg0, %add3A_30, %dma_start3A_119] : memref<2x10240x128xf32, #tpu.memory_space<hbm>> -> memref<1x128x64xf32, #tpu.memory_space<hbm>>
      %dma_start3A_121 = tpu.memref_squeeze %dma_start3A_120 : memref<1x128x64xf32, #tpu.memory_space<hbm>> -> memref<128x64xf32, #tpu.memory_space<hbm>>
      %dma_start3A_122 = arith.constant 0 : i32
      %dma_start3A_123 = arith.constant 0 : i32
      %dma_start3A_124 = tpu.memref_slice %arg8[%run_scoped3A_31, %dma_start3A_122, %dma_start3A_123] : memref<2x128x64xf32, #tpu.memory_space<vmem>> -> memref<1x128x64xf32, #tpu.memory_space<vmem>>
      %dma_start3A_125 = tpu.memref_squeeze %dma_start3A_124 : memref<1x128x64xf32, #tpu.memory_space<vmem>> -> memref<128x64xf32, #tpu.memory_space<vmem>>
      tpu.enqueue_dma source(%dma_start3A_125 : memref<128x64xf32, #tpu.memory_space<vmem>>) target(%dma_start3A_121 : memref<128x64xf32, #tpu.memory_space<hbm>>) target_semaphore(%run_scoped3A_112 : memref<!tpu.dma_semaphore, #tpu.memory_space<semaphore_mem>>)
      %dma_wait3A = arith.constant 0 : i32
      %dma_wait3A_126 = arith.constant 0 : i32
      %dma_wait3A_127 = tpu.memref_slice %arg8[%run_scoped3A_31, %dma_wait3A, %dma_wait3A_126] : memref<2x128x64xf32, #tpu.memory_space<vmem>> -> memref<1x128x64xf32, #tpu.memory_space<vmem>>
      %dma_wait3A_128 = tpu.memref_squeeze %dma_wait3A_127 : memref<1x128x64xf32, #tpu.memory_space<vmem>> -> memref<128x64xf32, #tpu.memory_space<vmem>>
      %dma_wait3A_129 = arith.constant 0 : i32
      %dma_wait3A_130 = tpu.memref_slice %arg5[%arg0, %add3A_30, %dma_wait3A_129] : memref<2x10240x128xf32, #tpu.memory_space<hbm>> -> memref<1x128x64xf32, #tpu.memory_space<hbm>>
      %dma_wait3A_131 = tpu.memref_squeeze %dma_wait3A_130 : memref<1x128x64xf32, #tpu.memory_space<hbm>> -> memref<128x64xf32, #tpu.memory_space<hbm>>
      %dma_wait3A_132 = arith.constant 0 : i32
      %dma_wait3A_133 = tpu.memref_slice %arg5[%arg0, %add3A_30, %dma_wait3A_132] : memref<2x10240x128xf32, #tpu.memory_space<hbm>> -> memref<1x128x64xf32, #tpu.memory_space<hbm>>
      %dma_wait3A_134 = tpu.memref_squeeze %dma_wait3A_133 : memref<1x128x64xf32, #tpu.memory_space<hbm>> -> memref<128x64xf32, #tpu.memory_space<hbm>>
      %dma_wait3A_135 = arith.constant 0 : i32
      %dma_wait3A_136 = arith.constant 0 : i32
      %dma_wait3A_137 = tpu.memref_slice %arg8[%run_scoped3A_31, %dma_wait3A_135, %dma_wait3A_136] : memref<2x128x64xf32, #tpu.memory_space<vmem>> -> memref<1x128x64xf32, #tpu.memory_space<vmem>>
      %dma_wait3A_138 = tpu.memref_squeeze %dma_wait3A_137 : memref<1x128x64xf32, #tpu.memory_space<vmem>> -> memref<128x64xf32, #tpu.memory_space<vmem>>
      tpu.wait_dma2 semaphore(%run_scoped3A_112 : memref<!tpu.dma_semaphore, #tpu.memory_space<semaphore_mem>>) src(%dma_wait3A_138 : memref<128x64xf32, #tpu.memory_space<vmem>>) dst(%dma_wait3A_134 : memref<128x64xf32, #tpu.memory_space<hbm>>)
      tpu.yield
    }) : () -> ()
    %add3A_32 = arith.constant 128 : i32
    %add3A_33 = arith.addi %mul3A_2, %add3A_32 : i32
    %run_scoped3A_34 = arith.constant 0 : i32
    "tpu.region"() ({
      %run_scoped3A_112 = tpu.sem_alloc : memref<!tpu.dma_semaphore, #tpu.memory_space<semaphore_mem>>
      %dma_start3A = arith.constant 0 : i32
      %dma_start3A_113 = arith.constant 0 : i32
      %dma_start3A_114 = tpu.memref_slice %arg8[%run_scoped3A_34, %dma_start3A, %dma_start3A_113] : memref<2x128x64xf32, #tpu.memory_space<vmem>> -> memref<1x128x64xf32, #tpu.memory_space<vmem>>
      %dma_start3A_115 = tpu.memref_squeeze %dma_start3A_114 : memref<1x128x64xf32, #tpu.memory_space<vmem>> -> memref<128x64xf32, #tpu.memory_space<vmem>>
      %dma_start3A_116 = arith.constant 0 : i32
      %dma_start3A_117 = tpu.memref_slice %arg9[%add3A_33, %dma_start3A_116] : memref<10240x64xf32, #tpu.memory_space<vmem_shared>> -> memref<128x64xf32, #tpu.memory_space<vmem_shared>>
      %dma_start3A_118 = arith.constant 0 : i32
      %dma_start3A_119 = arith.constant 0 : i32
      %dma_start3A_120 = tpu.memref_slice %arg8[%run_scoped3A_34, %dma_start3A_118, %dma_start3A_119] : memref<2x128x64xf32, #tpu.memory_space<vmem>> -> memref<1x128x64xf32, #tpu.memory_space<vmem>>
      %dma_start3A_121 = tpu.memref_squeeze %dma_start3A_120 : memref<1x128x64xf32, #tpu.memory_space<vmem>> -> memref<128x64xf32, #tpu.memory_space<vmem>>
      %dma_start3A_122 = arith.constant 0 : i32
      %dma_start3A_123 = tpu.memref_slice %arg9[%add3A_33, %dma_start3A_122] : memref<10240x64xf32, #tpu.memory_space<vmem_shared>> -> memref<128x64xf32, #tpu.memory_space<vmem_shared>>
      tpu.enqueue_dma source(%dma_start3A_123 : memref<128x64xf32, #tpu.memory_space<vmem_shared>>) target(%dma_start3A_121 : memref<128x64xf32, #tpu.memory_space<vmem>>) target_semaphore(%run_scoped3A_112 : memref<!tpu.dma_semaphore, #tpu.memory_space<semaphore_mem>>)
      %dma_wait3A = arith.constant 0 : i32
      %dma_wait3A_124 = arith.constant 0 : i32
      %dma_wait3A_125 = tpu.memref_slice %arg8[%run_scoped3A_34, %dma_wait3A, %dma_wait3A_124] : memref<2x128x64xf32, #tpu.memory_space<vmem>> -> memref<1x128x64xf32, #tpu.memory_space<vmem>>
      %dma_wait3A_126 = tpu.memref_squeeze %dma_wait3A_125 : memref<1x128x64xf32, #tpu.memory_space<vmem>> -> memref<128x64xf32, #tpu.memory_space<vmem>>
      %dma_wait3A_127 = arith.constant 0 : i32
      %dma_wait3A_128 = tpu.memref_slice %arg9[%add3A_33, %dma_wait3A_127] : memref<10240x64xf32, #tpu.memory_space<vmem_shared>> -> memref<128x64xf32, #tpu.memory_space<vmem_shared>>
      %dma_wait3A_129 = arith.constant 0 : i32
      %dma_wait3A_130 = arith.constant 0 : i32
      %dma_wait3A_131 = tpu.memref_slice %arg8[%run_scoped3A_34, %dma_wait3A_129, %dma_wait3A_130] : memref<2x128x64xf32, #tpu.memory_space<vmem>> -> memref<1x128x64xf32, #tpu.memory_space<vmem>>
      %dma_wait3A_132 = tpu.memref_squeeze %dma_wait3A_131 : memref<1x128x64xf32, #tpu.memory_space<vmem>> -> memref<128x64xf32, #tpu.memory_space<vmem>>
      %dma_wait3A_133 = arith.constant 0 : i32
      %dma_wait3A_134 = tpu.memref_slice %arg9[%add3A_33, %dma_wait3A_133] : memref<10240x64xf32, #tpu.memory_space<vmem_shared>> -> memref<128x64xf32, #tpu.memory_space<vmem_shared>>
      tpu.wait_dma2 semaphore(%run_scoped3A_112 : memref<!tpu.dma_semaphore, #tpu.memory_space<semaphore_mem>>) src(%dma_wait3A_134 : memref<128x64xf32, #tpu.memory_space<vmem_shared>>) dst(%dma_wait3A_132 : memref<128x64xf32, #tpu.memory_space<vmem>>)
      tpu.yield
    }) : () -> ()
    %add3A_35 = arith.constant 128 : i32
    %add3A_36 = arith.addi %mul3A_2, %add3A_35 : i32
    %run_scoped3A_37 = arith.constant 0 : i32
    "tpu.region"() ({
      %run_scoped3A_112 = tpu.sem_alloc : memref<!tpu.dma_semaphore, #tpu.memory_space<semaphore_mem>>
      %dma_start3A = arith.constant 0 : i32
      %dma_start3A_113 = arith.constant 0 : i32
      %dma_start3A_114 = tpu.memref_slice %arg8[%run_scoped3A_37, %dma_start3A, %dma_start3A_113] : memref<2x128x64xf32, #tpu.memory_space<vmem>> -> memref<1x128x64xf32, #tpu.memory_space<vmem>>
      %dma_start3A_115 = tpu.memref_squeeze %dma_start3A_114 : memref<1x128x64xf32, #tpu.memory_space<vmem>> -> memref<128x64xf32, #tpu.memory_space<vmem>>
      %dma_start3A_116 = arith.constant 0 : i32
      %dma_start3A_117 = tpu.memref_slice %arg5[%arg0, %add3A_36, %dma_start3A_116] : memref<2x10240x128xf32, #tpu.memory_space<hbm>> -> memref<1x128x64xf32, #tpu.memory_space<hbm>>
      %dma_start3A_118 = tpu.memref_squeeze %dma_start3A_117 : memref<1x128x64xf32, #tpu.memory_space<hbm>> -> memref<128x64xf32, #tpu.memory_space<hbm>>
      %dma_start3A_119 = arith.constant 0 : i32
      %dma_start3A_120 = tpu.memref_slice %arg5[%arg0, %add3A_36, %dma_start3A_119] : memref<2x10240x128xf32, #tpu.memory_space<hbm>> -> memref<1x128x64xf32, #tpu.memory_space<hbm>>
      %dma_start3A_121 = tpu.memref_squeeze %dma_start3A_120 : memref<1x128x64xf32, #tpu.memory_space<hbm>> -> memref<128x64xf32, #tpu.memory_space<hbm>>
      %dma_start3A_122 = arith.constant 0 : i32
      %dma_start3A_123 = arith.constant 0 : i32
      %dma_start3A_124 = tpu.memref_slice %arg8[%run_scoped3A_37, %dma_start3A_122, %dma_start3A_123] : memref<2x128x64xf32, #tpu.memory_space<vmem>> -> memref<1x128x64xf32, #tpu.memory_space<vmem>>
      %dma_start3A_125 = tpu.memref_squeeze %dma_start3A_124 : memref<1x128x64xf32, #tpu.memory_space<vmem>> -> memref<128x64xf32, #tpu.memory_space<vmem>>
      tpu.enqueue_dma source(%dma_start3A_125 : memref<128x64xf32, #tpu.memory_space<vmem>>) target(%dma_start3A_121 : memref<128x64xf32, #tpu.memory_space<hbm>>) target_semaphore(%run_scoped3A_112 : memref<!tpu.dma_semaphore, #tpu.memory_space<semaphore_mem>>)
      %dma_wait3A = arith.constant 0 : i32
      %dma_wait3A_126 = arith.constant 0 : i32
      %dma_wait3A_127 = tpu.memref_slice %arg8[%run_scoped3A_37, %dma_wait3A, %dma_wait3A_126] : memref<2x128x64xf32, #tpu.memory_space<vmem>> -> memref<1x128x64xf32, #tpu.memory_space<vmem>>
      %dma_wait3A_128 = tpu.memref_squeeze %dma_wait3A_127 : memref<1x128x64xf32, #tpu.memory_space<vmem>> -> memref<128x64xf32, #tpu.memory_space<vmem>>
      %dma_wait3A_129 = arith.constant 0 : i32
      %dma_wait3A_130 = tpu.memref_slice %arg5[%arg0, %add3A_36, %dma_wait3A_129] : memref<2x10240x128xf32, #tpu.memory_space<hbm>> -> memref<1x128x64xf32, #tpu.memory_space<hbm>>
      %dma_wait3A_131 = tpu.memref_squeeze %dma_wait3A_130 : memref<1x128x64xf32, #tpu.memory_space<hbm>> -> memref<128x64xf32, #tpu.memory_space<hbm>>
      %dma_wait3A_132 = arith.constant 0 : i32
      %dma_wait3A_133 = tpu.memref_slice %arg5[%arg0, %add3A_36, %dma_wait3A_132] : memref<2x10240x128xf32, #tpu.memory_space<hbm>> -> memref<1x128x64xf32, #tpu.memory_space<hbm>>
      %dma_wait3A_134 = tpu.memref_squeeze %dma_wait3A_133 : memref<1x128x64xf32, #tpu.memory_space<hbm>> -> memref<128x64xf32, #tpu.memory_space<hbm>>
      %dma_wait3A_135 = arith.constant 0 : i32
      %dma_wait3A_136 = arith.constant 0 : i32
      %dma_wait3A_137 = tpu.memref_slice %arg8[%run_scoped3A_37, %dma_wait3A_135, %dma_wait3A_136] : memref<2x128x64xf32, #tpu.memory_space<vmem>> -> memref<1x128x64xf32, #tpu.memory_space<vmem>>
      %dma_wait3A_138 = tpu.memref_squeeze %dma_wait3A_137 : memref<1x128x64xf32, #tpu.memory_space<vmem>> -> memref<128x64xf32, #tpu.memory_space<vmem>>
      tpu.wait_dma2 semaphore(%run_scoped3A_112 : memref<!tpu.dma_semaphore, #tpu.memory_space<semaphore_mem>>) src(%dma_wait3A_138 : memref<128x64xf32, #tpu.memory_space<vmem>>) dst(%dma_wait3A_134 : memref<128x64xf32, #tpu.memory_space<hbm>>)
      tpu.yield
    }) : () -> ()
    %add3A_38 = arith.constant 256 : i32
    %add3A_39 = arith.addi %mul3A_2, %add3A_38 : i32
    %run_scoped3A_40 = arith.constant 0 : i32
    "tpu.region"() ({
      %run_scoped3A_112 = tpu.sem_alloc : memref<!tpu.dma_semaphore, #tpu.memory_space<semaphore_mem>>
      %dma_start3A = arith.constant 0 : i32
      %dma_start3A_113 = arith.constant 0 : i32
      %dma_start3A_114 = tpu.memref_slice %arg8[%run_scoped3A_40, %dma_start3A, %dma_start3A_113] : memref<2x128x64xf32, #tpu.memory_space<vmem>> -> memref<1x128x64xf32, #tpu.memory_space<vmem>>
      %dma_start3A_115 = tpu.memref_squeeze %dma_start3A_114 : memref<1x128x64xf32, #tpu.memory_space<vmem>> -> memref<128x64xf32, #tpu.memory_space<vmem>>
      %dma_start3A_116 = arith.constant 0 : i32
      %dma_start3A_117 = tpu.memref_slice %arg9[%add3A_39, %dma_start3A_116] : memref<10240x64xf32, #tpu.memory_space<vmem_shared>> -> memref<128x64xf32, #tpu.memory_space<vmem_shared>>
      %dma_start3A_118 = arith.constant 0 : i32
      %dma_start3A_119 = arith.constant 0 : i32
      %dma_start3A_120 = tpu.memref_slice %arg8[%run_scoped3A_40, %dma_start3A_118, %dma_start3A_119] : memref<2x128x64xf32, #tpu.memory_space<vmem>> -> memref<1x128x64xf32, #tpu.memory_space<vmem>>
      %dma_start3A_121 = tpu.memref_squeeze %dma_start3A_120 : memref<1x128x64xf32, #tpu.memory_space<vmem>> -> memref<128x64xf32, #tpu.memory_space<vmem>>
      %dma_start3A_122 = arith.constant 0 : i32
      %dma_start3A_123 = tpu.memref_slice %arg9[%add3A_39, %dma_start3A_122] : memref<10240x64xf32, #tpu.memory_space<vmem_shared>> -> memref<128x64xf32, #tpu.memory_space<vmem_shared>>
      tpu.enqueue_dma source(%dma_start3A_123 : memref<128x64xf32, #tpu.memory_space<vmem_shared>>) target(%dma_start3A_121 : memref<128x64xf32, #tpu.memory_space<vmem>>) target_semaphore(%run_scoped3A_112 : memref<!tpu.dma_semaphore, #tpu.memory_space<semaphore_mem>>)
      %dma_wait3A = arith.constant 0 : i32
      %dma_wait3A_124 = arith.constant 0 : i32
      %dma_wait3A_125 = tpu.memref_slice %arg8[%run_scoped3A_40, %dma_wait3A, %dma_wait3A_124] : memref<2x128x64xf32, #tpu.memory_space<vmem>> -> memref<1x128x64xf32, #tpu.memory_space<vmem>>
      %dma_wait3A_126 = tpu.memref_squeeze %dma_wait3A_125 : memref<1x128x64xf32, #tpu.memory_space<vmem>> -> memref<128x64xf32, #tpu.memory_space<vmem>>
      %dma_wait3A_127 = arith.constant 0 : i32
      %dma_wait3A_128 = tpu.memref_slice %arg9[%add3A_39, %dma_wait3A_127] : memref<10240x64xf32, #tpu.memory_space<vmem_shared>> -> memref<128x64xf32, #tpu.memory_space<vmem_shared>>
      %dma_wait3A_129 = arith.constant 0 : i32
      %dma_wait3A_130 = arith.constant 0 : i32
      %dma_wait3A_131 = tpu.memref_slice %arg8[%run_scoped3A_40, %dma_wait3A_129, %dma_wait3A_130] : memref<2x128x64xf32, #tpu.memory_space<vmem>> -> memref<1x128x64xf32, #tpu.memory_space<vmem>>
      %dma_wait3A_132 = tpu.memref_squeeze %dma_wait3A_131 : memref<1x128x64xf32, #tpu.memory_space<vmem>> -> memref<128x64xf32, #tpu.memory_space<vmem>>
      %dma_wait3A_133 = arith.constant 0 : i32
      %dma_wait3A_134 = tpu.memref_slice %arg9[%add3A_39, %dma_wait3A_133] : memref<10240x64xf32, #tpu.memory_space<vmem_shared>> -> memref<128x64xf32, #tpu.memory_space<vmem_shared>>
      tpu.wait_dma2 semaphore(%run_scoped3A_112 : memref<!tpu.dma_semaphore, #tpu.memory_space<semaphore_mem>>) src(%dma_wait3A_134 : memref<128x64xf32, #tpu.memory_space<vmem_shared>>) dst(%dma_wait3A_132 : memref<128x64xf32, #tpu.memory_space<vmem>>)
      tpu.yield
    }) : () -> ()
    %add3A_41 = arith.constant 256 : i32
    %add3A_42 = arith.addi %mul3A_2, %add3A_41 : i32
    %run_scoped3A_43 = arith.constant 0 : i32
    "tpu.region"() ({
      %run_scoped3A_112 = tpu.sem_alloc : memref<!tpu.dma_semaphore, #tpu.memory_space<semaphore_mem>>
      %dma_start3A = arith.constant 0 : i32
      %dma_start3A_113 = arith.constant 0 : i32
      %dma_start3A_114 = tpu.memref_slice %arg8[%run_scoped3A_43, %dma_start3A, %dma_start3A_113] : memref<2x128x64xf32, #tpu.memory_space<vmem>> -> memref<1x128x64xf32, #tpu.memory_space<vmem>>
      %dma_start3A_115 = tpu.memref_squeeze %dma_start3A_114 : memref<1x128x64xf32, #tpu.memory_space<vmem>> -> memref<128x64xf32, #tpu.memory_space<vmem>>
      %dma_start3A_116 = arith.constant 0 : i32
      %dma_start3A_117 = tpu.memref_slice %arg5[%arg0, %add3A_42, %dma_start3A_116] : memref<2x10240x128xf32, #tpu.memory_space<hbm>> -> memref<1x128x64xf32, #tpu.memory_space<hbm>>
      %dma_start3A_118 = tpu.memref_squeeze %dma_start3A_117 : memref<1x128x64xf32, #tpu.memory_space<hbm>> -> memref<128x64xf32, #tpu.memory_space<hbm>>
      %dma_start3A_119 = arith.constant 0 : i32
      %dma_start3A_120 = tpu.memref_slice %arg5[%arg0, %add3A_42, %dma_start3A_119] : memref<2x10240x128xf32, #tpu.memory_space<hbm>> -> memref<1x128x64xf32, #tpu.memory_space<hbm>>
      %dma_start3A_121 = tpu.memref_squeeze %dma_start3A_120 : memref<1x128x64xf32, #tpu.memory_space<hbm>> -> memref<128x64xf32, #tpu.memory_space<hbm>>
      %dma_start3A_122 = arith.constant 0 : i32
      %dma_start3A_123 = arith.constant 0 : i32
      %dma_start3A_124 = tpu.memref_slice %arg8[%run_scoped3A_43, %dma_start3A_122, %dma_start3A_123] : memref<2x128x64xf32, #tpu.memory_space<vmem>> -> memref<1x128x64xf32, #tpu.memory_space<vmem>>
      %dma_start3A_125 = tpu.memref_squeeze %dma_start3A_124 : memref<1x128x64xf32, #tpu.memory_space<vmem>> -> memref<128x64xf32, #tpu.memory_space<vmem>>
      tpu.enqueue_dma source(%dma_start3A_125 : memref<128x64xf32, #tpu.memory_space<vmem>>) target(%dma_start3A_121 : memref<128x64xf32, #tpu.memory_space<hbm>>) target_semaphore(%run_scoped3A_112 : memref<!tpu.dma_semaphore, #tpu.memory_space<semaphore_mem>>)
      %dma_wait3A = arith.constant 0 : i32
      %dma_wait3A_126 = arith.constant 0 : i32
      %dma_wait3A_127 = tpu.memref_slice %arg8[%run_scoped3A_43, %dma_wait3A, %dma_wait3A_126] : memref<2x128x64xf32, #tpu.memory_space<vmem>> -> memref<1x128x64xf32, #tpu.memory_space<vmem>>
      %dma_wait3A_128 = tpu.memref_squeeze %dma_wait3A_127 : memref<1x128x64xf32, #tpu.memory_space<vmem>> -> memref<128x64xf32, #tpu.memory_space<vmem>>
      %dma_wait3A_129 = arith.constant 0 : i32
      %dma_wait3A_130 = tpu.memref_slice %arg5[%arg0, %add3A_42, %dma_wait3A_129] : memref<2x10240x128xf32, #tpu.memory_space<hbm>> -> memref<1x128x64xf32, #tpu.memory_space<hbm>>
      %dma_wait3A_131 = tpu.memref_squeeze %dma_wait3A_130 : memref<1x128x64xf32, #tpu.memory_space<hbm>> -> memref<128x64xf32, #tpu.memory_space<hbm>>
      %dma_wait3A_132 = arith.constant 0 : i32
      %dma_wait3A_133 = tpu.memref_slice %arg5[%arg0, %add3A_42, %dma_wait3A_132] : memref<2x10240x128xf32, #tpu.memory_space<hbm>> -> memref<1x128x64xf32, #tpu.memory_space<hbm>>
      %dma_wait3A_134 = tpu.memref_squeeze %dma_wait3A_133 : memref<1x128x64xf32, #tpu.memory_space<hbm>> -> memref<128x64xf32, #tpu.memory_space<hbm>>
      %dma_wait3A_135 = arith.constant 0 : i32
      %dma_wait3A_136 = arith.constant 0 : i32
      %dma_wait3A_137 = tpu.memref_slice %arg8[%run_scoped3A_43, %dma_wait3A_135, %dma_wait3A_136] : memref<2x128x64xf32, #tpu.memory_space<vmem>> -> memref<1x128x64xf32, #tpu.memory_space<vmem>>
      %dma_wait3A_138 = tpu.memref_squeeze %dma_wait3A_137 : memref<1x128x64xf32, #tpu.memory_space<vmem>> -> memref<128x64xf32, #tpu.memory_space<vmem>>
      tpu.wait_dma2 semaphore(%run_scoped3A_112 : memref<!tpu.dma_semaphore, #tpu.memory_space<semaphore_mem>>) src(%dma_wait3A_138 : memref<128x64xf32, #tpu.memory_space<vmem>>) dst(%dma_wait3A_134 : memref<128x64xf32, #tpu.memory_space<hbm>>)
      tpu.yield
    }) : () -> ()
    %add3A_44 = arith.constant 384 : i32
    %add3A_45 = arith.addi %mul3A_2, %add3A_44 : i32
    %run_scoped3A_46 = arith.constant 0 : i32
    "tpu.region"() ({
      %run_scoped3A_112 = tpu.sem_alloc : memref<!tpu.dma_semaphore, #tpu.memory_space<semaphore_mem>>
      %dma_start3A = arith.constant 0 : i32
      %dma_start3A_113 = arith.constant 0 : i32
      %dma_start3A_114 = tpu.memref_slice %arg8[%run_scoped3A_46, %dma_start3A, %dma_start3A_113] : memref<2x128x64xf32, #tpu.memory_space<vmem>> -> memref<1x128x64xf32, #tpu.memory_space<vmem>>
      %dma_start3A_115 = tpu.memref_squeeze %dma_start3A_114 : memref<1x128x64xf32, #tpu.memory_space<vmem>> -> memref<128x64xf32, #tpu.memory_space<vmem>>
      %dma_start3A_116 = arith.constant 0 : i32
      %dma_start3A_117 = tpu.memref_slice %arg9[%add3A_45, %dma_start3A_116] : memref<10240x64xf32, #tpu.memory_space<vmem_shared>> -> memref<128x64xf32, #tpu.memory_space<vmem_shared>>
      %dma_start3A_118 = arith.constant 0 : i32
      %dma_start3A_119 = arith.constant 0 : i32
      %dma_start3A_120 = tpu.memref_slice %arg8[%run_scoped3A_46, %dma_start3A_118, %dma_start3A_119] : memref<2x128x64xf32, #tpu.memory_space<vmem>> -> memref<1x128x64xf32, #tpu.memory_space<vmem>>
      %dma_start3A_121 = tpu.memref_squeeze %dma_start3A_120 : memref<1x128x64xf32, #tpu.memory_space<vmem>> -> memref<128x64xf32, #tpu.memory_space<vmem>>
      %dma_start3A_122 = arith.constant 0 : i32
      %dma_start3A_123 = tpu.memref_slice %arg9[%add3A_45, %dma_start3A_122] : memref<10240x64xf32, #tpu.memory_space<vmem_shared>> -> memref<128x64xf32, #tpu.memory_space<vmem_shared>>
      tpu.enqueue_dma source(%dma_start3A_123 : memref<128x64xf32, #tpu.memory_space<vmem_shared>>) target(%dma_start3A_121 : memref<128x64xf32, #tpu.memory_space<vmem>>) target_semaphore(%run_scoped3A_112 : memref<!tpu.dma_semaphore, #tpu.memory_space<semaphore_mem>>)
      %dma_wait3A = arith.constant 0 : i32
      %dma_wait3A_124 = arith.constant 0 : i32
      %dma_wait3A_125 = tpu.memref_slice %arg8[%run_scoped3A_46, %dma_wait3A, %dma_wait3A_124] : memref<2x128x64xf32, #tpu.memory_space<vmem>> -> memref<1x128x64xf32, #tpu.memory_space<vmem>>
      %dma_wait3A_126 = tpu.memref_squeeze %dma_wait3A_125 : memref<1x128x64xf32, #tpu.memory_space<vmem>> -> memref<128x64xf32, #tpu.memory_space<vmem>>
      %dma_wait3A_127 = arith.constant 0 : i32
      %dma_wait3A_128 = tpu.memref_slice %arg9[%add3A_45, %dma_wait3A_127] : memref<10240x64xf32, #tpu.memory_space<vmem_shared>> -> memref<128x64xf32, #tpu.memory_space<vmem_shared>>
      %dma_wait3A_129 = arith.constant 0 : i32
      %dma_wait3A_130 = arith.constant 0 : i32
      %dma_wait3A_131 = tpu.memref_slice %arg8[%run_scoped3A_46, %dma_wait3A_129, %dma_wait3A_130] : memref<2x128x64xf32, #tpu.memory_space<vmem>> -> memref<1x128x64xf32, #tpu.memory_space<vmem>>
      %dma_wait3A_132 = tpu.memref_squeeze %dma_wait3A_131 : memref<1x128x64xf32, #tpu.memory_space<vmem>> -> memref<128x64xf32, #tpu.memory_space<vmem>>
      %dma_wait3A_133 = arith.constant 0 : i32
      %dma_wait3A_134 = tpu.memref_slice %arg9[%add3A_45, %dma_wait3A_133] : memref<10240x64xf32, #tpu.memory_space<vmem_shared>> -> memref<128x64xf32, #tpu.memory_space<vmem_shared>>
      tpu.wait_dma2 semaphore(%run_scoped3A_112 : memref<!tpu.dma_semaphore, #tpu.memory_space<semaphore_mem>>) src(%dma_wait3A_134 : memref<128x64xf32, #tpu.memory_space<vmem_shared>>) dst(%dma_wait3A_132 : memref<128x64xf32, #tpu.memory_space<vmem>>)
      tpu.yield
    }) : () -> ()
    %add3A_47 = arith.constant 384 : i32
    %add3A_48 = arith.addi %mul3A_2, %add3A_47 : i32
    %run_scoped3A_49 = arith.constant 0 : i32
    "tpu.region"() ({
      %run_scoped3A_112 = tpu.sem_alloc : memref<!tpu.dma_semaphore, #tpu.memory_space<semaphore_mem>>
      %dma_start3A = arith.constant 0 : i32
      %dma_start3A_113 = arith.constant 0 : i32
      %dma_start3A_114 = tpu.memref_slice %arg8[%run_scoped3A_49, %dma_start3A, %dma_start3A_113] : memref<2x128x64xf32, #tpu.memory_space<vmem>> -> memref<1x128x64xf32, #tpu.memory_space<vmem>>
      %dma_start3A_115 = tpu.memref_squeeze %dma_start3A_114 : memref<1x128x64xf32, #tpu.memory_space<vmem>> -> memref<128x64xf32, #tpu.memory_space<vmem>>
      %dma_start3A_116 = arith.constant 0 : i32
      %dma_start3A_117 = tpu.memref_slice %arg5[%arg0, %add3A_48, %dma_start3A_116] : memref<2x10240x128xf32, #tpu.memory_space<hbm>> -> memref<1x128x64xf32, #tpu.memory_space<hbm>>
      %dma_start3A_118 = tpu.memref_squeeze %dma_start3A_117 : memref<1x128x64xf32, #tpu.memory_space<hbm>> -> memref<128x64xf32, #tpu.memory_space<hbm>>
      %dma_start3A_119 = arith.constant 0 : i32
      %dma_start3A_120 = tpu.memref_slice %arg5[%arg0, %add3A_48, %dma_start3A_119] : memref<2x10240x128xf32, #tpu.memory_space<hbm>> -> memref<1x128x64xf32, #tpu.memory_space<hbm>>
      %dma_start3A_121 = tpu.memref_squeeze %dma_start3A_120 : memref<1x128x64xf32, #tpu.memory_space<hbm>> -> memref<128x64xf32, #tpu.memory_space<hbm>>
      %dma_start3A_122 = arith.constant 0 : i32
      %dma_start3A_123 = arith.constant 0 : i32
      %dma_start3A_124 = tpu.memref_slice %arg8[%run_scoped3A_49, %dma_start3A_122, %dma_start3A_123] : memref<2x128x64xf32, #tpu.memory_space<vmem>> -> memref<1x128x64xf32, #tpu.memory_space<vmem>>
      %dma_start3A_125 = tpu.memref_squeeze %dma_start3A_124 : memref<1x128x64xf32, #tpu.memory_space<vmem>> -> memref<128x64xf32, #tpu.memory_space<vmem>>
      tpu.enqueue_dma source(%dma_start3A_125 : memref<128x64xf32, #tpu.memory_space<vmem>>) target(%dma_start3A_121 : memref<128x64xf32, #tpu.memory_space<hbm>>) target_semaphore(%run_scoped3A_112 : memref<!tpu.dma_semaphore, #tpu.memory_space<semaphore_mem>>)
      %dma_wait3A = arith.constant 0 : i32
      %dma_wait3A_126 = arith.constant 0 : i32
      %dma_wait3A_127 = tpu.memref_slice %arg8[%run_scoped3A_49, %dma_wait3A, %dma_wait3A_126] : memref<2x128x64xf32, #tpu.memory_space<vmem>> -> memref<1x128x64xf32, #tpu.memory_space<vmem>>
      %dma_wait3A_128 = tpu.memref_squeeze %dma_wait3A_127 : memref<1x128x64xf32, #tpu.memory_space<vmem>> -> memref<128x64xf32, #tpu.memory_space<vmem>>
      %dma_wait3A_129 = arith.constant 0 : i32
      %dma_wait3A_130 = tpu.memref_slice %arg5[%arg0, %add3A_48, %dma_wait3A_129] : memref<2x10240x128xf32, #tpu.memory_space<hbm>> -> memref<1x128x64xf32, #tpu.memory_space<hbm>>
      %dma_wait3A_131 = tpu.memref_squeeze %dma_wait3A_130 : memref<1x128x64xf32, #tpu.memory_space<hbm>> -> memref<128x64xf32, #tpu.memory_space<hbm>>
      %dma_wait3A_132 = arith.constant 0 : i32
      %dma_wait3A_133 = tpu.memref_slice %arg5[%arg0, %add3A_48, %dma_wait3A_132] : memref<2x10240x128xf32, #tpu.memory_space<hbm>> -> memref<1x128x64xf32, #tpu.memory_space<hbm>>
      %dma_wait3A_134 = tpu.memref_squeeze %dma_wait3A_133 : memref<1x128x64xf32, #tpu.memory_space<hbm>> -> memref<128x64xf32, #tpu.memory_space<hbm>>
      %dma_wait3A_135 = arith.constant 0 : i32
      %dma_wait3A_136 = arith.constant 0 : i32
      %dma_wait3A_137 = tpu.memref_slice %arg8[%run_scoped3A_49, %dma_wait3A_135, %dma_wait3A_136] : memref<2x128x64xf32, #tpu.memory_space<vmem>> -> memref<1x128x64xf32, #tpu.memory_space<vmem>>
      %dma_wait3A_138 = tpu.memref_squeeze %dma_wait3A_137 : memref<1x128x64xf32, #tpu.memory_space<vmem>> -> memref<128x64xf32, #tpu.memory_space<vmem>>
      tpu.wait_dma2 semaphore(%run_scoped3A_112 : memref<!tpu.dma_semaphore, #tpu.memory_space<semaphore_mem>>) src(%dma_wait3A_138 : memref<128x64xf32, #tpu.memory_space<vmem>>) dst(%dma_wait3A_134 : memref<128x64xf32, #tpu.memory_space<hbm>>)
      tpu.yield
    }) : () -> ()
    %add3A_50 = arith.constant 512 : i32
    %add3A_51 = arith.addi %mul3A_2, %add3A_50 : i32
    %run_scoped3A_52 = arith.constant 0 : i32
    "tpu.region"() ({
      %run_scoped3A_112 = tpu.sem_alloc : memref<!tpu.dma_semaphore, #tpu.memory_space<semaphore_mem>>
      %dma_start3A = arith.constant 0 : i32
      %dma_start3A_113 = arith.constant 0 : i32
      %dma_start3A_114 = tpu.memref_slice %arg8[%run_scoped3A_52, %dma_start3A, %dma_start3A_113] : memref<2x128x64xf32, #tpu.memory_space<vmem>> -> memref<1x128x64xf32, #tpu.memory_space<vmem>>
      %dma_start3A_115 = tpu.memref_squeeze %dma_start3A_114 : memref<1x128x64xf32, #tpu.memory_space<vmem>> -> memref<128x64xf32, #tpu.memory_space<vmem>>
      %dma_start3A_116 = arith.constant 0 : i32
      %dma_start3A_117 = tpu.memref_slice %arg9[%add3A_51, %dma_start3A_116] : memref<10240x64xf32, #tpu.memory_space<vmem_shared>> -> memref<128x64xf32, #tpu.memory_space<vmem_shared>>
      %dma_start3A_118 = arith.constant 0 : i32
      %dma_start3A_119 = arith.constant 0 : i32
      %dma_start3A_120 = tpu.memref_slice %arg8[%run_scoped3A_52, %dma_start3A_118, %dma_start3A_119] : memref<2x128x64xf32, #tpu.memory_space<vmem>> -> memref<1x128x64xf32, #tpu.memory_space<vmem>>
      %dma_start3A_121 = tpu.memref_squeeze %dma_start3A_120 : memref<1x128x64xf32, #tpu.memory_space<vmem>> -> memref<128x64xf32, #tpu.memory_space<vmem>>
      %dma_start3A_122 = arith.constant 0 : i32
      %dma_start3A_123 = tpu.memref_slice %arg9[%add3A_51, %dma_start3A_122] : memref<10240x64xf32, #tpu.memory_space<vmem_shared>> -> memref<128x64xf32, #tpu.memory_space<vmem_shared>>
      tpu.enqueue_dma source(%dma_start3A_123 : memref<128x64xf32, #tpu.memory_space<vmem_shared>>) target(%dma_start3A_121 : memref<128x64xf32, #tpu.memory_space<vmem>>) target_semaphore(%run_scoped3A_112 : memref<!tpu.dma_semaphore, #tpu.memory_space<semaphore_mem>>)
      %dma_wait3A = arith.constant 0 : i32
      %dma_wait3A_124 = arith.constant 0 : i32
      %dma_wait3A_125 = tpu.memref_slice %arg8[%run_scoped3A_52, %dma_wait3A, %dma_wait3A_124] : memref<2x128x64xf32, #tpu.memory_space<vmem>> -> memref<1x128x64xf32, #tpu.memory_space<vmem>>
      %dma_wait3A_126 = tpu.memref_squeeze %dma_wait3A_125 : memref<1x128x64xf32, #tpu.memory_space<vmem>> -> memref<128x64xf32, #tpu.memory_space<vmem>>
      %dma_wait3A_127 = arith.constant 0 : i32
      %dma_wait3A_128 = tpu.memref_slice %arg9[%add3A_51, %dma_wait3A_127] : memref<10240x64xf32, #tpu.memory_space<vmem_shared>> -> memref<128x64xf32, #tpu.memory_space<vmem_shared>>
      %dma_wait3A_129 = arith.constant 0 : i32
      %dma_wait3A_130 = arith.constant 0 : i32
      %dma_wait3A_131 = tpu.memref_slice %arg8[%run_scoped3A_52, %dma_wait3A_129, %dma_wait3A_130] : memref<2x128x64xf32, #tpu.memory_space<vmem>> -> memref<1x128x64xf32, #tpu.memory_space<vmem>>
      %dma_wait3A_132 = tpu.memref_squeeze %dma_wait3A_131 : memref<1x128x64xf32, #tpu.memory_space<vmem>> -> memref<128x64xf32, #tpu.memory_space<vmem>>
      %dma_wait3A_133 = arith.constant 0 : i32
      %dma_wait3A_134 = tpu.memref_slice %arg9[%add3A_51, %dma_wait3A_133] : memref<10240x64xf32, #tpu.memory_space<vmem_shared>> -> memref<128x64xf32, #tpu.memory_space<vmem_shared>>
      tpu.wait_dma2 semaphore(%run_scoped3A_112 : memref<!tpu.dma_semaphore, #tpu.memory_space<semaphore_mem>>) src(%dma_wait3A_134 : memref<128x64xf32, #tpu.memory_space<vmem_shared>>) dst(%dma_wait3A_132 : memref<128x64xf32, #tpu.memory_space<vmem>>)
      tpu.yield
    }) : () -> ()
    %add3A_53 = arith.constant 512 : i32
    %add3A_54 = arith.addi %mul3A_2, %add3A_53 : i32
    %run_scoped3A_55 = arith.constant 0 : i32
    "tpu.region"() ({
      %run_scoped3A_112 = tpu.sem_alloc : memref<!tpu.dma_semaphore, #tpu.memory_space<semaphore_mem>>
      %dma_start3A = arith.constant 0 : i32
      %dma_start3A_113 = arith.constant 0 : i32
      %dma_start3A_114 = tpu.memref_slice %arg8[%run_scoped3A_55, %dma_start3A, %dma_start3A_113] : memref<2x128x64xf32, #tpu.memory_space<vmem>> -> memref<1x128x64xf32, #tpu.memory_space<vmem>>
      %dma_start3A_115 = tpu.memref_squeeze %dma_start3A_114 : memref<1x128x64xf32, #tpu.memory_space<vmem>> -> memref<128x64xf32, #tpu.memory_space<vmem>>
      %dma_start3A_116 = arith.constant 0 : i32
      %dma_start3A_117 = tpu.memref_slice %arg5[%arg0, %add3A_54, %dma_start3A_116] : memref<2x10240x128xf32, #tpu.memory_space<hbm>> -> memref<1x128x64xf32, #tpu.memory_space<hbm>>
      %dma_start3A_118 = tpu.memref_squeeze %dma_start3A_117 : memref<1x128x64xf32, #tpu.memory_space<hbm>> -> memref<128x64xf32, #tpu.memory_space<hbm>>
      %dma_start3A_119 = arith.constant 0 : i32
      %dma_start3A_120 = tpu.memref_slice %arg5[%arg0, %add3A_54, %dma_start3A_119] : memref<2x10240x128xf32, #tpu.memory_space<hbm>> -> memref<1x128x64xf32, #tpu.memory_space<hbm>>
      %dma_start3A_121 = tpu.memref_squeeze %dma_start3A_120 : memref<1x128x64xf32, #tpu.memory_space<hbm>> -> memref<128x64xf32, #tpu.memory_space<hbm>>
      %dma_start3A_122 = arith.constant 0 : i32
      %dma_start3A_123 = arith.constant 0 : i32
      %dma_start3A_124 = tpu.memref_slice %arg8[%run_scoped3A_55, %dma_start3A_122, %dma_start3A_123] : memref<2x128x64xf32, #tpu.memory_space<vmem>> -> memref<1x128x64xf32, #tpu.memory_space<vmem>>
      %dma_start3A_125 = tpu.memref_squeeze %dma_start3A_124 : memref<1x128x64xf32, #tpu.memory_space<vmem>> -> memref<128x64xf32, #tpu.memory_space<vmem>>
      tpu.enqueue_dma source(%dma_start3A_125 : memref<128x64xf32, #tpu.memory_space<vmem>>) target(%dma_start3A_121 : memref<128x64xf32, #tpu.memory_space<hbm>>) target_semaphore(%run_scoped3A_112 : memref<!tpu.dma_semaphore, #tpu.memory_space<semaphore_mem>>)
      %dma_wait3A = arith.constant 0 : i32
      %dma_wait3A_126 = arith.constant 0 : i32
      %dma_wait3A_127 = tpu.memref_slice %arg8[%run_scoped3A_55, %dma_wait3A, %dma_wait3A_126] : memref<2x128x64xf32, #tpu.memory_space<vmem>> -> memref<1x128x64xf32, #tpu.memory_space<vmem>>
      %dma_wait3A_128 = tpu.memref_squeeze %dma_wait3A_127 : memref<1x128x64xf32, #tpu.memory_space<vmem>> -> memref<128x64xf32, #tpu.memory_space<vmem>>
      %dma_wait3A_129 = arith.constant 0 : i32
      %dma_wait3A_130 = tpu.memref_slice %arg5[%arg0, %add3A_54, %dma_wait3A_129] : memref<2x10240x128xf32, #tpu.memory_space<hbm>> -> memref<1x128x64xf32, #tpu.memory_space<hbm>>
      %dma_wait3A_131 = tpu.memref_squeeze %dma_wait3A_130 : memref<1x128x64xf32, #tpu.memory_space<hbm>> -> memref<128x64xf32, #tpu.memory_space<hbm>>
      %dma_wait3A_132 = arith.constant 0 : i32
      %dma_wait3A_133 = tpu.memref_slice %arg5[%arg0, %add3A_54, %dma_wait3A_132] : memref<2x10240x128xf32, #tpu.memory_space<hbm>> -> memref<1x128x64xf32, #tpu.memory_space<hbm>>
      %dma_wait3A_134 = tpu.memref_squeeze %dma_wait3A_133 : memref<1x128x64xf32, #tpu.memory_space<hbm>> -> memref<128x64xf32, #tpu.memory_space<hbm>>
      %dma_wait3A_135 = arith.constant 0 : i32
      %dma_wait3A_136 = arith.constant 0 : i32
      %dma_wait3A_137 = tpu.memref_slice %arg8[%run_scoped3A_55, %dma_wait3A_135, %dma_wait3A_136] : memref<2x128x64xf32, #tpu.memory_space<vmem>> -> memref<1x128x64xf32, #tpu.memory_space<vmem>>
      %dma_wait3A_138 = tpu.memref_squeeze %dma_wait3A_137 : memref<1x128x64xf32, #tpu.memory_space<vmem>> -> memref<128x64xf32, #tpu.memory_space<vmem>>
      tpu.wait_dma2 semaphore(%run_scoped3A_112 : memref<!tpu.dma_semaphore, #tpu.memory_space<semaphore_mem>>) src(%dma_wait3A_138 : memref<128x64xf32, #tpu.memory_space<vmem>>) dst(%dma_wait3A_134 : memref<128x64xf32, #tpu.memory_space<hbm>>)
      tpu.yield
    }) : () -> ()
    %barrier3A_56 = arith.constant 0 : index
    tpu.barrier barrier_id(%barrier3A_56)
    "tpu.region"() ({
      %run_scoped3A_112 = tpu.sem_alloc : memref<!tpu.dma_semaphore, #tpu.memory_space<semaphore_mem>>
      %dma_start3A = arith.constant 0 : i32
      %dma_start3A_113 = tpu.memref_slice %arg10[%mul3A_2, %dma_start3A] : memref<10240x64xf32, #tpu.memory_space<vmem_shared>> -> memref<640x64xf32, #tpu.memory_space<vmem_shared>>
      %dma_start3A_114 = arith.constant 64 : i32
      %dma_start3A_115 = tpu.memref_slice %arg2[%mul3A_2, %dma_start3A_114] : memref<10240x128xf32, #tpu.memory_space<hbm>> -> memref<640x64xf32, #tpu.memory_space<hbm>>
      tpu.enqueue_dma source(%dma_start3A_115 : memref<640x64xf32, #tpu.memory_space<hbm>>) target(%dma_start3A_113 : memref<640x64xf32, #tpu.memory_space<vmem_shared>>) target_semaphore(%run_scoped3A_112 : memref<!tpu.dma_semaphore, #tpu.memory_space<semaphore_mem>>)
      %dma_wait3A = arith.constant 0 : i32
      %dma_wait3A_116 = tpu.memref_slice %arg10[%mul3A_2, %dma_wait3A] : memref<10240x64xf32, #tpu.memory_space<vmem_shared>> -> memref<640x64xf32, #tpu.memory_space<vmem_shared>>
      %dma_wait3A_117 = arith.constant 64 : i32
      %dma_wait3A_118 = tpu.memref_slice %arg2[%mul3A_2, %dma_wait3A_117] : memref<10240x128xf32, #tpu.memory_space<hbm>> -> memref<640x64xf32, #tpu.memory_space<hbm>>
      tpu.wait_dma2 semaphore(%run_scoped3A_112 : memref<!tpu.dma_semaphore, #tpu.memory_space<semaphore_mem>>) src(%dma_wait3A_118 : memref<640x64xf32, #tpu.memory_space<hbm>>) dst(%dma_wait3A_116 : memref<640x64xf32, #tpu.memory_space<vmem_shared>>)
      tpu.yield
    }) : () -> ()
    %run_scoped3A_57 = arith.constant 0 : i32
    "tpu.region"() ({
      %run_scoped3A_112 = tpu.sem_alloc : memref<!tpu.dma_semaphore, #tpu.memory_space<semaphore_mem>>
      %dma_start3A = arith.constant 0 : i32
      %dma_start3A_113 = arith.constant 0 : i32
      %dma_start3A_114 = tpu.memref_slice %arg8[%run_scoped3A_57, %dma_start3A, %dma_start3A_113] : memref<2x128x64xf32, #tpu.memory_space<vmem>> -> memref<1x128x64xf32, #tpu.memory_space<vmem>>
      %dma_start3A_115 = tpu.memref_squeeze %dma_start3A_114 : memref<1x128x64xf32, #tpu.memory_space<vmem>> -> memref<128x64xf32, #tpu.memory_space<vmem>>
      %dma_start3A_116 = arith.constant 0 : i32
      %dma_start3A_117 = arith.constant 0 : i32
      %dma_start3A_118 = tpu.memref_slice %arg8[%run_scoped3A_57, %dma_start3A_116, %dma_start3A_117] : memref<2x128x64xf32, #tpu.memory_space<vmem>> -> memref<1x128x64xf32, #tpu.memory_space<vmem>>
      %dma_start3A_119 = tpu.memref_squeeze %dma_start3A_118 : memref<1x128x64xf32, #tpu.memory_space<vmem>> -> memref<128x64xf32, #tpu.memory_space<vmem>>
      tpu.enqueue_dma source(%arg4 : memref<128x64xf32, #tpu.memory_space<hbm>>) target(%dma_start3A_119 : memref<128x64xf32, #tpu.memory_space<vmem>>) target_semaphore(%run_scoped3A_112 : memref<!tpu.dma_semaphore, #tpu.memory_space<semaphore_mem>>)
      %dma_wait3A = arith.constant 0 : i32
      %dma_wait3A_120 = arith.constant 0 : i32
      %dma_wait3A_121 = tpu.memref_slice %arg8[%run_scoped3A_57, %dma_wait3A, %dma_wait3A_120] : memref<2x128x64xf32, #tpu.memory_space<vmem>> -> memref<1x128x64xf32, #tpu.memory_space<vmem>>
      %dma_wait3A_122 = tpu.memref_squeeze %dma_wait3A_121 : memref<1x128x64xf32, #tpu.memory_space<vmem>> -> memref<128x64xf32, #tpu.memory_space<vmem>>
      %dma_wait3A_123 = arith.constant 0 : i32
      %dma_wait3A_124 = arith.constant 0 : i32
      %dma_wait3A_125 = tpu.memref_slice %arg8[%run_scoped3A_57, %dma_wait3A_123, %dma_wait3A_124] : memref<2x128x64xf32, #tpu.memory_space<vmem>> -> memref<1x128x64xf32, #tpu.memory_space<vmem>>
      %dma_wait3A_126 = tpu.memref_squeeze %dma_wait3A_125 : memref<1x128x64xf32, #tpu.memory_space<vmem>> -> memref<128x64xf32, #tpu.memory_space<vmem>>
      tpu.wait_dma2 semaphore(%run_scoped3A_112 : memref<!tpu.dma_semaphore, #tpu.memory_space<semaphore_mem>>) src(%arg4 : memref<128x64xf32, #tpu.memory_space<hbm>>) dst(%dma_wait3A_126 : memref<128x64xf32, #tpu.memory_space<vmem>>)
      tpu.yield
    }) : () -> ()
    %add3A_58 = arith.constant 0 : i32
    %add3A_59 = arith.addi %mul3A_2, %add3A_58 : i32
    %run_scoped3A_60 = arith.constant 0 : i32
    "tpu.region"() ({
      %run_scoped3A_112 = tpu.sem_alloc : memref<!tpu.dma_semaphore, #tpu.memory_space<semaphore_mem>>
      %dma_start3A = arith.constant 0 : i32
      %dma_start3A_113 = arith.constant 0 : i32
      %dma_start3A_114 = tpu.memref_slice %arg8[%run_scoped3A_60, %dma_start3A, %dma_start3A_113] : memref<2x128x64xf32, #tpu.memory_space<vmem>> -> memref<1x128x64xf32, #tpu.memory_space<vmem>>
      %dma_start3A_115 = tpu.memref_squeeze %dma_start3A_114 : memref<1x128x64xf32, #tpu.memory_space<vmem>> -> memref<128x64xf32, #tpu.memory_space<vmem>>
      %dma_start3A_116 = arith.constant 0 : i32
      %dma_start3A_117 = tpu.memref_slice %arg9[%add3A_59, %dma_start3A_116] : memref<10240x64xf32, #tpu.memory_space<vmem_shared>> -> memref<128x64xf32, #tpu.memory_space<vmem_shared>>
      %dma_start3A_118 = arith.constant 0 : i32
      %dma_start3A_119 = tpu.memref_slice %arg9[%add3A_59, %dma_start3A_118] : memref<10240x64xf32, #tpu.memory_space<vmem_shared>> -> memref<128x64xf32, #tpu.memory_space<vmem_shared>>
      %dma_start3A_120 = arith.constant 0 : i32
      %dma_start3A_121 = arith.constant 0 : i32
      %dma_start3A_122 = tpu.memref_slice %arg8[%run_scoped3A_60, %dma_start3A_120, %dma_start3A_121] : memref<2x128x64xf32, #tpu.memory_space<vmem>> -> memref<1x128x64xf32, #tpu.memory_space<vmem>>
      %dma_start3A_123 = tpu.memref_squeeze %dma_start3A_122 : memref<1x128x64xf32, #tpu.memory_space<vmem>> -> memref<128x64xf32, #tpu.memory_space<vmem>>
      tpu.enqueue_dma source(%dma_start3A_123 : memref<128x64xf32, #tpu.memory_space<vmem>>) target(%dma_start3A_119 : memref<128x64xf32, #tpu.memory_space<vmem_shared>>) target_semaphore(%run_scoped3A_112 : memref<!tpu.dma_semaphore, #tpu.memory_space<semaphore_mem>>)
      %dma_wait3A = arith.constant 0 : i32
      %dma_wait3A_124 = arith.constant 0 : i32
      %dma_wait3A_125 = tpu.memref_slice %arg8[%run_scoped3A_60, %dma_wait3A, %dma_wait3A_124] : memref<2x128x64xf32, #tpu.memory_space<vmem>> -> memref<1x128x64xf32, #tpu.memory_space<vmem>>
      %dma_wait3A_126 = tpu.memref_squeeze %dma_wait3A_125 : memref<1x128x64xf32, #tpu.memory_space<vmem>> -> memref<128x64xf32, #tpu.memory_space<vmem>>
      %dma_wait3A_127 = arith.constant 0 : i32
      %dma_wait3A_128 = tpu.memref_slice %arg9[%add3A_59, %dma_wait3A_127] : memref<10240x64xf32, #tpu.memory_space<vmem_shared>> -> memref<128x64xf32, #tpu.memory_space<vmem_shared>>
      %dma_wait3A_129 = arith.constant 0 : i32
      %dma_wait3A_130 = tpu.memref_slice %arg9[%add3A_59, %dma_wait3A_129] : memref<10240x64xf32, #tpu.memory_space<vmem_shared>> -> memref<128x64xf32, #tpu.memory_space<vmem_shared>>
      %dma_wait3A_131 = arith.constant 0 : i32
      %dma_wait3A_132 = arith.constant 0 : i32
      %dma_wait3A_133 = tpu.memref_slice %arg8[%run_scoped3A_60, %dma_wait3A_131, %dma_wait3A_132] : memref<2x128x64xf32, #tpu.memory_space<vmem>> -> memref<1x128x64xf32, #tpu.memory_space<vmem>>
      %dma_wait3A_134 = tpu.memref_squeeze %dma_wait3A_133 : memref<1x128x64xf32, #tpu.memory_space<vmem>> -> memref<128x64xf32, #tpu.memory_space<vmem>>
      tpu.wait_dma2 semaphore(%run_scoped3A_112 : memref<!tpu.dma_semaphore, #tpu.memory_space<semaphore_mem>>) src(%dma_wait3A_134 : memref<128x64xf32, #tpu.memory_space<vmem>>) dst(%dma_wait3A_130 : memref<128x64xf32, #tpu.memory_space<vmem_shared>>)
      tpu.yield
    }) : () -> ()
    %add3A_61 = arith.constant 128 : i32
    %add3A_62 = arith.addi %mul3A_2, %add3A_61 : i32
    %run_scoped3A_63 = arith.constant 0 : i32
    "tpu.region"() ({
      %run_scoped3A_112 = tpu.sem_alloc : memref<!tpu.dma_semaphore, #tpu.memory_space<semaphore_mem>>
      %dma_start3A = arith.constant 0 : i32
      %dma_start3A_113 = arith.constant 0 : i32
      %dma_start3A_114 = tpu.memref_slice %arg8[%run_scoped3A_63, %dma_start3A, %dma_start3A_113] : memref<2x128x64xf32, #tpu.memory_space<vmem>> -> memref<1x128x64xf32, #tpu.memory_space<vmem>>
      %dma_start3A_115 = tpu.memref_squeeze %dma_start3A_114 : memref<1x128x64xf32, #tpu.memory_space<vmem>> -> memref<128x64xf32, #tpu.memory_space<vmem>>
      %dma_start3A_116 = arith.constant 0 : i32
      %dma_start3A_117 = tpu.memref_slice %arg9[%add3A_62, %dma_start3A_116] : memref<10240x64xf32, #tpu.memory_space<vmem_shared>> -> memref<128x64xf32, #tpu.memory_space<vmem_shared>>
      %dma_start3A_118 = arith.constant 0 : i32
      %dma_start3A_119 = tpu.memref_slice %arg9[%add3A_62, %dma_start3A_118] : memref<10240x64xf32, #tpu.memory_space<vmem_shared>> -> memref<128x64xf32, #tpu.memory_space<vmem_shared>>
      %dma_start3A_120 = arith.constant 0 : i32
      %dma_start3A_121 = arith.constant 0 : i32
      %dma_start3A_122 = tpu.memref_slice %arg8[%run_scoped3A_63, %dma_start3A_120, %dma_start3A_121] : memref<2x128x64xf32, #tpu.memory_space<vmem>> -> memref<1x128x64xf32, #tpu.memory_space<vmem>>
      %dma_start3A_123 = tpu.memref_squeeze %dma_start3A_122 : memref<1x128x64xf32, #tpu.memory_space<vmem>> -> memref<128x64xf32, #tpu.memory_space<vmem>>
      tpu.enqueue_dma source(%dma_start3A_123 : memref<128x64xf32, #tpu.memory_space<vmem>>) target(%dma_start3A_119 : memref<128x64xf32, #tpu.memory_space<vmem_shared>>) target_semaphore(%run_scoped3A_112 : memref<!tpu.dma_semaphore, #tpu.memory_space<semaphore_mem>>)
      %dma_wait3A = arith.constant 0 : i32
      %dma_wait3A_124 = arith.constant 0 : i32
      %dma_wait3A_125 = tpu.memref_slice %arg8[%run_scoped3A_63, %dma_wait3A, %dma_wait3A_124] : memref<2x128x64xf32, #tpu.memory_space<vmem>> -> memref<1x128x64xf32, #tpu.memory_space<vmem>>
      %dma_wait3A_126 = tpu.memref_squeeze %dma_wait3A_125 : memref<1x128x64xf32, #tpu.memory_space<vmem>> -> memref<128x64xf32, #tpu.memory_space<vmem>>
      %dma_wait3A_127 = arith.constant 0 : i32
      %dma_wait3A_128 = tpu.memref_slice %arg9[%add3A_62, %dma_wait3A_127] : memref<10240x64xf32, #tpu.memory_space<vmem_shared>> -> memref<128x64xf32, #tpu.memory_space<vmem_shared>>
      %dma_wait3A_129 = arith.constant 0 : i32
      %dma_wait3A_130 = tpu.memref_slice %arg9[%add3A_62, %dma_wait3A_129] : memref<10240x64xf32, #tpu.memory_space<vmem_shared>> -> memref<128x64xf32, #tpu.memory_space<vmem_shared>>
      %dma_wait3A_131 = arith.constant 0 : i32
      %dma_wait3A_132 = arith.constant 0 : i32
      %dma_wait3A_133 = tpu.memref_slice %arg8[%run_scoped3A_63, %dma_wait3A_131, %dma_wait3A_132] : memref<2x128x64xf32, #tpu.memory_space<vmem>> -> memref<1x128x64xf32, #tpu.memory_space<vmem>>
      %dma_wait3A_134 = tpu.memref_squeeze %dma_wait3A_133 : memref<1x128x64xf32, #tpu.memory_space<vmem>> -> memref<128x64xf32, #tpu.memory_space<vmem>>
      tpu.wait_dma2 semaphore(%run_scoped3A_112 : memref<!tpu.dma_semaphore, #tpu.memory_space<semaphore_mem>>) src(%dma_wait3A_134 : memref<128x64xf32, #tpu.memory_space<vmem>>) dst(%dma_wait3A_130 : memref<128x64xf32, #tpu.memory_space<vmem_shared>>)
      tpu.yield
    }) : () -> ()
    %add3A_64 = arith.constant 256 : i32
    %add3A_65 = arith.addi %mul3A_2, %add3A_64 : i32
    %run_scoped3A_66 = arith.constant 0 : i32
    "tpu.region"() ({
      %run_scoped3A_112 = tpu.sem_alloc : memref<!tpu.dma_semaphore, #tpu.memory_space<semaphore_mem>>
      %dma_start3A = arith.constant 0 : i32
      %dma_start3A_113 = arith.constant 0 : i32
      %dma_start3A_114 = tpu.memref_slice %arg8[%run_scoped3A_66, %dma_start3A, %dma_start3A_113] : memref<2x128x64xf32, #tpu.memory_space<vmem>> -> memref<1x128x64xf32, #tpu.memory_space<vmem>>
      %dma_start3A_115 = tpu.memref_squeeze %dma_start3A_114 : memref<1x128x64xf32, #tpu.memory_space<vmem>> -> memref<128x64xf32, #tpu.memory_space<vmem>>
      %dma_start3A_116 = arith.constant 0 : i32
      %dma_start3A_117 = tpu.memref_slice %arg9[%add3A_65, %dma_start3A_116] : memref<10240x64xf32, #tpu.memory_space<vmem_shared>> -> memref<128x64xf32, #tpu.memory_space<vmem_shared>>
      %dma_start3A_118 = arith.constant 0 : i32
      %dma_start3A_119 = tpu.memref_slice %arg9[%add3A_65, %dma_start3A_118] : memref<10240x64xf32, #tpu.memory_space<vmem_shared>> -> memref<128x64xf32, #tpu.memory_space<vmem_shared>>
      %dma_start3A_120 = arith.constant 0 : i32
      %dma_start3A_121 = arith.constant 0 : i32
      %dma_start3A_122 = tpu.memref_slice %arg8[%run_scoped3A_66, %dma_start3A_120, %dma_start3A_121] : memref<2x128x64xf32, #tpu.memory_space<vmem>> -> memref<1x128x64xf32, #tpu.memory_space<vmem>>
      %dma_start3A_123 = tpu.memref_squeeze %dma_start3A_122 : memref<1x128x64xf32, #tpu.memory_space<vmem>> -> memref<128x64xf32, #tpu.memory_space<vmem>>
      tpu.enqueue_dma source(%dma_start3A_123 : memref<128x64xf32, #tpu.memory_space<vmem>>) target(%dma_start3A_119 : memref<128x64xf32, #tpu.memory_space<vmem_shared>>) target_semaphore(%run_scoped3A_112 : memref<!tpu.dma_semaphore, #tpu.memory_space<semaphore_mem>>)
      %dma_wait3A = arith.constant 0 : i32
      %dma_wait3A_124 = arith.constant 0 : i32
      %dma_wait3A_125 = tpu.memref_slice %arg8[%run_scoped3A_66, %dma_wait3A, %dma_wait3A_124] : memref<2x128x64xf32, #tpu.memory_space<vmem>> -> memref<1x128x64xf32, #tpu.memory_space<vmem>>
      %dma_wait3A_126 = tpu.memref_squeeze %dma_wait3A_125 : memref<1x128x64xf32, #tpu.memory_space<vmem>> -> memref<128x64xf32, #tpu.memory_space<vmem>>
      %dma_wait3A_127 = arith.constant 0 : i32
      %dma_wait3A_128 = tpu.memref_slice %arg9[%add3A_65, %dma_wait3A_127] : memref<10240x64xf32, #tpu.memory_space<vmem_shared>> -> memref<128x64xf32, #tpu.memory_space<vmem_shared>>
      %dma_wait3A_129 = arith.constant 0 : i32
      %dma_wait3A_130 = tpu.memref_slice %arg9[%add3A_65, %dma_wait3A_129] : memref<10240x64xf32, #tpu.memory_space<vmem_shared>> -> memref<128x64xf32, #tpu.memory_space<vmem_shared>>
      %dma_wait3A_131 = arith.constant 0 : i32
      %dma_wait3A_132 = arith.constant 0 : i32
      %dma_wait3A_133 = tpu.memref_slice %arg8[%run_scoped3A_66, %dma_wait3A_131, %dma_wait3A_132] : memref<2x128x64xf32, #tpu.memory_space<vmem>> -> memref<1x128x64xf32, #tpu.memory_space<vmem>>
      %dma_wait3A_134 = tpu.memref_squeeze %dma_wait3A_133 : memref<1x128x64xf32, #tpu.memory_space<vmem>> -> memref<128x64xf32, #tpu.memory_space<vmem>>
      tpu.wait_dma2 semaphore(%run_scoped3A_112 : memref<!tpu.dma_semaphore, #tpu.memory_space<semaphore_mem>>) src(%dma_wait3A_134 : memref<128x64xf32, #tpu.memory_space<vmem>>) dst(%dma_wait3A_130 : memref<128x64xf32, #tpu.memory_space<vmem_shared>>)
      tpu.yield
    }) : () -> ()
    %add3A_67 = arith.constant 384 : i32
    %add3A_68 = arith.addi %mul3A_2, %add3A_67 : i32
    %run_scoped3A_69 = arith.constant 0 : i32
    "tpu.region"() ({
      %run_scoped3A_112 = tpu.sem_alloc : memref<!tpu.dma_semaphore, #tpu.memory_space<semaphore_mem>>
      %dma_start3A = arith.constant 0 : i32
      %dma_start3A_113 = arith.constant 0 : i32
      %dma_start3A_114 = tpu.memref_slice %arg8[%run_scoped3A_69, %dma_start3A, %dma_start3A_113] : memref<2x128x64xf32, #tpu.memory_space<vmem>> -> memref<1x128x64xf32, #tpu.memory_space<vmem>>
      %dma_start3A_115 = tpu.memref_squeeze %dma_start3A_114 : memref<1x128x64xf32, #tpu.memory_space<vmem>> -> memref<128x64xf32, #tpu.memory_space<vmem>>
      %dma_start3A_116 = arith.constant 0 : i32
      %dma_start3A_117 = tpu.memref_slice %arg9[%add3A_68, %dma_start3A_116] : memref<10240x64xf32, #tpu.memory_space<vmem_shared>> -> memref<128x64xf32, #tpu.memory_space<vmem_shared>>
      %dma_start3A_118 = arith.constant 0 : i32
      %dma_start3A_119 = tpu.memref_slice %arg9[%add3A_68, %dma_start3A_118] : memref<10240x64xf32, #tpu.memory_space<vmem_shared>> -> memref<128x64xf32, #tpu.memory_space<vmem_shared>>
      %dma_start3A_120 = arith.constant 0 : i32
      %dma_start3A_121 = arith.constant 0 : i32
      %dma_start3A_122 = tpu.memref_slice %arg8[%run_scoped3A_69, %dma_start3A_120, %dma_start3A_121] : memref<2x128x64xf32, #tpu.memory_space<vmem>> -> memref<1x128x64xf32, #tpu.memory_space<vmem>>
      %dma_start3A_123 = tpu.memref_squeeze %dma_start3A_122 : memref<1x128x64xf32, #tpu.memory_space<vmem>> -> memref<128x64xf32, #tpu.memory_space<vmem>>
      tpu.enqueue_dma source(%dma_start3A_123 : memref<128x64xf32, #tpu.memory_space<vmem>>) target(%dma_start3A_119 : memref<128x64xf32, #tpu.memory_space<vmem_shared>>) target_semaphore(%run_scoped3A_112 : memref<!tpu.dma_semaphore, #tpu.memory_space<semaphore_mem>>)
      %dma_wait3A = arith.constant 0 : i32
      %dma_wait3A_124 = arith.constant 0 : i32
      %dma_wait3A_125 = tpu.memref_slice %arg8[%run_scoped3A_69, %dma_wait3A, %dma_wait3A_124] : memref<2x128x64xf32, #tpu.memory_space<vmem>> -> memref<1x128x64xf32, #tpu.memory_space<vmem>>
      %dma_wait3A_126 = tpu.memref_squeeze %dma_wait3A_125 : memref<1x128x64xf32, #tpu.memory_space<vmem>> -> memref<128x64xf32, #tpu.memory_space<vmem>>
      %dma_wait3A_127 = arith.constant 0 : i32
      %dma_wait3A_128 = tpu.memref_slice %arg9[%add3A_68, %dma_wait3A_127] : memref<10240x64xf32, #tpu.memory_space<vmem_shared>> -> memref<128x64xf32, #tpu.memory_space<vmem_shared>>
      %dma_wait3A_129 = arith.constant 0 : i32
      %dma_wait3A_130 = tpu.memref_slice %arg9[%add3A_68, %dma_wait3A_129] : memref<10240x64xf32, #tpu.memory_space<vmem_shared>> -> memref<128x64xf32, #tpu.memory_space<vmem_shared>>
      %dma_wait3A_131 = arith.constant 0 : i32
      %dma_wait3A_132 = arith.constant 0 : i32
      %dma_wait3A_133 = tpu.memref_slice %arg8[%run_scoped3A_69, %dma_wait3A_131, %dma_wait3A_132] : memref<2x128x64xf32, #tpu.memory_space<vmem>> -> memref<1x128x64xf32, #tpu.memory_space<vmem>>
      %dma_wait3A_134 = tpu.memref_squeeze %dma_wait3A_133 : memref<1x128x64xf32, #tpu.memory_space<vmem>> -> memref<128x64xf32, #tpu.memory_space<vmem>>
      tpu.wait_dma2 semaphore(%run_scoped3A_112 : memref<!tpu.dma_semaphore, #tpu.memory_space<semaphore_mem>>) src(%dma_wait3A_134 : memref<128x64xf32, #tpu.memory_space<vmem>>) dst(%dma_wait3A_130 : memref<128x64xf32, #tpu.memory_space<vmem_shared>>)
      tpu.yield
    }) : () -> ()
    %add3A_70 = arith.constant 512 : i32
    %add3A_71 = arith.addi %mul3A_2, %add3A_70 : i32
    %run_scoped3A_72 = arith.constant 0 : i32
    "tpu.region"() ({
      %run_scoped3A_112 = tpu.sem_alloc : memref<!tpu.dma_semaphore, #tpu.memory_space<semaphore_mem>>
      %dma_start3A = arith.constant 0 : i32
      %dma_start3A_113 = arith.constant 0 : i32
      %dma_start3A_114 = tpu.memref_slice %arg8[%run_scoped3A_72, %dma_start3A, %dma_start3A_113] : memref<2x128x64xf32, #tpu.memory_space<vmem>> -> memref<1x128x64xf32, #tpu.memory_space<vmem>>
      %dma_start3A_115 = tpu.memref_squeeze %dma_start3A_114 : memref<1x128x64xf32, #tpu.memory_space<vmem>> -> memref<128x64xf32, #tpu.memory_space<vmem>>
      %dma_start3A_116 = arith.constant 0 : i32
      %dma_start3A_117 = tpu.memref_slice %arg9[%add3A_71, %dma_start3A_116] : memref<10240x64xf32, #tpu.memory_space<vmem_shared>> -> memref<128x64xf32, #tpu.memory_space<vmem_shared>>
      %dma_start3A_118 = arith.constant 0 : i32
      %dma_start3A_119 = tpu.memref_slice %arg9[%add3A_71, %dma_start3A_118] : memref<10240x64xf32, #tpu.memory_space<vmem_shared>> -> memref<128x64xf32, #tpu.memory_space<vmem_shared>>
      %dma_start3A_120 = arith.constant 0 : i32
      %dma_start3A_121 = arith.constant 0 : i32
      %dma_start3A_122 = tpu.memref_slice %arg8[%run_scoped3A_72, %dma_start3A_120, %dma_start3A_121] : memref<2x128x64xf32, #tpu.memory_space<vmem>> -> memref<1x128x64xf32, #tpu.memory_space<vmem>>
      %dma_start3A_123 = tpu.memref_squeeze %dma_start3A_122 : memref<1x128x64xf32, #tpu.memory_space<vmem>> -> memref<128x64xf32, #tpu.memory_space<vmem>>
      tpu.enqueue_dma source(%dma_start3A_123 : memref<128x64xf32, #tpu.memory_space<vmem>>) target(%dma_start3A_119 : memref<128x64xf32, #tpu.memory_space<vmem_shared>>) target_semaphore(%run_scoped3A_112 : memref<!tpu.dma_semaphore, #tpu.memory_space<semaphore_mem>>)
      %dma_wait3A = arith.constant 0 : i32
      %dma_wait3A_124 = arith.constant 0 : i32
      %dma_wait3A_125 = tpu.memref_slice %arg8[%run_scoped3A_72, %dma_wait3A, %dma_wait3A_124] : memref<2x128x64xf32, #tpu.memory_space<vmem>> -> memref<1x128x64xf32, #tpu.memory_space<vmem>>
      %dma_wait3A_126 = tpu.memref_squeeze %dma_wait3A_125 : memref<1x128x64xf32, #tpu.memory_space<vmem>> -> memref<128x64xf32, #tpu.memory_space<vmem>>
      %dma_wait3A_127 = arith.constant 0 : i32
      %dma_wait3A_128 = tpu.memref_slice %arg9[%add3A_71, %dma_wait3A_127] : memref<10240x64xf32, #tpu.memory_space<vmem_shared>> -> memref<128x64xf32, #tpu.memory_space<vmem_shared>>
      %dma_wait3A_129 = arith.constant 0 : i32
      %dma_wait3A_130 = tpu.memref_slice %arg9[%add3A_71, %dma_wait3A_129] : memref<10240x64xf32, #tpu.memory_space<vmem_shared>> -> memref<128x64xf32, #tpu.memory_space<vmem_shared>>
      %dma_wait3A_131 = arith.constant 0 : i32
      %dma_wait3A_132 = arith.constant 0 : i32
      %dma_wait3A_133 = tpu.memref_slice %arg8[%run_scoped3A_72, %dma_wait3A_131, %dma_wait3A_132] : memref<2x128x64xf32, #tpu.memory_space<vmem>> -> memref<1x128x64xf32, #tpu.memory_space<vmem>>
      %dma_wait3A_134 = tpu.memref_squeeze %dma_wait3A_133 : memref<1x128x64xf32, #tpu.memory_space<vmem>> -> memref<128x64xf32, #tpu.memory_space<vmem>>
      tpu.wait_dma2 semaphore(%run_scoped3A_112 : memref<!tpu.dma_semaphore, #tpu.memory_space<semaphore_mem>>) src(%dma_wait3A_134 : memref<128x64xf32, #tpu.memory_space<vmem>>) dst(%dma_wait3A_130 : memref<128x64xf32, #tpu.memory_space<vmem_shared>>)
      tpu.yield
    }) : () -> ()
    %barrier3A_73 = arith.constant 0 : index
    tpu.barrier barrier_id(%barrier3A_73)
    %scan3A_74 = arith.constant 0 : i32
    %scan3A_75 = arith.constant 0 : i32
    %scan3A_76 = arith.constant 40 : i32
    %scan3A_77 = arith.addi %scan3A_75, %scan3A_76 : i32
    %scan3A_78 = arith.constant 1 : i32
    scf.for %scan3A_112 = %scan3A_75 to %scan3A_77 step %scan3A_78  : i32 {
      %mul3A_113 = arith.constant 2 : i32
      %mul3A_114 = arith.muli %scan3A_112, %mul3A_113 : i32
      %add3A_115 = arith.constant 0 : i32
      %add3A_116 = arith.addi %mul3A_114, %add3A_115 : i32
      %dma_start3A = arith.constant 0 : i32
      %dma_start3A_117 = arith.constant 0 : i32
      %dma_start3A_118 = arith.constant 0 : i32
      %dma_start3A_119 = tpu.memref_slice %arg8[%dma_start3A, %dma_start3A_117, %dma_start3A_118] : memref<2x128x64xf32, #tpu.memory_space<vmem>> -> memref<1x128x64xf32, #tpu.memory_space<vmem>>
      %dma_start3A_120 = tpu.memref_squeeze %dma_start3A_119 : memref<1x128x64xf32, #tpu.memory_space<vmem>> -> memref<128x64xf32, #tpu.memory_space<vmem>>
      %dma_start3A_121 = arith.constant 0 : i32
      %dma_start3A_122 = tpu.memref_slice %arg6[%add3A_116, %dma_start3A_121] : memref<80x128xi32, #tpu.memory_space<vmem>> -> memref<1x128xi32, #tpu.memory_space<vmem>>
      %dma_start3A_123 = tpu.memref_squeeze %dma_start3A_122 : memref<1x128xi32, #tpu.memory_space<vmem>> -> memref<128xi32, #tpu.memory_space<vmem>>
      %dma_start3A_124 = arith.constant 0 : i32
      %dma_start3A_125 = arith.constant 0 : i32
      %dma_start3A_126 = tpu.memref_slice %arg10[%dma_start3A_124, %dma_start3A_125] : memref<10240x64xf32, #tpu.memory_space<vmem_shared>> -> memref<10240x64xf32, #tpu.memory_space<vmem_shared>>
      tpu.enqueue_indirect_dma source(%dma_start3A_126 : memref<10240x64xf32, #tpu.memory_space<vmem_shared>>) target(%dma_start3A_120 : memref<128x64xf32, #tpu.memory_space<vmem>>) offsets(%dma_start3A_123 : memref<128xi32, #tpu.memory_space<vmem>>) semaphore(%arg11 : memref<!tpu.dma_semaphore, #tpu.memory_space<semaphore_mem>>)
      %add3A_127 = arith.constant 1 : i32
      %add3A_128 = arith.addi %mul3A_114, %add3A_127 : i32
      %dma_start3A_129 = arith.constant 1 : i32
      %dma_start3A_130 = arith.constant 0 : i32
      %dma_start3A_131 = arith.constant 0 : i32
      %dma_start3A_132 = tpu.memref_slice %arg8[%dma_start3A_129, %dma_start3A_130, %dma_start3A_131] : memref<2x128x64xf32, #tpu.memory_space<vmem>> -> memref<1x128x64xf32, #tpu.memory_space<vmem>>
      %dma_start3A_133 = tpu.memref_squeeze %dma_start3A_132 : memref<1x128x64xf32, #tpu.memory_space<vmem>> -> memref<128x64xf32, #tpu.memory_space<vmem>>
      %dma_start3A_134 = arith.constant 0 : i32
      %dma_start3A_135 = tpu.memref_slice %arg6[%add3A_128, %dma_start3A_134] : memref<80x128xi32, #tpu.memory_space<vmem>> -> memref<1x128xi32, #tpu.memory_space<vmem>>
      %dma_start3A_136 = tpu.memref_squeeze %dma_start3A_135 : memref<1x128xi32, #tpu.memory_space<vmem>> -> memref<128xi32, #tpu.memory_space<vmem>>
      %dma_start3A_137 = arith.constant 0 : i32
      %dma_start3A_138 = arith.constant 0 : i32
      %dma_start3A_139 = tpu.memref_slice %arg10[%dma_start3A_137, %dma_start3A_138] : memref<10240x64xf32, #tpu.memory_space<vmem_shared>> -> memref<10240x64xf32, #tpu.memory_space<vmem_shared>>
      tpu.enqueue_indirect_dma source(%dma_start3A_139 : memref<10240x64xf32, #tpu.memory_space<vmem_shared>>) target(%dma_start3A_133 : memref<128x64xf32, #tpu.memory_space<vmem>>) offsets(%dma_start3A_136 : memref<128xi32, #tpu.memory_space<vmem>>) semaphore(%arg12 : memref<!tpu.dma_semaphore, #tpu.memory_space<semaphore_mem>>)
      %dma_wait3A = arith.constant 0 : i32
      %dma_wait3A_140 = arith.constant 0 : i32
      %dma_wait3A_141 = arith.constant 0 : i32
      %dma_wait3A_142 = tpu.memref_slice %arg8[%dma_wait3A, %dma_wait3A_140, %dma_wait3A_141] : memref<2x128x64xf32, #tpu.memory_space<vmem>> -> memref<1x128x64xf32, #tpu.memory_space<vmem>>
      %dma_wait3A_143 = tpu.memref_squeeze %dma_wait3A_142 : memref<1x128x64xf32, #tpu.memory_space<vmem>> -> memref<128x64xf32, #tpu.memory_space<vmem>>
      %dma_wait3A_144 = arith.constant 0 : i32
      %dma_wait3A_145 = tpu.memref_slice %arg6[%add3A_116, %dma_wait3A_144] : memref<80x128xi32, #tpu.memory_space<vmem>> -> memref<1x128xi32, #tpu.memory_space<vmem>>
      %dma_wait3A_146 = tpu.memref_squeeze %dma_wait3A_145 : memref<1x128xi32, #tpu.memory_space<vmem>> -> memref<128xi32, #tpu.memory_space<vmem>>
      %dma_wait3A_147 = arith.constant 0 : i32
      %dma_wait3A_148 = arith.constant 0 : i32
      %dma_wait3A_149 = tpu.memref_slice %arg10[%dma_wait3A_147, %dma_wait3A_148] : memref<10240x64xf32, #tpu.memory_space<vmem_shared>> -> memref<10240x64xf32, #tpu.memory_space<vmem_shared>>
      tpu.wait_indirect_dma semaphore(%arg11 : memref<!tpu.dma_semaphore, #tpu.memory_space<semaphore_mem>>) src(%dma_wait3A_149 : memref<10240x64xf32, #tpu.memory_space<vmem_shared>>) dst(%dma_wait3A_143 : memref<128x64xf32, #tpu.memory_space<vmem>>)
      %add3A_150 = arith.constant 0 : i32
      %add3A_151 = arith.addi %mul3A_114, %add3A_150 : i32
      %dma_start3A_152 = arith.constant 0 : i32
      %dma_start3A_153 = arith.constant 0 : i32
      %dma_start3A_154 = arith.constant 0 : i32
      %dma_start3A_155 = tpu.memref_slice %arg8[%dma_start3A_152, %dma_start3A_153, %dma_start3A_154] : memref<2x128x64xf32, #tpu.memory_space<vmem>> -> memref<1x128x64xf32, #tpu.memory_space<vmem>>
      %dma_start3A_156 = tpu.memref_squeeze %dma_start3A_155 : memref<1x128x64xf32, #tpu.memory_space<vmem>> -> memref<128x64xf32, #tpu.memory_space<vmem>>
      %dma_start3A_157 = arith.constant 0 : i32
      %dma_start3A_158 = tpu.memref_slice %arg7[%add3A_151, %dma_start3A_157] : memref<80x128xi32, #tpu.memory_space<vmem>> -> memref<1x128xi32, #tpu.memory_space<vmem>>
      %dma_start3A_159 = tpu.memref_squeeze %dma_start3A_158 : memref<1x128xi32, #tpu.memory_space<vmem>> -> memref<128xi32, #tpu.memory_space<vmem>>
      %dma_start3A_160 = arith.constant 0 : i32
      %dma_start3A_161 = arith.constant 0 : i32
      %dma_start3A_162 = tpu.memref_slice %arg9[%dma_start3A_160, %dma_start3A_161] : memref<10240x64xf32, #tpu.memory_space<vmem_shared>> -> memref<10240x64xf32, #tpu.memory_space<vmem_shared>>
      tpu.enqueue_indirect_dma source(%dma_start3A_156 : memref<128x64xf32, #tpu.memory_space<vmem>>) target(%dma_start3A_162 : memref<10240x64xf32, #tpu.memory_space<vmem_shared>>) offsets(%dma_start3A_159 : memref<128xi32, #tpu.memory_space<vmem>>) semaphore(%arg13 : memref<!tpu.dma_semaphore, #tpu.memory_space<semaphore_mem>>) {add = true}
      %dma_wait3A_163 = arith.constant 1 : i32
      %dma_wait3A_164 = arith.constant 0 : i32
      %dma_wait3A_165 = arith.constant 0 : i32
      %dma_wait3A_166 = tpu.memref_slice %arg8[%dma_wait3A_163, %dma_wait3A_164, %dma_wait3A_165] : memref<2x128x64xf32, #tpu.memory_space<vmem>> -> memref<1x128x64xf32, #tpu.memory_space<vmem>>
      %dma_wait3A_167 = tpu.memref_squeeze %dma_wait3A_166 : memref<1x128x64xf32, #tpu.memory_space<vmem>> -> memref<128x64xf32, #tpu.memory_space<vmem>>
      %dma_wait3A_168 = arith.constant 0 : i32
      %dma_wait3A_169 = tpu.memref_slice %arg6[%add3A_128, %dma_wait3A_168] : memref<80x128xi32, #tpu.memory_space<vmem>> -> memref<1x128xi32, #tpu.memory_space<vmem>>
      %dma_wait3A_170 = tpu.memref_squeeze %dma_wait3A_169 : memref<1x128xi32, #tpu.memory_space<vmem>> -> memref<128xi32, #tpu.memory_space<vmem>>
      %dma_wait3A_171 = arith.constant 0 : i32
      %dma_wait3A_172 = arith.constant 0 : i32
      %dma_wait3A_173 = tpu.memref_slice %arg10[%dma_wait3A_171, %dma_wait3A_172] : memref<10240x64xf32, #tpu.memory_space<vmem_shared>> -> memref<10240x64xf32, #tpu.memory_space<vmem_shared>>
      tpu.wait_indirect_dma semaphore(%arg12 : memref<!tpu.dma_semaphore, #tpu.memory_space<semaphore_mem>>) src(%dma_wait3A_173 : memref<10240x64xf32, #tpu.memory_space<vmem_shared>>) dst(%dma_wait3A_167 : memref<128x64xf32, #tpu.memory_space<vmem>>)
      %add3A_174 = arith.constant 1 : i32
      %add3A_175 = arith.addi %mul3A_114, %add3A_174 : i32
      %dma_start3A_176 = arith.constant 1 : i32
      %dma_start3A_177 = arith.constant 0 : i32
      %dma_start3A_178 = arith.constant 0 : i32
      %dma_start3A_179 = tpu.memref_slice %arg8[%dma_start3A_176, %dma_start3A_177, %dma_start3A_178] : memref<2x128x64xf32, #tpu.memory_space<vmem>> -> memref<1x128x64xf32, #tpu.memory_space<vmem>>
      %dma_start3A_180 = tpu.memref_squeeze %dma_start3A_179 : memref<1x128x64xf32, #tpu.memory_space<vmem>> -> memref<128x64xf32, #tpu.memory_space<vmem>>
      %dma_start3A_181 = arith.constant 0 : i32
      %dma_start3A_182 = tpu.memref_slice %arg7[%add3A_175, %dma_start3A_181] : memref<80x128xi32, #tpu.memory_space<vmem>> -> memref<1x128xi32, #tpu.memory_space<vmem>>
      %dma_start3A_183 = tpu.memref_squeeze %dma_start3A_182 : memref<1x128xi32, #tpu.memory_space<vmem>> -> memref<128xi32, #tpu.memory_space<vmem>>
      %dma_start3A_184 = arith.constant 0 : i32
      %dma_start3A_185 = arith.constant 0 : i32
      %dma_start3A_186 = tpu.memref_slice %arg9[%dma_start3A_184, %dma_start3A_185] : memref<10240x64xf32, #tpu.memory_space<vmem_shared>> -> memref<10240x64xf32, #tpu.memory_space<vmem_shared>>
      tpu.enqueue_indirect_dma source(%dma_start3A_180 : memref<128x64xf32, #tpu.memory_space<vmem>>) target(%dma_start3A_186 : memref<10240x64xf32, #tpu.memory_space<vmem_shared>>) offsets(%dma_start3A_183 : memref<128xi32, #tpu.memory_space<vmem>>) semaphore(%arg14 : memref<!tpu.dma_semaphore, #tpu.memory_space<semaphore_mem>>) {add = true}
      %dma_wait3A_187 = arith.constant 0 : i32
      %dma_wait3A_188 = arith.constant 0 : i32
      %dma_wait3A_189 = arith.constant 0 : i32
      %dma_wait3A_190 = tpu.memref_slice %arg8[%dma_wait3A_187, %dma_wait3A_188, %dma_wait3A_189] : memref<2x128x64xf32, #tpu.memory_space<vmem>> -> memref<1x128x64xf32, #tpu.memory_space<vmem>>
      %dma_wait3A_191 = tpu.memref_squeeze %dma_wait3A_190 : memref<1x128x64xf32, #tpu.memory_space<vmem>> -> memref<128x64xf32, #tpu.memory_space<vmem>>
      %dma_wait3A_192 = arith.constant 0 : i32
      %dma_wait3A_193 = tpu.memref_slice %arg7[%add3A_151, %dma_wait3A_192] : memref<80x128xi32, #tpu.memory_space<vmem>> -> memref<1x128xi32, #tpu.memory_space<vmem>>
      %dma_wait3A_194 = tpu.memref_squeeze %dma_wait3A_193 : memref<1x128xi32, #tpu.memory_space<vmem>> -> memref<128xi32, #tpu.memory_space<vmem>>
      %dma_wait3A_195 = arith.constant 0 : i32
      %dma_wait3A_196 = arith.constant 0 : i32
      %dma_wait3A_197 = tpu.memref_slice %arg9[%dma_wait3A_195, %dma_wait3A_196] : memref<10240x64xf32, #tpu.memory_space<vmem_shared>> -> memref<10240x64xf32, #tpu.memory_space<vmem_shared>>
      tpu.wait_indirect_dma semaphore(%arg13 : memref<!tpu.dma_semaphore, #tpu.memory_space<semaphore_mem>>) src(%dma_wait3A_191 : memref<128x64xf32, #tpu.memory_space<vmem>>) dst(%dma_wait3A_197 : memref<10240x64xf32, #tpu.memory_space<vmem_shared>>)
      %dma_wait3A_198 = arith.constant 1 : i32
      %dma_wait3A_199 = arith.constant 0 : i32
      %dma_wait3A_200 = arith.constant 0 : i32
      %dma_wait3A_201 = tpu.memref_slice %arg8[%dma_wait3A_198, %dma_wait3A_199, %dma_wait3A_200] : memref<2x128x64xf32, #tpu.memory_space<vmem>> -> memref<1x128x64xf32, #tpu.memory_space<vmem>>
      %dma_wait3A_202 = tpu.memref_squeeze %dma_wait3A_201 : memref<1x128x64xf32, #tpu.memory_space<vmem>> -> memref<128x64xf32, #tpu.memory_space<vmem>>
      %dma_wait3A_203 = arith.constant 0 : i32
      %dma_wait3A_204 = tpu.memref_slice %arg7[%add3A_175, %dma_wait3A_203] : memref<80x128xi32, #tpu.memory_space<vmem>> -> memref<1x128xi32, #tpu.memory_space<vmem>>
      %dma_wait3A_205 = tpu.memref_squeeze %dma_wait3A_204 : memref<1x128xi32, #tpu.memory_space<vmem>> -> memref<128xi32, #tpu.memory_space<vmem>>
      %dma_wait3A_206 = arith.constant 0 : i32
      %dma_wait3A_207 = arith.constant 0 : i32
      %dma_wait3A_208 = tpu.memref_slice %arg9[%dma_wait3A_206, %dma_wait3A_207] : memref<10240x64xf32, #tpu.memory_space<vmem_shared>> -> memref<10240x64xf32, #tpu.memory_space<vmem_shared>>
      tpu.wait_indirect_dma semaphore(%arg14 : memref<!tpu.dma_semaphore, #tpu.memory_space<semaphore_mem>>) src(%dma_wait3A_202 : memref<128x64xf32, #tpu.memory_space<vmem>>) dst(%dma_wait3A_208 : memref<10240x64xf32, #tpu.memory_space<vmem_shared>>)
    }
    %scan3A_79 = arith.constant 40 : i32
    %barrier3A_80 = arith.constant 0 : index
    tpu.barrier barrier_id(%barrier3A_80)
    %add3A_81 = arith.constant 0 : i32
    %add3A_82 = arith.addi %mul3A_2, %add3A_81 : i32
    %run_scoped3A_83 = arith.constant 0 : i32
    "tpu.region"() ({
      %run_scoped3A_112 = tpu.sem_alloc : memref<!tpu.dma_semaphore, #tpu.memory_space<semaphore_mem>>
      %dma_start3A = arith.constant 0 : i32
      %dma_start3A_113 = arith.constant 0 : i32
      %dma_start3A_114 = tpu.memref_slice %arg8[%run_scoped3A_83, %dma_start3A, %dma_start3A_113] : memref<2x128x64xf32, #tpu.memory_space<vmem>> -> memref<1x128x64xf32, #tpu.memory_space<vmem>>
      %dma_start3A_115 = tpu.memref_squeeze %dma_start3A_114 : memref<1x128x64xf32, #tpu.memory_space<vmem>> -> memref<128x64xf32, #tpu.memory_space<vmem>>
      %dma_start3A_116 = arith.constant 0 : i32
      %dma_start3A_117 = tpu.memref_slice %arg9[%add3A_82, %dma_start3A_116] : memref<10240x64xf32, #tpu.memory_space<vmem_shared>> -> memref<128x64xf32, #tpu.memory_space<vmem_shared>>
      %dma_start3A_118 = arith.constant 0 : i32
      %dma_start3A_119 = arith.constant 0 : i32
      %dma_start3A_120 = tpu.memref_slice %arg8[%run_scoped3A_83, %dma_start3A_118, %dma_start3A_119] : memref<2x128x64xf32, #tpu.memory_space<vmem>> -> memref<1x128x64xf32, #tpu.memory_space<vmem>>
      %dma_start3A_121 = tpu.memref_squeeze %dma_start3A_120 : memref<1x128x64xf32, #tpu.memory_space<vmem>> -> memref<128x64xf32, #tpu.memory_space<vmem>>
      %dma_start3A_122 = arith.constant 0 : i32
      %dma_start3A_123 = tpu.memref_slice %arg9[%add3A_82, %dma_start3A_122] : memref<10240x64xf32, #tpu.memory_space<vmem_shared>> -> memref<128x64xf32, #tpu.memory_space<vmem_shared>>
      tpu.enqueue_dma source(%dma_start3A_123 : memref<128x64xf32, #tpu.memory_space<vmem_shared>>) target(%dma_start3A_121 : memref<128x64xf32, #tpu.memory_space<vmem>>) target_semaphore(%run_scoped3A_112 : memref<!tpu.dma_semaphore, #tpu.memory_space<semaphore_mem>>)
      %dma_wait3A = arith.constant 0 : i32
      %dma_wait3A_124 = arith.constant 0 : i32
      %dma_wait3A_125 = tpu.memref_slice %arg8[%run_scoped3A_83, %dma_wait3A, %dma_wait3A_124] : memref<2x128x64xf32, #tpu.memory_space<vmem>> -> memref<1x128x64xf32, #tpu.memory_space<vmem>>
      %dma_wait3A_126 = tpu.memref_squeeze %dma_wait3A_125 : memref<1x128x64xf32, #tpu.memory_space<vmem>> -> memref<128x64xf32, #tpu.memory_space<vmem>>
      %dma_wait3A_127 = arith.constant 0 : i32
      %dma_wait3A_128 = tpu.memref_slice %arg9[%add3A_82, %dma_wait3A_127] : memref<10240x64xf32, #tpu.memory_space<vmem_shared>> -> memref<128x64xf32, #tpu.memory_space<vmem_shared>>
      %dma_wait3A_129 = arith.constant 0 : i32
      %dma_wait3A_130 = arith.constant 0 : i32
      %dma_wait3A_131 = tpu.memref_slice %arg8[%run_scoped3A_83, %dma_wait3A_129, %dma_wait3A_130] : memref<2x128x64xf32, #tpu.memory_space<vmem>> -> memref<1x128x64xf32, #tpu.memory_space<vmem>>
      %dma_wait3A_132 = tpu.memref_squeeze %dma_wait3A_131 : memref<1x128x64xf32, #tpu.memory_space<vmem>> -> memref<128x64xf32, #tpu.memory_space<vmem>>
      %dma_wait3A_133 = arith.constant 0 : i32
      %dma_wait3A_134 = tpu.memref_slice %arg9[%add3A_82, %dma_wait3A_133] : memref<10240x64xf32, #tpu.memory_space<vmem_shared>> -> memref<128x64xf32, #tpu.memory_space<vmem_shared>>
      tpu.wait_dma2 semaphore(%run_scoped3A_112 : memref<!tpu.dma_semaphore, #tpu.memory_space<semaphore_mem>>) src(%dma_wait3A_134 : memref<128x64xf32, #tpu.memory_space<vmem_shared>>) dst(%dma_wait3A_132 : memref<128x64xf32, #tpu.memory_space<vmem>>)
      tpu.yield
    }) : () -> ()
    %add3A_84 = arith.constant 0 : i32
    %add3A_85 = arith.addi %mul3A_2, %add3A_84 : i32
    %run_scoped3A_86 = arith.constant 0 : i32
    "tpu.region"() ({
      %run_scoped3A_112 = tpu.sem_alloc : memref<!tpu.dma_semaphore, #tpu.memory_space<semaphore_mem>>
      %dma_start3A = arith.constant 0 : i32
      %dma_start3A_113 = arith.constant 0 : i32
      %dma_start3A_114 = tpu.memref_slice %arg8[%run_scoped3A_86, %dma_start3A, %dma_start3A_113] : memref<2x128x64xf32, #tpu.memory_space<vmem>> -> memref<1x128x64xf32, #tpu.memory_space<vmem>>
      %dma_start3A_115 = tpu.memref_squeeze %dma_start3A_114 : memref<1x128x64xf32, #tpu.memory_space<vmem>> -> memref<128x64xf32, #tpu.memory_space<vmem>>
      %dma_start3A_116 = arith.constant 64 : i32
      %dma_start3A_117 = tpu.memref_slice %arg5[%arg0, %add3A_85, %dma_start3A_116] : memref<2x10240x128xf32, #tpu.memory_space<hbm>> -> memref<1x128x64xf32, #tpu.memory_space<hbm>>
      %dma_start3A_118 = tpu.memref_squeeze %dma_start3A_117 : memref<1x128x64xf32, #tpu.memory_space<hbm>> -> memref<128x64xf32, #tpu.memory_space<hbm>>
      %dma_start3A_119 = arith.constant 64 : i32
      %dma_start3A_120 = tpu.memref_slice %arg5[%arg0, %add3A_85, %dma_start3A_119] : memref<2x10240x128xf32, #tpu.memory_space<hbm>> -> memref<1x128x64xf32, #tpu.memory_space<hbm>>
      %dma_start3A_121 = tpu.memref_squeeze %dma_start3A_120 : memref<1x128x64xf32, #tpu.memory_space<hbm>> -> memref<128x64xf32, #tpu.memory_space<hbm>>
      %dma_start3A_122 = arith.constant 0 : i32
      %dma_start3A_123 = arith.constant 0 : i32
      %dma_start3A_124 = tpu.memref_slice %arg8[%run_scoped3A_86, %dma_start3A_122, %dma_start3A_123] : memref<2x128x64xf32, #tpu.memory_space<vmem>> -> memref<1x128x64xf32, #tpu.memory_space<vmem>>
      %dma_start3A_125 = tpu.memref_squeeze %dma_start3A_124 : memref<1x128x64xf32, #tpu.memory_space<vmem>> -> memref<128x64xf32, #tpu.memory_space<vmem>>
      tpu.enqueue_dma source(%dma_start3A_125 : memref<128x64xf32, #tpu.memory_space<vmem>>) target(%dma_start3A_121 : memref<128x64xf32, #tpu.memory_space<hbm>>) target_semaphore(%run_scoped3A_112 : memref<!tpu.dma_semaphore, #tpu.memory_space<semaphore_mem>>)
      %dma_wait3A = arith.constant 0 : i32
      %dma_wait3A_126 = arith.constant 0 : i32
      %dma_wait3A_127 = tpu.memref_slice %arg8[%run_scoped3A_86, %dma_wait3A, %dma_wait3A_126] : memref<2x128x64xf32, #tpu.memory_space<vmem>> -> memref<1x128x64xf32, #tpu.memory_space<vmem>>
      %dma_wait3A_128 = tpu.memref_squeeze %dma_wait3A_127 : memref<1x128x64xf32, #tpu.memory_space<vmem>> -> memref<128x64xf32, #tpu.memory_space<vmem>>
      %dma_wait3A_129 = arith.constant 64 : i32
      %dma_wait3A_130 = tpu.memref_slice %arg5[%arg0, %add3A_85, %dma_wait3A_129] : memref<2x10240x128xf32, #tpu.memory_space<hbm>> -> memref<1x128x64xf32, #tpu.memory_space<hbm>>
      %dma_wait3A_131 = tpu.memref_squeeze %dma_wait3A_130 : memref<1x128x64xf32, #tpu.memory_space<hbm>> -> memref<128x64xf32, #tpu.memory_space<hbm>>
      %dma_wait3A_132 = arith.constant 64 : i32
      %dma_wait3A_133 = tpu.memref_slice %arg5[%arg0, %add3A_85, %dma_wait3A_132] : memref<2x10240x128xf32, #tpu.memory_space<hbm>> -> memref<1x128x64xf32, #tpu.memory_space<hbm>>
      %dma_wait3A_134 = tpu.memref_squeeze %dma_wait3A_133 : memref<1x128x64xf32, #tpu.memory_space<hbm>> -> memref<128x64xf32, #tpu.memory_space<hbm>>
      %dma_wait3A_135 = arith.constant 0 : i32
      %dma_wait3A_136 = arith.constant 0 : i32
      %dma_wait3A_137 = tpu.memref_slice %arg8[%run_scoped3A_86, %dma_wait3A_135, %dma_wait3A_136] : memref<2x128x64xf32, #tpu.memory_space<vmem>> -> memref<1x128x64xf32, #tpu.memory_space<vmem>>
      %dma_wait3A_138 = tpu.memref_squeeze %dma_wait3A_137 : memref<1x128x64xf32, #tpu.memory_space<vmem>> -> memref<128x64xf32, #tpu.memory_space<vmem>>
      tpu.wait_dma2 semaphore(%run_scoped3A_112 : memref<!tpu.dma_semaphore, #tpu.memory_space<semaphore_mem>>) src(%dma_wait3A_138 : memref<128x64xf32, #tpu.memory_space<vmem>>) dst(%dma_wait3A_134 : memref<128x64xf32, #tpu.memory_space<hbm>>)
      tpu.yield
    }) : () -> ()
    %add3A_87 = arith.constant 128 : i32
    %add3A_88 = arith.addi %mul3A_2, %add3A_87 : i32
    %run_scoped3A_89 = arith.constant 0 : i32
    "tpu.region"() ({
      %run_scoped3A_112 = tpu.sem_alloc : memref<!tpu.dma_semaphore, #tpu.memory_space<semaphore_mem>>
      %dma_start3A = arith.constant 0 : i32
      %dma_start3A_113 = arith.constant 0 : i32
      %dma_start3A_114 = tpu.memref_slice %arg8[%run_scoped3A_89, %dma_start3A, %dma_start3A_113] : memref<2x128x64xf32, #tpu.memory_space<vmem>> -> memref<1x128x64xf32, #tpu.memory_space<vmem>>
      %dma_start3A_115 = tpu.memref_squeeze %dma_start3A_114 : memref<1x128x64xf32, #tpu.memory_space<vmem>> -> memref<128x64xf32, #tpu.memory_space<vmem>>
      %dma_start3A_116 = arith.constant 0 : i32
      %dma_start3A_117 = tpu.memref_slice %arg9[%add3A_88, %dma_start3A_116] : memref<10240x64xf32, #tpu.memory_space<vmem_shared>> -> memref<128x64xf32, #tpu.memory_space<vmem_shared>>
      %dma_start3A_118 = arith.constant 0 : i32
      %dma_start3A_119 = arith.constant 0 : i32
      %dma_start3A_120 = tpu.memref_slice %arg8[%run_scoped3A_89, %dma_start3A_118, %dma_start3A_119] : memref<2x128x64xf32, #tpu.memory_space<vmem>> -> memref<1x128x64xf32, #tpu.memory_space<vmem>>
      %dma_start3A_121 = tpu.memref_squeeze %dma_start3A_120 : memref<1x128x64xf32, #tpu.memory_space<vmem>> -> memref<128x64xf32, #tpu.memory_space<vmem>>
      %dma_start3A_122 = arith.constant 0 : i32
      %dma_start3A_123 = tpu.memref_slice %arg9[%add3A_88, %dma_start3A_122] : memref<10240x64xf32, #tpu.memory_space<vmem_shared>> -> memref<128x64xf32, #tpu.memory_space<vmem_shared>>
      tpu.enqueue_dma source(%dma_start3A_123 : memref<128x64xf32, #tpu.memory_space<vmem_shared>>) target(%dma_start3A_121 : memref<128x64xf32, #tpu.memory_space<vmem>>) target_semaphore(%run_scoped3A_112 : memref<!tpu.dma_semaphore, #tpu.memory_space<semaphore_mem>>)
      %dma_wait3A = arith.constant 0 : i32
      %dma_wait3A_124 = arith.constant 0 : i32
      %dma_wait3A_125 = tpu.memref_slice %arg8[%run_scoped3A_89, %dma_wait3A, %dma_wait3A_124] : memref<2x128x64xf32, #tpu.memory_space<vmem>> -> memref<1x128x64xf32, #tpu.memory_space<vmem>>
      %dma_wait3A_126 = tpu.memref_squeeze %dma_wait3A_125 : memref<1x128x64xf32, #tpu.memory_space<vmem>> -> memref<128x64xf32, #tpu.memory_space<vmem>>
      %dma_wait3A_127 = arith.constant 0 : i32
      %dma_wait3A_128 = tpu.memref_slice %arg9[%add3A_88, %dma_wait3A_127] : memref<10240x64xf32, #tpu.memory_space<vmem_shared>> -> memref<128x64xf32, #tpu.memory_space<vmem_shared>>
      %dma_wait3A_129 = arith.constant 0 : i32
      %dma_wait3A_130 = arith.constant 0 : i32
      %dma_wait3A_131 = tpu.memref_slice %arg8[%run_scoped3A_89, %dma_wait3A_129, %dma_wait3A_130] : memref<2x128x64xf32, #tpu.memory_space<vmem>> -> memref<1x128x64xf32, #tpu.memory_space<vmem>>
      %dma_wait3A_132 = tpu.memref_squeeze %dma_wait3A_131 : memref<1x128x64xf32, #tpu.memory_space<vmem>> -> memref<128x64xf32, #tpu.memory_space<vmem>>
      %dma_wait3A_133 = arith.constant 0 : i32
      %dma_wait3A_134 = tpu.memref_slice %arg9[%add3A_88, %dma_wait3A_133] : memref<10240x64xf32, #tpu.memory_space<vmem_shared>> -> memref<128x64xf32, #tpu.memory_space<vmem_shared>>
      tpu.wait_dma2 semaphore(%run_scoped3A_112 : memref<!tpu.dma_semaphore, #tpu.memory_space<semaphore_mem>>) src(%dma_wait3A_134 : memref<128x64xf32, #tpu.memory_space<vmem_shared>>) dst(%dma_wait3A_132 : memref<128x64xf32, #tpu.memory_space<vmem>>)
      tpu.yield
    }) : () -> ()
    %add3A_90 = arith.constant 128 : i32
    %add3A_91 = arith.addi %mul3A_2, %add3A_90 : i32
    %run_scoped3A_92 = arith.constant 0 : i32
    "tpu.region"() ({
      %run_scoped3A_112 = tpu.sem_alloc : memref<!tpu.dma_semaphore, #tpu.memory_space<semaphore_mem>>
      %dma_start3A = arith.constant 0 : i32
      %dma_start3A_113 = arith.constant 0 : i32
      %dma_start3A_114 = tpu.memref_slice %arg8[%run_scoped3A_92, %dma_start3A, %dma_start3A_113] : memref<2x128x64xf32, #tpu.memory_space<vmem>> -> memref<1x128x64xf32, #tpu.memory_space<vmem>>
      %dma_start3A_115 = tpu.memref_squeeze %dma_start3A_114 : memref<1x128x64xf32, #tpu.memory_space<vmem>> -> memref<128x64xf32, #tpu.memory_space<vmem>>
      %dma_start3A_116 = arith.constant 64 : i32
      %dma_start3A_117 = tpu.memref_slice %arg5[%arg0, %add3A_91, %dma_start3A_116] : memref<2x10240x128xf32, #tpu.memory_space<hbm>> -> memref<1x128x64xf32, #tpu.memory_space<hbm>>
      %dma_start3A_118 = tpu.memref_squeeze %dma_start3A_117 : memref<1x128x64xf32, #tpu.memory_space<hbm>> -> memref<128x64xf32, #tpu.memory_space<hbm>>
      %dma_start3A_119 = arith.constant 64 : i32
      %dma_start3A_120 = tpu.memref_slice %arg5[%arg0, %add3A_91, %dma_start3A_119] : memref<2x10240x128xf32, #tpu.memory_space<hbm>> -> memref<1x128x64xf32, #tpu.memory_space<hbm>>
      %dma_start3A_121 = tpu.memref_squeeze %dma_start3A_120 : memref<1x128x64xf32, #tpu.memory_space<hbm>> -> memref<128x64xf32, #tpu.memory_space<hbm>>
      %dma_start3A_122 = arith.constant 0 : i32
      %dma_start3A_123 = arith.constant 0 : i32
      %dma_start3A_124 = tpu.memref_slice %arg8[%run_scoped3A_92, %dma_start3A_122, %dma_start3A_123] : memref<2x128x64xf32, #tpu.memory_space<vmem>> -> memref<1x128x64xf32, #tpu.memory_space<vmem>>
      %dma_start3A_125 = tpu.memref_squeeze %dma_start3A_124 : memref<1x128x64xf32, #tpu.memory_space<vmem>> -> memref<128x64xf32, #tpu.memory_space<vmem>>
      tpu.enqueue_dma source(%dma_start3A_125 : memref<128x64xf32, #tpu.memory_space<vmem>>) target(%dma_start3A_121 : memref<128x64xf32, #tpu.memory_space<hbm>>) target_semaphore(%run_scoped3A_112 : memref<!tpu.dma_semaphore, #tpu.memory_space<semaphore_mem>>)
      %dma_wait3A = arith.constant 0 : i32
      %dma_wait3A_126 = arith.constant 0 : i32
      %dma_wait3A_127 = tpu.memref_slice %arg8[%run_scoped3A_92, %dma_wait3A, %dma_wait3A_126] : memref<2x128x64xf32, #tpu.memory_space<vmem>> -> memref<1x128x64xf32, #tpu.memory_space<vmem>>
      %dma_wait3A_128 = tpu.memref_squeeze %dma_wait3A_127 : memref<1x128x64xf32, #tpu.memory_space<vmem>> -> memref<128x64xf32, #tpu.memory_space<vmem>>
      %dma_wait3A_129 = arith.constant 64 : i32
      %dma_wait3A_130 = tpu.memref_slice %arg5[%arg0, %add3A_91, %dma_wait3A_129] : memref<2x10240x128xf32, #tpu.memory_space<hbm>> -> memref<1x128x64xf32, #tpu.memory_space<hbm>>
      %dma_wait3A_131 = tpu.memref_squeeze %dma_wait3A_130 : memref<1x128x64xf32, #tpu.memory_space<hbm>> -> memref<128x64xf32, #tpu.memory_space<hbm>>
      %dma_wait3A_132 = arith.constant 64 : i32
      %dma_wait3A_133 = tpu.memref_slice %arg5[%arg0, %add3A_91, %dma_wait3A_132] : memref<2x10240x128xf32, #tpu.memory_space<hbm>> -> memref<1x128x64xf32, #tpu.memory_space<hbm>>
      %dma_wait3A_134 = tpu.memref_squeeze %dma_wait3A_133 : memref<1x128x64xf32, #tpu.memory_space<hbm>> -> memref<128x64xf32, #tpu.memory_space<hbm>>
      %dma_wait3A_135 = arith.constant 0 : i32
      %dma_wait3A_136 = arith.constant 0 : i32
      %dma_wait3A_137 = tpu.memref_slice %arg8[%run_scoped3A_92, %dma_wait3A_135, %dma_wait3A_136] : memref<2x128x64xf32, #tpu.memory_space<vmem>> -> memref<1x128x64xf32, #tpu.memory_space<vmem>>
      %dma_wait3A_138 = tpu.memref_squeeze %dma_wait3A_137 : memref<1x128x64xf32, #tpu.memory_space<vmem>> -> memref<128x64xf32, #tpu.memory_space<vmem>>
      tpu.wait_dma2 semaphore(%run_scoped3A_112 : memref<!tpu.dma_semaphore, #tpu.memory_space<semaphore_mem>>) src(%dma_wait3A_138 : memref<128x64xf32, #tpu.memory_space<vmem>>) dst(%dma_wait3A_134 : memref<128x64xf32, #tpu.memory_space<hbm>>)
      tpu.yield
    }) : () -> ()
    %add3A_93 = arith.constant 256 : i32
    %add3A_94 = arith.addi %mul3A_2, %add3A_93 : i32
    %run_scoped3A_95 = arith.constant 0 : i32
    "tpu.region"() ({
      %run_scoped3A_112 = tpu.sem_alloc : memref<!tpu.dma_semaphore, #tpu.memory_space<semaphore_mem>>
      %dma_start3A = arith.constant 0 : i32
      %dma_start3A_113 = arith.constant 0 : i32
      %dma_start3A_114 = tpu.memref_slice %arg8[%run_scoped3A_95, %dma_start3A, %dma_start3A_113] : memref<2x128x64xf32, #tpu.memory_space<vmem>> -> memref<1x128x64xf32, #tpu.memory_space<vmem>>
      %dma_start3A_115 = tpu.memref_squeeze %dma_start3A_114 : memref<1x128x64xf32, #tpu.memory_space<vmem>> -> memref<128x64xf32, #tpu.memory_space<vmem>>
      %dma_start3A_116 = arith.constant 0 : i32
      %dma_start3A_117 = tpu.memref_slice %arg9[%add3A_94, %dma_start3A_116] : memref<10240x64xf32, #tpu.memory_space<vmem_shared>> -> memref<128x64xf32, #tpu.memory_space<vmem_shared>>
      %dma_start3A_118 = arith.constant 0 : i32
      %dma_start3A_119 = arith.constant 0 : i32
      %dma_start3A_120 = tpu.memref_slice %arg8[%run_scoped3A_95, %dma_start3A_118, %dma_start3A_119] : memref<2x128x64xf32, #tpu.memory_space<vmem>> -> memref<1x128x64xf32, #tpu.memory_space<vmem>>
      %dma_start3A_121 = tpu.memref_squeeze %dma_start3A_120 : memref<1x128x64xf32, #tpu.memory_space<vmem>> -> memref<128x64xf32, #tpu.memory_space<vmem>>
      %dma_start3A_122 = arith.constant 0 : i32
      %dma_start3A_123 = tpu.memref_slice %arg9[%add3A_94, %dma_start3A_122] : memref<10240x64xf32, #tpu.memory_space<vmem_shared>> -> memref<128x64xf32, #tpu.memory_space<vmem_shared>>
      tpu.enqueue_dma source(%dma_start3A_123 : memref<128x64xf32, #tpu.memory_space<vmem_shared>>) target(%dma_start3A_121 : memref<128x64xf32, #tpu.memory_space<vmem>>) target_semaphore(%run_scoped3A_112 : memref<!tpu.dma_semaphore, #tpu.memory_space<semaphore_mem>>)
      %dma_wait3A = arith.constant 0 : i32
      %dma_wait3A_124 = arith.constant 0 : i32
      %dma_wait3A_125 = tpu.memref_slice %arg8[%run_scoped3A_95, %dma_wait3A, %dma_wait3A_124] : memref<2x128x64xf32, #tpu.memory_space<vmem>> -> memref<1x128x64xf32, #tpu.memory_space<vmem>>
      %dma_wait3A_126 = tpu.memref_squeeze %dma_wait3A_125 : memref<1x128x64xf32, #tpu.memory_space<vmem>> -> memref<128x64xf32, #tpu.memory_space<vmem>>
      %dma_wait3A_127 = arith.constant 0 : i32
      %dma_wait3A_128 = tpu.memref_slice %arg9[%add3A_94, %dma_wait3A_127] : memref<10240x64xf32, #tpu.memory_space<vmem_shared>> -> memref<128x64xf32, #tpu.memory_space<vmem_shared>>
      %dma_wait3A_129 = arith.constant 0 : i32
      %dma_wait3A_130 = arith.constant 0 : i32
      %dma_wait3A_131 = tpu.memref_slice %arg8[%run_scoped3A_95, %dma_wait3A_129, %dma_wait3A_130] : memref<2x128x64xf32, #tpu.memory_space<vmem>> -> memref<1x128x64xf32, #tpu.memory_space<vmem>>
      %dma_wait3A_132 = tpu.memref_squeeze %dma_wait3A_131 : memref<1x128x64xf32, #tpu.memory_space<vmem>> -> memref<128x64xf32, #tpu.memory_space<vmem>>
      %dma_wait3A_133 = arith.constant 0 : i32
      %dma_wait3A_134 = tpu.memref_slice %arg9[%add3A_94, %dma_wait3A_133] : memref<10240x64xf32, #tpu.memory_space<vmem_shared>> -> memref<128x64xf32, #tpu.memory_space<vmem_shared>>
      tpu.wait_dma2 semaphore(%run_scoped3A_112 : memref<!tpu.dma_semaphore, #tpu.memory_space<semaphore_mem>>) src(%dma_wait3A_134 : memref<128x64xf32, #tpu.memory_space<vmem_shared>>) dst(%dma_wait3A_132 : memref<128x64xf32, #tpu.memory_space<vmem>>)
      tpu.yield
    }) : () -> ()
    %add3A_96 = arith.constant 256 : i32
    %add3A_97 = arith.addi %mul3A_2, %add3A_96 : i32
    %run_scoped3A_98 = arith.constant 0 : i32
    "tpu.region"() ({
      %run_scoped3A_112 = tpu.sem_alloc : memref<!tpu.dma_semaphore, #tpu.memory_space<semaphore_mem>>
      %dma_start3A = arith.constant 0 : i32
      %dma_start3A_113 = arith.constant 0 : i32
      %dma_start3A_114 = tpu.memref_slice %arg8[%run_scoped3A_98, %dma_start3A, %dma_start3A_113] : memref<2x128x64xf32, #tpu.memory_space<vmem>> -> memref<1x128x64xf32, #tpu.memory_space<vmem>>
      %dma_start3A_115 = tpu.memref_squeeze %dma_start3A_114 : memref<1x128x64xf32, #tpu.memory_space<vmem>> -> memref<128x64xf32, #tpu.memory_space<vmem>>
      %dma_start3A_116 = arith.constant 64 : i32
      %dma_start3A_117 = tpu.memref_slice %arg5[%arg0, %add3A_97, %dma_start3A_116] : memref<2x10240x128xf32, #tpu.memory_space<hbm>> -> memref<1x128x64xf32, #tpu.memory_space<hbm>>
      %dma_start3A_118 = tpu.memref_squeeze %dma_start3A_117 : memref<1x128x64xf32, #tpu.memory_space<hbm>> -> memref<128x64xf32, #tpu.memory_space<hbm>>
      %dma_start3A_119 = arith.constant 64 : i32
      %dma_start3A_120 = tpu.memref_slice %arg5[%arg0, %add3A_97, %dma_start3A_119] : memref<2x10240x128xf32, #tpu.memory_space<hbm>> -> memref<1x128x64xf32, #tpu.memory_space<hbm>>
      %dma_start3A_121 = tpu.memref_squeeze %dma_start3A_120 : memref<1x128x64xf32, #tpu.memory_space<hbm>> -> memref<128x64xf32, #tpu.memory_space<hbm>>
      %dma_start3A_122 = arith.constant 0 : i32
      %dma_start3A_123 = arith.constant 0 : i32
      %dma_start3A_124 = tpu.memref_slice %arg8[%run_scoped3A_98, %dma_start3A_122, %dma_start3A_123] : memref<2x128x64xf32, #tpu.memory_space<vmem>> -> memref<1x128x64xf32, #tpu.memory_space<vmem>>
      %dma_start3A_125 = tpu.memref_squeeze %dma_start3A_124 : memref<1x128x64xf32, #tpu.memory_space<vmem>> -> memref<128x64xf32, #tpu.memory_space<vmem>>
      tpu.enqueue_dma source(%dma_start3A_125 : memref<128x64xf32, #tpu.memory_space<vmem>>) target(%dma_start3A_121 : memref<128x64xf32, #tpu.memory_space<hbm>>) target_semaphore(%run_scoped3A_112 : memref<!tpu.dma_semaphore, #tpu.memory_space<semaphore_mem>>)
      %dma_wait3A = arith.constant 0 : i32
      %dma_wait3A_126 = arith.constant 0 : i32
      %dma_wait3A_127 = tpu.memref_slice %arg8[%run_scoped3A_98, %dma_wait3A, %dma_wait3A_126] : memref<2x128x64xf32, #tpu.memory_space<vmem>> -> memref<1x128x64xf32, #tpu.memory_space<vmem>>
      %dma_wait3A_128 = tpu.memref_squeeze %dma_wait3A_127 : memref<1x128x64xf32, #tpu.memory_space<vmem>> -> memref<128x64xf32, #tpu.memory_space<vmem>>
      %dma_wait3A_129 = arith.constant 64 : i32
      %dma_wait3A_130 = tpu.memref_slice %arg5[%arg0, %add3A_97, %dma_wait3A_129] : memref<2x10240x128xf32, #tpu.memory_space<hbm>> -> memref<1x128x64xf32, #tpu.memory_space<hbm>>
      %dma_wait3A_131 = tpu.memref_squeeze %dma_wait3A_130 : memref<1x128x64xf32, #tpu.memory_space<hbm>> -> memref<128x64xf32, #tpu.memory_space<hbm>>
      %dma_wait3A_132 = arith.constant 64 : i32
      %dma_wait3A_133 = tpu.memref_slice %arg5[%arg0, %add3A_97, %dma_wait3A_132] : memref<2x10240x128xf32, #tpu.memory_space<hbm>> -> memref<1x128x64xf32, #tpu.memory_space<hbm>>
      %dma_wait3A_134 = tpu.memref_squeeze %dma_wait3A_133 : memref<1x128x64xf32, #tpu.memory_space<hbm>> -> memref<128x64xf32, #tpu.memory_space<hbm>>
      %dma_wait3A_135 = arith.constant 0 : i32
      %dma_wait3A_136 = arith.constant 0 : i32
      %dma_wait3A_137 = tpu.memref_slice %arg8[%run_scoped3A_98, %dma_wait3A_135, %dma_wait3A_136] : memref<2x128x64xf32, #tpu.memory_space<vmem>> -> memref<1x128x64xf32, #tpu.memory_space<vmem>>
      %dma_wait3A_138 = tpu.memref_squeeze %dma_wait3A_137 : memref<1x128x64xf32, #tpu.memory_space<vmem>> -> memref<128x64xf32, #tpu.memory_space<vmem>>
      tpu.wait_dma2 semaphore(%run_scoped3A_112 : memref<!tpu.dma_semaphore, #tpu.memory_space<semaphore_mem>>) src(%dma_wait3A_138 : memref<128x64xf32, #tpu.memory_space<vmem>>) dst(%dma_wait3A_134 : memref<128x64xf32, #tpu.memory_space<hbm>>)
      tpu.yield
    }) : () -> ()
    %add3A_99 = arith.constant 384 : i32
    %add3A_100 = arith.addi %mul3A_2, %add3A_99 : i32
    %run_scoped3A_101 = arith.constant 0 : i32
    "tpu.region"() ({
      %run_scoped3A_112 = tpu.sem_alloc : memref<!tpu.dma_semaphore, #tpu.memory_space<semaphore_mem>>
      %dma_start3A = arith.constant 0 : i32
      %dma_start3A_113 = arith.constant 0 : i32
      %dma_start3A_114 = tpu.memref_slice %arg8[%run_scoped3A_101, %dma_start3A, %dma_start3A_113] : memref<2x128x64xf32, #tpu.memory_space<vmem>> -> memref<1x128x64xf32, #tpu.memory_space<vmem>>
      %dma_start3A_115 = tpu.memref_squeeze %dma_start3A_114 : memref<1x128x64xf32, #tpu.memory_space<vmem>> -> memref<128x64xf32, #tpu.memory_space<vmem>>
      %dma_start3A_116 = arith.constant 0 : i32
      %dma_start3A_117 = tpu.memref_slice %arg9[%add3A_100, %dma_start3A_116] : memref<10240x64xf32, #tpu.memory_space<vmem_shared>> -> memref<128x64xf32, #tpu.memory_space<vmem_shared>>
      %dma_start3A_118 = arith.constant 0 : i32
      %dma_start3A_119 = arith.constant 0 : i32
      %dma_start3A_120 = tpu.memref_slice %arg8[%run_scoped3A_101, %dma_start3A_118, %dma_start3A_119] : memref<2x128x64xf32, #tpu.memory_space<vmem>> -> memref<1x128x64xf32, #tpu.memory_space<vmem>>
      %dma_start3A_121 = tpu.memref_squeeze %dma_start3A_120 : memref<1x128x64xf32, #tpu.memory_space<vmem>> -> memref<128x64xf32, #tpu.memory_space<vmem>>
      %dma_start3A_122 = arith.constant 0 : i32
      %dma_start3A_123 = tpu.memref_slice %arg9[%add3A_100, %dma_start3A_122] : memref<10240x64xf32, #tpu.memory_space<vmem_shared>> -> memref<128x64xf32, #tpu.memory_space<vmem_shared>>
      tpu.enqueue_dma source(%dma_start3A_123 : memref<128x64xf32, #tpu.memory_space<vmem_shared>>) target(%dma_start3A_121 : memref<128x64xf32, #tpu.memory_space<vmem>>) target_semaphore(%run_scoped3A_112 : memref<!tpu.dma_semaphore, #tpu.memory_space<semaphore_mem>>)
      %dma_wait3A = arith.constant 0 : i32
      %dma_wait3A_124 = arith.constant 0 : i32
      %dma_wait3A_125 = tpu.memref_slice %arg8[%run_scoped3A_101, %dma_wait3A, %dma_wait3A_124] : memref<2x128x64xf32, #tpu.memory_space<vmem>> -> memref<1x128x64xf32, #tpu.memory_space<vmem>>
      %dma_wait3A_126 = tpu.memref_squeeze %dma_wait3A_125 : memref<1x128x64xf32, #tpu.memory_space<vmem>> -> memref<128x64xf32, #tpu.memory_space<vmem>>
      %dma_wait3A_127 = arith.constant 0 : i32
      %dma_wait3A_128 = tpu.memref_slice %arg9[%add3A_100, %dma_wait3A_127] : memref<10240x64xf32, #tpu.memory_space<vmem_shared>> -> memref<128x64xf32, #tpu.memory_space<vmem_shared>>
      %dma_wait3A_129 = arith.constant 0 : i32
      %dma_wait3A_130 = arith.constant 0 : i32
      %dma_wait3A_131 = tpu.memref_slice %arg8[%run_scoped3A_101, %dma_wait3A_129, %dma_wait3A_130] : memref<2x128x64xf32, #tpu.memory_space<vmem>> -> memref<1x128x64xf32, #tpu.memory_space<vmem>>
      %dma_wait3A_132 = tpu.memref_squeeze %dma_wait3A_131 : memref<1x128x64xf32, #tpu.memory_space<vmem>> -> memref<128x64xf32, #tpu.memory_space<vmem>>
      %dma_wait3A_133 = arith.constant 0 : i32
      %dma_wait3A_134 = tpu.memref_slice %arg9[%add3A_100, %dma_wait3A_133] : memref<10240x64xf32, #tpu.memory_space<vmem_shared>> -> memref<128x64xf32, #tpu.memory_space<vmem_shared>>
      tpu.wait_dma2 semaphore(%run_scoped3A_112 : memref<!tpu.dma_semaphore, #tpu.memory_space<semaphore_mem>>) src(%dma_wait3A_134 : memref<128x64xf32, #tpu.memory_space<vmem_shared>>) dst(%dma_wait3A_132 : memref<128x64xf32, #tpu.memory_space<vmem>>)
      tpu.yield
    }) : () -> ()
    %add3A_102 = arith.constant 384 : i32
    %add3A_103 = arith.addi %mul3A_2, %add3A_102 : i32
    %run_scoped3A_104 = arith.constant 0 : i32
    "tpu.region"() ({
      %run_scoped3A_112 = tpu.sem_alloc : memref<!tpu.dma_semaphore, #tpu.memory_space<semaphore_mem>>
      %dma_start3A = arith.constant 0 : i32
      %dma_start3A_113 = arith.constant 0 : i32
      %dma_start3A_114 = tpu.memref_slice %arg8[%run_scoped3A_104, %dma_start3A, %dma_start3A_113] : memref<2x128x64xf32, #tpu.memory_space<vmem>> -> memref<1x128x64xf32, #tpu.memory_space<vmem>>
      %dma_start3A_115 = tpu.memref_squeeze %dma_start3A_114 : memref<1x128x64xf32, #tpu.memory_space<vmem>> -> memref<128x64xf32, #tpu.memory_space<vmem>>
      %dma_start3A_116 = arith.constant 64 : i32
      %dma_start3A_117 = tpu.memref_slice %arg5[%arg0, %add3A_103, %dma_start3A_116] : memref<2x10240x128xf32, #tpu.memory_space<hbm>> -> memref<1x128x64xf32, #tpu.memory_space<hbm>>
      %dma_start3A_118 = tpu.memref_squeeze %dma_start3A_117 : memref<1x128x64xf32, #tpu.memory_space<hbm>> -> memref<128x64xf32, #tpu.memory_space<hbm>>
      %dma_start3A_119 = arith.constant 64 : i32
      %dma_start3A_120 = tpu.memref_slice %arg5[%arg0, %add3A_103, %dma_start3A_119] : memref<2x10240x128xf32, #tpu.memory_space<hbm>> -> memref<1x128x64xf32, #tpu.memory_space<hbm>>
      %dma_start3A_121 = tpu.memref_squeeze %dma_start3A_120 : memref<1x128x64xf32, #tpu.memory_space<hbm>> -> memref<128x64xf32, #tpu.memory_space<hbm>>
      %dma_start3A_122 = arith.constant 0 : i32
      %dma_start3A_123 = arith.constant 0 : i32
      %dma_start3A_124 = tpu.memref_slice %arg8[%run_scoped3A_104, %dma_start3A_122, %dma_start3A_123] : memref<2x128x64xf32, #tpu.memory_space<vmem>> -> memref<1x128x64xf32, #tpu.memory_space<vmem>>
      %dma_start3A_125 = tpu.memref_squeeze %dma_start3A_124 : memref<1x128x64xf32, #tpu.memory_space<vmem>> -> memref<128x64xf32, #tpu.memory_space<vmem>>
      tpu.enqueue_dma source(%dma_start3A_125 : memref<128x64xf32, #tpu.memory_space<vmem>>) target(%dma_start3A_121 : memref<128x64xf32, #tpu.memory_space<hbm>>) target_semaphore(%run_scoped3A_112 : memref<!tpu.dma_semaphore, #tpu.memory_space<semaphore_mem>>)
      %dma_wait3A = arith.constant 0 : i32
      %dma_wait3A_126 = arith.constant 0 : i32
      %dma_wait3A_127 = tpu.memref_slice %arg8[%run_scoped3A_104, %dma_wait3A, %dma_wait3A_126] : memref<2x128x64xf32, #tpu.memory_space<vmem>> -> memref<1x128x64xf32, #tpu.memory_space<vmem>>
      %dma_wait3A_128 = tpu.memref_squeeze %dma_wait3A_127 : memref<1x128x64xf32, #tpu.memory_space<vmem>> -> memref<128x64xf32, #tpu.memory_space<vmem>>
      %dma_wait3A_129 = arith.constant 64 : i32
      %dma_wait3A_130 = tpu.memref_slice %arg5[%arg0, %add3A_103, %dma_wait3A_129] : memref<2x10240x128xf32, #tpu.memory_space<hbm>> -> memref<1x128x64xf32, #tpu.memory_space<hbm>>
      %dma_wait3A_131 = tpu.memref_squeeze %dma_wait3A_130 : memref<1x128x64xf32, #tpu.memory_space<hbm>> -> memref<128x64xf32, #tpu.memory_space<hbm>>
      %dma_wait3A_132 = arith.constant 64 : i32
      %dma_wait3A_133 = tpu.memref_slice %arg5[%arg0, %add3A_103, %dma_wait3A_132] : memref<2x10240x128xf32, #tpu.memory_space<hbm>> -> memref<1x128x64xf32, #tpu.memory_space<hbm>>
      %dma_wait3A_134 = tpu.memref_squeeze %dma_wait3A_133 : memref<1x128x64xf32, #tpu.memory_space<hbm>> -> memref<128x64xf32, #tpu.memory_space<hbm>>
      %dma_wait3A_135 = arith.constant 0 : i32
      %dma_wait3A_136 = arith.constant 0 : i32
      %dma_wait3A_137 = tpu.memref_slice %arg8[%run_scoped3A_104, %dma_wait3A_135, %dma_wait3A_136] : memref<2x128x64xf32, #tpu.memory_space<vmem>> -> memref<1x128x64xf32, #tpu.memory_space<vmem>>
      %dma_wait3A_138 = tpu.memref_squeeze %dma_wait3A_137 : memref<1x128x64xf32, #tpu.memory_space<vmem>> -> memref<128x64xf32, #tpu.memory_space<vmem>>
      tpu.wait_dma2 semaphore(%run_scoped3A_112 : memref<!tpu.dma_semaphore, #tpu.memory_space<semaphore_mem>>) src(%dma_wait3A_138 : memref<128x64xf32, #tpu.memory_space<vmem>>) dst(%dma_wait3A_134 : memref<128x64xf32, #tpu.memory_space<hbm>>)
      tpu.yield
    }) : () -> ()
    %add3A_105 = arith.constant 512 : i32
    %add3A_106 = arith.addi %mul3A_2, %add3A_105 : i32
    %run_scoped3A_107 = arith.constant 0 : i32
    "tpu.region"() ({
      %run_scoped3A_112 = tpu.sem_alloc : memref<!tpu.dma_semaphore, #tpu.memory_space<semaphore_mem>>
      %dma_start3A = arith.constant 0 : i32
      %dma_start3A_113 = arith.constant 0 : i32
      %dma_start3A_114 = tpu.memref_slice %arg8[%run_scoped3A_107, %dma_start3A, %dma_start3A_113] : memref<2x128x64xf32, #tpu.memory_space<vmem>> -> memref<1x128x64xf32, #tpu.memory_space<vmem>>
      %dma_start3A_115 = tpu.memref_squeeze %dma_start3A_114 : memref<1x128x64xf32, #tpu.memory_space<vmem>> -> memref<128x64xf32, #tpu.memory_space<vmem>>
      %dma_start3A_116 = arith.constant 0 : i32
      %dma_start3A_117 = tpu.memref_slice %arg9[%add3A_106, %dma_start3A_116] : memref<10240x64xf32, #tpu.memory_space<vmem_shared>> -> memref<128x64xf32, #tpu.memory_space<vmem_shared>>
      %dma_start3A_118 = arith.constant 0 : i32
      %dma_start3A_119 = arith.constant 0 : i32
      %dma_start3A_120 = tpu.memref_slice %arg8[%run_scoped3A_107, %dma_start3A_118, %dma_start3A_119] : memref<2x128x64xf32, #tpu.memory_space<vmem>> -> memref<1x128x64xf32, #tpu.memory_space<vmem>>
      %dma_start3A_121 = tpu.memref_squeeze %dma_start3A_120 : memref<1x128x64xf32, #tpu.memory_space<vmem>> -> memref<128x64xf32, #tpu.memory_space<vmem>>
      %dma_start3A_122 = arith.constant 0 : i32
      %dma_start3A_123 = tpu.memref_slice %arg9[%add3A_106, %dma_start3A_122] : memref<10240x64xf32, #tpu.memory_space<vmem_shared>> -> memref<128x64xf32, #tpu.memory_space<vmem_shared>>
      tpu.enqueue_dma source(%dma_start3A_123 : memref<128x64xf32, #tpu.memory_space<vmem_shared>>) target(%dma_start3A_121 : memref<128x64xf32, #tpu.memory_space<vmem>>) target_semaphore(%run_scoped3A_112 : memref<!tpu.dma_semaphore, #tpu.memory_space<semaphore_mem>>)
      %dma_wait3A = arith.constant 0 : i32
      %dma_wait3A_124 = arith.constant 0 : i32
      %dma_wait3A_125 = tpu.memref_slice %arg8[%run_scoped3A_107, %dma_wait3A, %dma_wait3A_124] : memref<2x128x64xf32, #tpu.memory_space<vmem>> -> memref<1x128x64xf32, #tpu.memory_space<vmem>>
      %dma_wait3A_126 = tpu.memref_squeeze %dma_wait3A_125 : memref<1x128x64xf32, #tpu.memory_space<vmem>> -> memref<128x64xf32, #tpu.memory_space<vmem>>
      %dma_wait3A_127 = arith.constant 0 : i32
      %dma_wait3A_128 = tpu.memref_slice %arg9[%add3A_106, %dma_wait3A_127] : memref<10240x64xf32, #tpu.memory_space<vmem_shared>> -> memref<128x64xf32, #tpu.memory_space<vmem_shared>>
      %dma_wait3A_129 = arith.constant 0 : i32
      %dma_wait3A_130 = arith.constant 0 : i32
      %dma_wait3A_131 = tpu.memref_slice %arg8[%run_scoped3A_107, %dma_wait3A_129, %dma_wait3A_130] : memref<2x128x64xf32, #tpu.memory_space<vmem>> -> memref<1x128x64xf32, #tpu.memory_space<vmem>>
      %dma_wait3A_132 = tpu.memref_squeeze %dma_wait3A_131 : memref<1x128x64xf32, #tpu.memory_space<vmem>> -> memref<128x64xf32, #tpu.memory_space<vmem>>
      %dma_wait3A_133 = arith.constant 0 : i32
      %dma_wait3A_134 = tpu.memref_slice %arg9[%add3A_106, %dma_wait3A_133] : memref<10240x64xf32, #tpu.memory_space<vmem_shared>> -> memref<128x64xf32, #tpu.memory_space<vmem_shared>>
      tpu.wait_dma2 semaphore(%run_scoped3A_112 : memref<!tpu.dma_semaphore, #tpu.memory_space<semaphore_mem>>) src(%dma_wait3A_134 : memref<128x64xf32, #tpu.memory_space<vmem_shared>>) dst(%dma_wait3A_132 : memref<128x64xf32, #tpu.memory_space<vmem>>)
      tpu.yield
    }) : () -> ()
    %add3A_108 = arith.constant 512 : i32
    %add3A_109 = arith.addi %mul3A_2, %add3A_108 : i32
    %run_scoped3A_110 = arith.constant 0 : i32
    "tpu.region"() ({
      %run_scoped3A_112 = tpu.sem_alloc : memref<!tpu.dma_semaphore, #tpu.memory_space<semaphore_mem>>
      %dma_start3A = arith.constant 0 : i32
      %dma_start3A_113 = arith.constant 0 : i32
      %dma_start3A_114 = tpu.memref_slice %arg8[%run_scoped3A_110, %dma_start3A, %dma_start3A_113] : memref<2x128x64xf32, #tpu.memory_space<vmem>> -> memref<1x128x64xf32, #tpu.memory_space<vmem>>
      %dma_start3A_115 = tpu.memref_squeeze %dma_start3A_114 : memref<1x128x64xf32, #tpu.memory_space<vmem>> -> memref<128x64xf32, #tpu.memory_space<vmem>>
      %dma_start3A_116 = arith.constant 64 : i32
      %dma_start3A_117 = tpu.memref_slice %arg5[%arg0, %add3A_109, %dma_start3A_116] : memref<2x10240x128xf32, #tpu.memory_space<hbm>> -> memref<1x128x64xf32, #tpu.memory_space<hbm>>
      %dma_start3A_118 = tpu.memref_squeeze %dma_start3A_117 : memref<1x128x64xf32, #tpu.memory_space<hbm>> -> memref<128x64xf32, #tpu.memory_space<hbm>>
      %dma_start3A_119 = arith.constant 64 : i32
      %dma_start3A_120 = tpu.memref_slice %arg5[%arg0, %add3A_109, %dma_start3A_119] : memref<2x10240x128xf32, #tpu.memory_space<hbm>> -> memref<1x128x64xf32, #tpu.memory_space<hbm>>
      %dma_start3A_121 = tpu.memref_squeeze %dma_start3A_120 : memref<1x128x64xf32, #tpu.memory_space<hbm>> -> memref<128x64xf32, #tpu.memory_space<hbm>>
      %dma_start3A_122 = arith.constant 0 : i32
      %dma_start3A_123 = arith.constant 0 : i32
      %dma_start3A_124 = tpu.memref_slice %arg8[%run_scoped3A_110, %dma_start3A_122, %dma_start3A_123] : memref<2x128x64xf32, #tpu.memory_space<vmem>> -> memref<1x128x64xf32, #tpu.memory_space<vmem>>
      %dma_start3A_125 = tpu.memref_squeeze %dma_start3A_124 : memref<1x128x64xf32, #tpu.memory_space<vmem>> -> memref<128x64xf32, #tpu.memory_space<vmem>>
      tpu.enqueue_dma source(%dma_start3A_125 : memref<128x64xf32, #tpu.memory_space<vmem>>) target(%dma_start3A_121 : memref<128x64xf32, #tpu.memory_space<hbm>>) target_semaphore(%run_scoped3A_112 : memref<!tpu.dma_semaphore, #tpu.memory_space<semaphore_mem>>)
      %dma_wait3A = arith.constant 0 : i32
      %dma_wait3A_126 = arith.constant 0 : i32
      %dma_wait3A_127 = tpu.memref_slice %arg8[%run_scoped3A_110, %dma_wait3A, %dma_wait3A_126] : memref<2x128x64xf32, #tpu.memory_space<vmem>> -> memref<1x128x64xf32, #tpu.memory_space<vmem>>
      %dma_wait3A_128 = tpu.memref_squeeze %dma_wait3A_127 : memref<1x128x64xf32, #tpu.memory_space<vmem>> -> memref<128x64xf32, #tpu.memory_space<vmem>>
      %dma_wait3A_129 = arith.constant 64 : i32
      %dma_wait3A_130 = tpu.memref_slice %arg5[%arg0, %add3A_109, %dma_wait3A_129] : memref<2x10240x128xf32, #tpu.memory_space<hbm>> -> memref<1x128x64xf32, #tpu.memory_space<hbm>>
      %dma_wait3A_131 = tpu.memref_squeeze %dma_wait3A_130 : memref<1x128x64xf32, #tpu.memory_space<hbm>> -> memref<128x64xf32, #tpu.memory_space<hbm>>
      %dma_wait3A_132 = arith.constant 64 : i32
      %dma_wait3A_133 = tpu.memref_slice %arg5[%arg0, %add3A_109, %dma_wait3A_132] : memref<2x10240x128xf32, #tpu.memory_space<hbm>> -> memref<1x128x64xf32, #tpu.memory_space<hbm>>
      %dma_wait3A_134 = tpu.memref_squeeze %dma_wait3A_133 : memref<1x128x64xf32, #tpu.memory_space<hbm>> -> memref<128x64xf32, #tpu.memory_space<hbm>>
      %dma_wait3A_135 = arith.constant 0 : i32
      %dma_wait3A_136 = arith.constant 0 : i32
      %dma_wait3A_137 = tpu.memref_slice %arg8[%run_scoped3A_110, %dma_wait3A_135, %dma_wait3A_136] : memref<2x128x64xf32, #tpu.memory_space<vmem>> -> memref<1x128x64xf32, #tpu.memory_space<vmem>>
      %dma_wait3A_138 = tpu.memref_squeeze %dma_wait3A_137 : memref<1x128x64xf32, #tpu.memory_space<vmem>> -> memref<128x64xf32, #tpu.memory_space<vmem>>
      tpu.wait_dma2 semaphore(%run_scoped3A_112 : memref<!tpu.dma_semaphore, #tpu.memory_space<semaphore_mem>>) src(%dma_wait3A_138 : memref<128x64xf32, #tpu.memory_space<vmem>>) dst(%dma_wait3A_134 : memref<128x64xf32, #tpu.memory_space<hbm>>)
      tpu.yield
    }) : () -> ()
    %barrier3A_111 = arith.constant 0 : index
    tpu.barrier barrier_id(%barrier3A_111)
    return
  }
}

#map = affine_map<(d0, d1) -> (0, 0)>
#map1 = affine_map<(d0, d1) -> (0, 0, 0, 0)>
#map2 = affine_map<(d0, d1) -> (0, 0, 0)>
module attributes {stable_mosaic.version = 14 : i64} {
  func.func @agg(%arg0: i32, %arg1: i32, %arg2: memref<10240x64xf32, #tpu.memory_space<hbm>>, %arg3: memref<2x32x80x128xi32, #tpu.memory_space<hbm>>, %arg4: memref<128x64xf32, #tpu.memory_space<hbm>>, %arg5: memref<2x10240x64xf32, #tpu.memory_space<hbm>>, %arg6: memref<80x128xi32, #tpu.memory_space<vmem>>, %arg7: memref<80x128xi32, #tpu.memory_space<vmem>>, %arg8: memref<2x128x64xf32, #tpu.memory_space<vmem>>, %arg9: memref<10240x64xf32, #tpu.memory_space<vmem_shared>>, %arg10: memref<10240x64xf32, #tpu.memory_space<vmem_shared>>, %arg11: memref<!tpu.dma_semaphore, #tpu.memory_space<semaphore_mem>>, %arg12: memref<!tpu.dma_semaphore, #tpu.memory_space<semaphore_mem>>, %arg13: memref<!tpu.dma_semaphore, #tpu.memory_space<semaphore_mem>>, %arg14: memref<!tpu.dma_semaphore, #tpu.memory_space<semaphore_mem>>) attributes {dimension_semantics = [#tpu.dimension_semantics<core_parallel>, #tpu.dimension_semantics<subcore_parallel>], iteration_bounds = array<i64: 2, 16>, scalar_prefetch = 0 : i64, scratch_operands = 9 : i64, tpu.core_type = #tpu.core_type<sc_vector_subcore>, window_params = [{transform_indices = #map}, {transform_indices = #map1}, {transform_indices = #map}, {transform_indices = #map2}]} {
    %mul3A = arith.constant 16 : i32
    %mul3A_0 = arith.muli %arg0, %mul3A : i32
    %add3A = arith.addi %mul3A_0, %arg1 : i32
    %mul3A_1 = arith.constant 640 : i32
    %mul3A_2 = arith.muli %arg1, %mul3A_1 : i32
    "tpu.region"() ({
      %run_scoped3A_56 = tpu.sem_alloc : memref<!tpu.dma_semaphore, #tpu.memory_space<semaphore_mem>>
      %dma_start3A = arith.constant 0 : i32
      %dma_start3A_57 = tpu.memref_slice %arg10[%mul3A_2, %dma_start3A] : memref<10240x64xf32, #tpu.memory_space<vmem_shared>> -> memref<640x64xf32, #tpu.memory_space<vmem_shared>>
      %dma_start3A_58 = arith.constant 0 : i32
      %dma_start3A_59 = tpu.memref_slice %arg2[%mul3A_2, %dma_start3A_58] : memref<10240x64xf32, #tpu.memory_space<hbm>> -> memref<640x64xf32, #tpu.memory_space<hbm>>
      tpu.enqueue_dma source(%dma_start3A_59 : memref<640x64xf32, #tpu.memory_space<hbm>>) target(%dma_start3A_57 : memref<640x64xf32, #tpu.memory_space<vmem_shared>>) target_semaphore(%run_scoped3A_56 : memref<!tpu.dma_semaphore, #tpu.memory_space<semaphore_mem>>)
      %dma_wait3A = arith.constant 0 : i32
      %dma_wait3A_60 = tpu.memref_slice %arg10[%mul3A_2, %dma_wait3A] : memref<10240x64xf32, #tpu.memory_space<vmem_shared>> -> memref<640x64xf32, #tpu.memory_space<vmem_shared>>
      %dma_wait3A_61 = arith.constant 0 : i32
      %dma_wait3A_62 = tpu.memref_slice %arg2[%mul3A_2, %dma_wait3A_61] : memref<10240x64xf32, #tpu.memory_space<hbm>> -> memref<640x64xf32, #tpu.memory_space<hbm>>
      tpu.wait_dma2 semaphore(%run_scoped3A_56 : memref<!tpu.dma_semaphore, #tpu.memory_space<semaphore_mem>>) src(%dma_wait3A_62 : memref<640x64xf32, #tpu.memory_space<hbm>>) dst(%dma_wait3A_60 : memref<640x64xf32, #tpu.memory_space<vmem_shared>>)
      tpu.yield
    }) : () -> ()
    %run_scoped3A = arith.constant 0 : i32
    "tpu.region"() ({
      %run_scoped3A_56 = tpu.sem_alloc : memref<!tpu.dma_semaphore, #tpu.memory_space<semaphore_mem>>
      %dma_start3A = arith.constant 0 : i32
      %dma_start3A_57 = arith.constant 0 : i32
      %dma_start3A_58 = tpu.memref_slice %arg8[%run_scoped3A, %dma_start3A, %dma_start3A_57] : memref<2x128x64xf32, #tpu.memory_space<vmem>> -> memref<1x128x64xf32, #tpu.memory_space<vmem>>
      %dma_start3A_59 = tpu.memref_squeeze %dma_start3A_58 : memref<1x128x64xf32, #tpu.memory_space<vmem>> -> memref<128x64xf32, #tpu.memory_space<vmem>>
      %dma_start3A_60 = arith.constant 0 : i32
      %dma_start3A_61 = arith.constant 0 : i32
      %dma_start3A_62 = tpu.memref_slice %arg8[%run_scoped3A, %dma_start3A_60, %dma_start3A_61] : memref<2x128x64xf32, #tpu.memory_space<vmem>> -> memref<1x128x64xf32, #tpu.memory_space<vmem>>
      %dma_start3A_63 = tpu.memref_squeeze %dma_start3A_62 : memref<1x128x64xf32, #tpu.memory_space<vmem>> -> memref<128x64xf32, #tpu.memory_space<vmem>>
      tpu.enqueue_dma source(%arg4 : memref<128x64xf32, #tpu.memory_space<hbm>>) target(%dma_start3A_63 : memref<128x64xf32, #tpu.memory_space<vmem>>) target_semaphore(%run_scoped3A_56 : memref<!tpu.dma_semaphore, #tpu.memory_space<semaphore_mem>>)
      %dma_wait3A = arith.constant 0 : i32
      %dma_wait3A_64 = arith.constant 0 : i32
      %dma_wait3A_65 = tpu.memref_slice %arg8[%run_scoped3A, %dma_wait3A, %dma_wait3A_64] : memref<2x128x64xf32, #tpu.memory_space<vmem>> -> memref<1x128x64xf32, #tpu.memory_space<vmem>>
      %dma_wait3A_66 = tpu.memref_squeeze %dma_wait3A_65 : memref<1x128x64xf32, #tpu.memory_space<vmem>> -> memref<128x64xf32, #tpu.memory_space<vmem>>
      %dma_wait3A_67 = arith.constant 0 : i32
      %dma_wait3A_68 = arith.constant 0 : i32
      %dma_wait3A_69 = tpu.memref_slice %arg8[%run_scoped3A, %dma_wait3A_67, %dma_wait3A_68] : memref<2x128x64xf32, #tpu.memory_space<vmem>> -> memref<1x128x64xf32, #tpu.memory_space<vmem>>
      %dma_wait3A_70 = tpu.memref_squeeze %dma_wait3A_69 : memref<1x128x64xf32, #tpu.memory_space<vmem>> -> memref<128x64xf32, #tpu.memory_space<vmem>>
      tpu.wait_dma2 semaphore(%run_scoped3A_56 : memref<!tpu.dma_semaphore, #tpu.memory_space<semaphore_mem>>) src(%arg4 : memref<128x64xf32, #tpu.memory_space<hbm>>) dst(%dma_wait3A_70 : memref<128x64xf32, #tpu.memory_space<vmem>>)
      tpu.yield
    }) : () -> ()
    %add3A_3 = arith.constant 0 : i32
    %add3A_4 = arith.addi %mul3A_2, %add3A_3 : i32
    %run_scoped3A_5 = arith.constant 0 : i32
    "tpu.region"() ({
      %run_scoped3A_56 = tpu.sem_alloc : memref<!tpu.dma_semaphore, #tpu.memory_space<semaphore_mem>>
      %dma_start3A = arith.constant 0 : i32
      %dma_start3A_57 = arith.constant 0 : i32
      %dma_start3A_58 = tpu.memref_slice %arg8[%run_scoped3A_5, %dma_start3A, %dma_start3A_57] : memref<2x128x64xf32, #tpu.memory_space<vmem>> -> memref<1x128x64xf32, #tpu.memory_space<vmem>>
      %dma_start3A_59 = tpu.memref_squeeze %dma_start3A_58 : memref<1x128x64xf32, #tpu.memory_space<vmem>> -> memref<128x64xf32, #tpu.memory_space<vmem>>
      %dma_start3A_60 = arith.constant 0 : i32
      %dma_start3A_61 = tpu.memref_slice %arg9[%add3A_4, %dma_start3A_60] : memref<10240x64xf32, #tpu.memory_space<vmem_shared>> -> memref<128x64xf32, #tpu.memory_space<vmem_shared>>
      %dma_start3A_62 = arith.constant 0 : i32
      %dma_start3A_63 = tpu.memref_slice %arg9[%add3A_4, %dma_start3A_62] : memref<10240x64xf32, #tpu.memory_space<vmem_shared>> -> memref<128x64xf32, #tpu.memory_space<vmem_shared>>
      %dma_start3A_64 = arith.constant 0 : i32
      %dma_start3A_65 = arith.constant 0 : i32
      %dma_start3A_66 = tpu.memref_slice %arg8[%run_scoped3A_5, %dma_start3A_64, %dma_start3A_65] : memref<2x128x64xf32, #tpu.memory_space<vmem>> -> memref<1x128x64xf32, #tpu.memory_space<vmem>>
      %dma_start3A_67 = tpu.memref_squeeze %dma_start3A_66 : memref<1x128x64xf32, #tpu.memory_space<vmem>> -> memref<128x64xf32, #tpu.memory_space<vmem>>
      tpu.enqueue_dma source(%dma_start3A_67 : memref<128x64xf32, #tpu.memory_space<vmem>>) target(%dma_start3A_63 : memref<128x64xf32, #tpu.memory_space<vmem_shared>>) target_semaphore(%run_scoped3A_56 : memref<!tpu.dma_semaphore, #tpu.memory_space<semaphore_mem>>)
      %dma_wait3A = arith.constant 0 : i32
      %dma_wait3A_68 = arith.constant 0 : i32
      %dma_wait3A_69 = tpu.memref_slice %arg8[%run_scoped3A_5, %dma_wait3A, %dma_wait3A_68] : memref<2x128x64xf32, #tpu.memory_space<vmem>> -> memref<1x128x64xf32, #tpu.memory_space<vmem>>
      %dma_wait3A_70 = tpu.memref_squeeze %dma_wait3A_69 : memref<1x128x64xf32, #tpu.memory_space<vmem>> -> memref<128x64xf32, #tpu.memory_space<vmem>>
      %dma_wait3A_71 = arith.constant 0 : i32
      %dma_wait3A_72 = tpu.memref_slice %arg9[%add3A_4, %dma_wait3A_71] : memref<10240x64xf32, #tpu.memory_space<vmem_shared>> -> memref<128x64xf32, #tpu.memory_space<vmem_shared>>
      %dma_wait3A_73 = arith.constant 0 : i32
      %dma_wait3A_74 = tpu.memref_slice %arg9[%add3A_4, %dma_wait3A_73] : memref<10240x64xf32, #tpu.memory_space<vmem_shared>> -> memref<128x64xf32, #tpu.memory_space<vmem_shared>>
      %dma_wait3A_75 = arith.constant 0 : i32
      %dma_wait3A_76 = arith.constant 0 : i32
      %dma_wait3A_77 = tpu.memref_slice %arg8[%run_scoped3A_5, %dma_wait3A_75, %dma_wait3A_76] : memref<2x128x64xf32, #tpu.memory_space<vmem>> -> memref<1x128x64xf32, #tpu.memory_space<vmem>>
      %dma_wait3A_78 = tpu.memref_squeeze %dma_wait3A_77 : memref<1x128x64xf32, #tpu.memory_space<vmem>> -> memref<128x64xf32, #tpu.memory_space<vmem>>
      tpu.wait_dma2 semaphore(%run_scoped3A_56 : memref<!tpu.dma_semaphore, #tpu.memory_space<semaphore_mem>>) src(%dma_wait3A_78 : memref<128x64xf32, #tpu.memory_space<vmem>>) dst(%dma_wait3A_74 : memref<128x64xf32, #tpu.memory_space<vmem_shared>>)
      tpu.yield
    }) : () -> ()
    %add3A_6 = arith.constant 128 : i32
    %add3A_7 = arith.addi %mul3A_2, %add3A_6 : i32
    %run_scoped3A_8 = arith.constant 0 : i32
    "tpu.region"() ({
      %run_scoped3A_56 = tpu.sem_alloc : memref<!tpu.dma_semaphore, #tpu.memory_space<semaphore_mem>>
      %dma_start3A = arith.constant 0 : i32
      %dma_start3A_57 = arith.constant 0 : i32
      %dma_start3A_58 = tpu.memref_slice %arg8[%run_scoped3A_8, %dma_start3A, %dma_start3A_57] : memref<2x128x64xf32, #tpu.memory_space<vmem>> -> memref<1x128x64xf32, #tpu.memory_space<vmem>>
      %dma_start3A_59 = tpu.memref_squeeze %dma_start3A_58 : memref<1x128x64xf32, #tpu.memory_space<vmem>> -> memref<128x64xf32, #tpu.memory_space<vmem>>
      %dma_start3A_60 = arith.constant 0 : i32
      %dma_start3A_61 = tpu.memref_slice %arg9[%add3A_7, %dma_start3A_60] : memref<10240x64xf32, #tpu.memory_space<vmem_shared>> -> memref<128x64xf32, #tpu.memory_space<vmem_shared>>
      %dma_start3A_62 = arith.constant 0 : i32
      %dma_start3A_63 = tpu.memref_slice %arg9[%add3A_7, %dma_start3A_62] : memref<10240x64xf32, #tpu.memory_space<vmem_shared>> -> memref<128x64xf32, #tpu.memory_space<vmem_shared>>
      %dma_start3A_64 = arith.constant 0 : i32
      %dma_start3A_65 = arith.constant 0 : i32
      %dma_start3A_66 = tpu.memref_slice %arg8[%run_scoped3A_8, %dma_start3A_64, %dma_start3A_65] : memref<2x128x64xf32, #tpu.memory_space<vmem>> -> memref<1x128x64xf32, #tpu.memory_space<vmem>>
      %dma_start3A_67 = tpu.memref_squeeze %dma_start3A_66 : memref<1x128x64xf32, #tpu.memory_space<vmem>> -> memref<128x64xf32, #tpu.memory_space<vmem>>
      tpu.enqueue_dma source(%dma_start3A_67 : memref<128x64xf32, #tpu.memory_space<vmem>>) target(%dma_start3A_63 : memref<128x64xf32, #tpu.memory_space<vmem_shared>>) target_semaphore(%run_scoped3A_56 : memref<!tpu.dma_semaphore, #tpu.memory_space<semaphore_mem>>)
      %dma_wait3A = arith.constant 0 : i32
      %dma_wait3A_68 = arith.constant 0 : i32
      %dma_wait3A_69 = tpu.memref_slice %arg8[%run_scoped3A_8, %dma_wait3A, %dma_wait3A_68] : memref<2x128x64xf32, #tpu.memory_space<vmem>> -> memref<1x128x64xf32, #tpu.memory_space<vmem>>
      %dma_wait3A_70 = tpu.memref_squeeze %dma_wait3A_69 : memref<1x128x64xf32, #tpu.memory_space<vmem>> -> memref<128x64xf32, #tpu.memory_space<vmem>>
      %dma_wait3A_71 = arith.constant 0 : i32
      %dma_wait3A_72 = tpu.memref_slice %arg9[%add3A_7, %dma_wait3A_71] : memref<10240x64xf32, #tpu.memory_space<vmem_shared>> -> memref<128x64xf32, #tpu.memory_space<vmem_shared>>
      %dma_wait3A_73 = arith.constant 0 : i32
      %dma_wait3A_74 = tpu.memref_slice %arg9[%add3A_7, %dma_wait3A_73] : memref<10240x64xf32, #tpu.memory_space<vmem_shared>> -> memref<128x64xf32, #tpu.memory_space<vmem_shared>>
      %dma_wait3A_75 = arith.constant 0 : i32
      %dma_wait3A_76 = arith.constant 0 : i32
      %dma_wait3A_77 = tpu.memref_slice %arg8[%run_scoped3A_8, %dma_wait3A_75, %dma_wait3A_76] : memref<2x128x64xf32, #tpu.memory_space<vmem>> -> memref<1x128x64xf32, #tpu.memory_space<vmem>>
      %dma_wait3A_78 = tpu.memref_squeeze %dma_wait3A_77 : memref<1x128x64xf32, #tpu.memory_space<vmem>> -> memref<128x64xf32, #tpu.memory_space<vmem>>
      tpu.wait_dma2 semaphore(%run_scoped3A_56 : memref<!tpu.dma_semaphore, #tpu.memory_space<semaphore_mem>>) src(%dma_wait3A_78 : memref<128x64xf32, #tpu.memory_space<vmem>>) dst(%dma_wait3A_74 : memref<128x64xf32, #tpu.memory_space<vmem_shared>>)
      tpu.yield
    }) : () -> ()
    %add3A_9 = arith.constant 256 : i32
    %add3A_10 = arith.addi %mul3A_2, %add3A_9 : i32
    %run_scoped3A_11 = arith.constant 0 : i32
    "tpu.region"() ({
      %run_scoped3A_56 = tpu.sem_alloc : memref<!tpu.dma_semaphore, #tpu.memory_space<semaphore_mem>>
      %dma_start3A = arith.constant 0 : i32
      %dma_start3A_57 = arith.constant 0 : i32
      %dma_start3A_58 = tpu.memref_slice %arg8[%run_scoped3A_11, %dma_start3A, %dma_start3A_57] : memref<2x128x64xf32, #tpu.memory_space<vmem>> -> memref<1x128x64xf32, #tpu.memory_space<vmem>>
      %dma_start3A_59 = tpu.memref_squeeze %dma_start3A_58 : memref<1x128x64xf32, #tpu.memory_space<vmem>> -> memref<128x64xf32, #tpu.memory_space<vmem>>
      %dma_start3A_60 = arith.constant 0 : i32
      %dma_start3A_61 = tpu.memref_slice %arg9[%add3A_10, %dma_start3A_60] : memref<10240x64xf32, #tpu.memory_space<vmem_shared>> -> memref<128x64xf32, #tpu.memory_space<vmem_shared>>
      %dma_start3A_62 = arith.constant 0 : i32
      %dma_start3A_63 = tpu.memref_slice %arg9[%add3A_10, %dma_start3A_62] : memref<10240x64xf32, #tpu.memory_space<vmem_shared>> -> memref<128x64xf32, #tpu.memory_space<vmem_shared>>
      %dma_start3A_64 = arith.constant 0 : i32
      %dma_start3A_65 = arith.constant 0 : i32
      %dma_start3A_66 = tpu.memref_slice %arg8[%run_scoped3A_11, %dma_start3A_64, %dma_start3A_65] : memref<2x128x64xf32, #tpu.memory_space<vmem>> -> memref<1x128x64xf32, #tpu.memory_space<vmem>>
      %dma_start3A_67 = tpu.memref_squeeze %dma_start3A_66 : memref<1x128x64xf32, #tpu.memory_space<vmem>> -> memref<128x64xf32, #tpu.memory_space<vmem>>
      tpu.enqueue_dma source(%dma_start3A_67 : memref<128x64xf32, #tpu.memory_space<vmem>>) target(%dma_start3A_63 : memref<128x64xf32, #tpu.memory_space<vmem_shared>>) target_semaphore(%run_scoped3A_56 : memref<!tpu.dma_semaphore, #tpu.memory_space<semaphore_mem>>)
      %dma_wait3A = arith.constant 0 : i32
      %dma_wait3A_68 = arith.constant 0 : i32
      %dma_wait3A_69 = tpu.memref_slice %arg8[%run_scoped3A_11, %dma_wait3A, %dma_wait3A_68] : memref<2x128x64xf32, #tpu.memory_space<vmem>> -> memref<1x128x64xf32, #tpu.memory_space<vmem>>
      %dma_wait3A_70 = tpu.memref_squeeze %dma_wait3A_69 : memref<1x128x64xf32, #tpu.memory_space<vmem>> -> memref<128x64xf32, #tpu.memory_space<vmem>>
      %dma_wait3A_71 = arith.constant 0 : i32
      %dma_wait3A_72 = tpu.memref_slice %arg9[%add3A_10, %dma_wait3A_71] : memref<10240x64xf32, #tpu.memory_space<vmem_shared>> -> memref<128x64xf32, #tpu.memory_space<vmem_shared>>
      %dma_wait3A_73 = arith.constant 0 : i32
      %dma_wait3A_74 = tpu.memref_slice %arg9[%add3A_10, %dma_wait3A_73] : memref<10240x64xf32, #tpu.memory_space<vmem_shared>> -> memref<128x64xf32, #tpu.memory_space<vmem_shared>>
      %dma_wait3A_75 = arith.constant 0 : i32
      %dma_wait3A_76 = arith.constant 0 : i32
      %dma_wait3A_77 = tpu.memref_slice %arg8[%run_scoped3A_11, %dma_wait3A_75, %dma_wait3A_76] : memref<2x128x64xf32, #tpu.memory_space<vmem>> -> memref<1x128x64xf32, #tpu.memory_space<vmem>>
      %dma_wait3A_78 = tpu.memref_squeeze %dma_wait3A_77 : memref<1x128x64xf32, #tpu.memory_space<vmem>> -> memref<128x64xf32, #tpu.memory_space<vmem>>
      tpu.wait_dma2 semaphore(%run_scoped3A_56 : memref<!tpu.dma_semaphore, #tpu.memory_space<semaphore_mem>>) src(%dma_wait3A_78 : memref<128x64xf32, #tpu.memory_space<vmem>>) dst(%dma_wait3A_74 : memref<128x64xf32, #tpu.memory_space<vmem_shared>>)
      tpu.yield
    }) : () -> ()
    %add3A_12 = arith.constant 384 : i32
    %add3A_13 = arith.addi %mul3A_2, %add3A_12 : i32
    %run_scoped3A_14 = arith.constant 0 : i32
    "tpu.region"() ({
      %run_scoped3A_56 = tpu.sem_alloc : memref<!tpu.dma_semaphore, #tpu.memory_space<semaphore_mem>>
      %dma_start3A = arith.constant 0 : i32
      %dma_start3A_57 = arith.constant 0 : i32
      %dma_start3A_58 = tpu.memref_slice %arg8[%run_scoped3A_14, %dma_start3A, %dma_start3A_57] : memref<2x128x64xf32, #tpu.memory_space<vmem>> -> memref<1x128x64xf32, #tpu.memory_space<vmem>>
      %dma_start3A_59 = tpu.memref_squeeze %dma_start3A_58 : memref<1x128x64xf32, #tpu.memory_space<vmem>> -> memref<128x64xf32, #tpu.memory_space<vmem>>
      %dma_start3A_60 = arith.constant 0 : i32
      %dma_start3A_61 = tpu.memref_slice %arg9[%add3A_13, %dma_start3A_60] : memref<10240x64xf32, #tpu.memory_space<vmem_shared>> -> memref<128x64xf32, #tpu.memory_space<vmem_shared>>
      %dma_start3A_62 = arith.constant 0 : i32
      %dma_start3A_63 = tpu.memref_slice %arg9[%add3A_13, %dma_start3A_62] : memref<10240x64xf32, #tpu.memory_space<vmem_shared>> -> memref<128x64xf32, #tpu.memory_space<vmem_shared>>
      %dma_start3A_64 = arith.constant 0 : i32
      %dma_start3A_65 = arith.constant 0 : i32
      %dma_start3A_66 = tpu.memref_slice %arg8[%run_scoped3A_14, %dma_start3A_64, %dma_start3A_65] : memref<2x128x64xf32, #tpu.memory_space<vmem>> -> memref<1x128x64xf32, #tpu.memory_space<vmem>>
      %dma_start3A_67 = tpu.memref_squeeze %dma_start3A_66 : memref<1x128x64xf32, #tpu.memory_space<vmem>> -> memref<128x64xf32, #tpu.memory_space<vmem>>
      tpu.enqueue_dma source(%dma_start3A_67 : memref<128x64xf32, #tpu.memory_space<vmem>>) target(%dma_start3A_63 : memref<128x64xf32, #tpu.memory_space<vmem_shared>>) target_semaphore(%run_scoped3A_56 : memref<!tpu.dma_semaphore, #tpu.memory_space<semaphore_mem>>)
      %dma_wait3A = arith.constant 0 : i32
      %dma_wait3A_68 = arith.constant 0 : i32
      %dma_wait3A_69 = tpu.memref_slice %arg8[%run_scoped3A_14, %dma_wait3A, %dma_wait3A_68] : memref<2x128x64xf32, #tpu.memory_space<vmem>> -> memref<1x128x64xf32, #tpu.memory_space<vmem>>
      %dma_wait3A_70 = tpu.memref_squeeze %dma_wait3A_69 : memref<1x128x64xf32, #tpu.memory_space<vmem>> -> memref<128x64xf32, #tpu.memory_space<vmem>>
      %dma_wait3A_71 = arith.constant 0 : i32
      %dma_wait3A_72 = tpu.memref_slice %arg9[%add3A_13, %dma_wait3A_71] : memref<10240x64xf32, #tpu.memory_space<vmem_shared>> -> memref<128x64xf32, #tpu.memory_space<vmem_shared>>
      %dma_wait3A_73 = arith.constant 0 : i32
      %dma_wait3A_74 = tpu.memref_slice %arg9[%add3A_13, %dma_wait3A_73] : memref<10240x64xf32, #tpu.memory_space<vmem_shared>> -> memref<128x64xf32, #tpu.memory_space<vmem_shared>>
      %dma_wait3A_75 = arith.constant 0 : i32
      %dma_wait3A_76 = arith.constant 0 : i32
      %dma_wait3A_77 = tpu.memref_slice %arg8[%run_scoped3A_14, %dma_wait3A_75, %dma_wait3A_76] : memref<2x128x64xf32, #tpu.memory_space<vmem>> -> memref<1x128x64xf32, #tpu.memory_space<vmem>>
      %dma_wait3A_78 = tpu.memref_squeeze %dma_wait3A_77 : memref<1x128x64xf32, #tpu.memory_space<vmem>> -> memref<128x64xf32, #tpu.memory_space<vmem>>
      tpu.wait_dma2 semaphore(%run_scoped3A_56 : memref<!tpu.dma_semaphore, #tpu.memory_space<semaphore_mem>>) src(%dma_wait3A_78 : memref<128x64xf32, #tpu.memory_space<vmem>>) dst(%dma_wait3A_74 : memref<128x64xf32, #tpu.memory_space<vmem_shared>>)
      tpu.yield
    }) : () -> ()
    %add3A_15 = arith.constant 512 : i32
    %add3A_16 = arith.addi %mul3A_2, %add3A_15 : i32
    %run_scoped3A_17 = arith.constant 0 : i32
    "tpu.region"() ({
      %run_scoped3A_56 = tpu.sem_alloc : memref<!tpu.dma_semaphore, #tpu.memory_space<semaphore_mem>>
      %dma_start3A = arith.constant 0 : i32
      %dma_start3A_57 = arith.constant 0 : i32
      %dma_start3A_58 = tpu.memref_slice %arg8[%run_scoped3A_17, %dma_start3A, %dma_start3A_57] : memref<2x128x64xf32, #tpu.memory_space<vmem>> -> memref<1x128x64xf32, #tpu.memory_space<vmem>>
      %dma_start3A_59 = tpu.memref_squeeze %dma_start3A_58 : memref<1x128x64xf32, #tpu.memory_space<vmem>> -> memref<128x64xf32, #tpu.memory_space<vmem>>
      %dma_start3A_60 = arith.constant 0 : i32
      %dma_start3A_61 = tpu.memref_slice %arg9[%add3A_16, %dma_start3A_60] : memref<10240x64xf32, #tpu.memory_space<vmem_shared>> -> memref<128x64xf32, #tpu.memory_space<vmem_shared>>
      %dma_start3A_62 = arith.constant 0 : i32
      %dma_start3A_63 = tpu.memref_slice %arg9[%add3A_16, %dma_start3A_62] : memref<10240x64xf32, #tpu.memory_space<vmem_shared>> -> memref<128x64xf32, #tpu.memory_space<vmem_shared>>
      %dma_start3A_64 = arith.constant 0 : i32
      %dma_start3A_65 = arith.constant 0 : i32
      %dma_start3A_66 = tpu.memref_slice %arg8[%run_scoped3A_17, %dma_start3A_64, %dma_start3A_65] : memref<2x128x64xf32, #tpu.memory_space<vmem>> -> memref<1x128x64xf32, #tpu.memory_space<vmem>>
      %dma_start3A_67 = tpu.memref_squeeze %dma_start3A_66 : memref<1x128x64xf32, #tpu.memory_space<vmem>> -> memref<128x64xf32, #tpu.memory_space<vmem>>
      tpu.enqueue_dma source(%dma_start3A_67 : memref<128x64xf32, #tpu.memory_space<vmem>>) target(%dma_start3A_63 : memref<128x64xf32, #tpu.memory_space<vmem_shared>>) target_semaphore(%run_scoped3A_56 : memref<!tpu.dma_semaphore, #tpu.memory_space<semaphore_mem>>)
      %dma_wait3A = arith.constant 0 : i32
      %dma_wait3A_68 = arith.constant 0 : i32
      %dma_wait3A_69 = tpu.memref_slice %arg8[%run_scoped3A_17, %dma_wait3A, %dma_wait3A_68] : memref<2x128x64xf32, #tpu.memory_space<vmem>> -> memref<1x128x64xf32, #tpu.memory_space<vmem>>
      %dma_wait3A_70 = tpu.memref_squeeze %dma_wait3A_69 : memref<1x128x64xf32, #tpu.memory_space<vmem>> -> memref<128x64xf32, #tpu.memory_space<vmem>>
      %dma_wait3A_71 = arith.constant 0 : i32
      %dma_wait3A_72 = tpu.memref_slice %arg9[%add3A_16, %dma_wait3A_71] : memref<10240x64xf32, #tpu.memory_space<vmem_shared>> -> memref<128x64xf32, #tpu.memory_space<vmem_shared>>
      %dma_wait3A_73 = arith.constant 0 : i32
      %dma_wait3A_74 = tpu.memref_slice %arg9[%add3A_16, %dma_wait3A_73] : memref<10240x64xf32, #tpu.memory_space<vmem_shared>> -> memref<128x64xf32, #tpu.memory_space<vmem_shared>>
      %dma_wait3A_75 = arith.constant 0 : i32
      %dma_wait3A_76 = arith.constant 0 : i32
      %dma_wait3A_77 = tpu.memref_slice %arg8[%run_scoped3A_17, %dma_wait3A_75, %dma_wait3A_76] : memref<2x128x64xf32, #tpu.memory_space<vmem>> -> memref<1x128x64xf32, #tpu.memory_space<vmem>>
      %dma_wait3A_78 = tpu.memref_squeeze %dma_wait3A_77 : memref<1x128x64xf32, #tpu.memory_space<vmem>> -> memref<128x64xf32, #tpu.memory_space<vmem>>
      tpu.wait_dma2 semaphore(%run_scoped3A_56 : memref<!tpu.dma_semaphore, #tpu.memory_space<semaphore_mem>>) src(%dma_wait3A_78 : memref<128x64xf32, #tpu.memory_space<vmem>>) dst(%dma_wait3A_74 : memref<128x64xf32, #tpu.memory_space<vmem_shared>>)
      tpu.yield
    }) : () -> ()
    %run_scoped3A_18 = arith.constant 0 : i32
    "tpu.region"() ({
      %run_scoped3A_56 = tpu.sem_alloc : memref<!tpu.dma_semaphore, #tpu.memory_space<semaphore_mem>>
      %dma_start3A = arith.constant 0 : i32
      %dma_start3A_57 = arith.constant 0 : i32
      %dma_start3A_58 = tpu.memref_slice %arg3[%run_scoped3A_18, %add3A, %dma_start3A, %dma_start3A_57] : memref<2x32x80x128xi32, #tpu.memory_space<hbm>> -> memref<1x1x80x128xi32, #tpu.memory_space<hbm>>
      %dma_start3A_59 = tpu.memref_squeeze %dma_start3A_58 : memref<1x1x80x128xi32, #tpu.memory_space<hbm>> -> memref<80x128xi32, #tpu.memory_space<hbm>>
      %dma_start3A_60 = arith.constant 0 : i32
      %dma_start3A_61 = arith.constant 0 : i32
      %dma_start3A_62 = tpu.memref_slice %arg3[%run_scoped3A_18, %add3A, %dma_start3A_60, %dma_start3A_61] : memref<2x32x80x128xi32, #tpu.memory_space<hbm>> -> memref<1x1x80x128xi32, #tpu.memory_space<hbm>>
      %dma_start3A_63 = tpu.memref_squeeze %dma_start3A_62 : memref<1x1x80x128xi32, #tpu.memory_space<hbm>> -> memref<80x128xi32, #tpu.memory_space<hbm>>
      tpu.enqueue_dma source(%dma_start3A_63 : memref<80x128xi32, #tpu.memory_space<hbm>>) target(%arg6 : memref<80x128xi32, #tpu.memory_space<vmem>>) target_semaphore(%run_scoped3A_56 : memref<!tpu.dma_semaphore, #tpu.memory_space<semaphore_mem>>)
      %dma_wait3A = arith.constant 0 : i32
      %dma_wait3A_64 = arith.constant 0 : i32
      %dma_wait3A_65 = tpu.memref_slice %arg3[%run_scoped3A_18, %add3A, %dma_wait3A, %dma_wait3A_64] : memref<2x32x80x128xi32, #tpu.memory_space<hbm>> -> memref<1x1x80x128xi32, #tpu.memory_space<hbm>>
      %dma_wait3A_66 = tpu.memref_squeeze %dma_wait3A_65 : memref<1x1x80x128xi32, #tpu.memory_space<hbm>> -> memref<80x128xi32, #tpu.memory_space<hbm>>
      %dma_wait3A_67 = arith.constant 0 : i32
      %dma_wait3A_68 = arith.constant 0 : i32
      %dma_wait3A_69 = tpu.memref_slice %arg3[%run_scoped3A_18, %add3A, %dma_wait3A_67, %dma_wait3A_68] : memref<2x32x80x128xi32, #tpu.memory_space<hbm>> -> memref<1x1x80x128xi32, #tpu.memory_space<hbm>>
      %dma_wait3A_70 = tpu.memref_squeeze %dma_wait3A_69 : memref<1x1x80x128xi32, #tpu.memory_space<hbm>> -> memref<80x128xi32, #tpu.memory_space<hbm>>
      tpu.wait_dma2 semaphore(%run_scoped3A_56 : memref<!tpu.dma_semaphore, #tpu.memory_space<semaphore_mem>>) src(%dma_wait3A_70 : memref<80x128xi32, #tpu.memory_space<hbm>>) dst(%arg6 : memref<80x128xi32, #tpu.memory_space<vmem>>)
      tpu.yield
    }) : () -> ()
    %run_scoped3A_19 = arith.constant 1 : i32
    "tpu.region"() ({
      %run_scoped3A_56 = tpu.sem_alloc : memref<!tpu.dma_semaphore, #tpu.memory_space<semaphore_mem>>
      %dma_start3A = arith.constant 0 : i32
      %dma_start3A_57 = arith.constant 0 : i32
      %dma_start3A_58 = tpu.memref_slice %arg3[%run_scoped3A_19, %add3A, %dma_start3A, %dma_start3A_57] : memref<2x32x80x128xi32, #tpu.memory_space<hbm>> -> memref<1x1x80x128xi32, #tpu.memory_space<hbm>>
      %dma_start3A_59 = tpu.memref_squeeze %dma_start3A_58 : memref<1x1x80x128xi32, #tpu.memory_space<hbm>> -> memref<80x128xi32, #tpu.memory_space<hbm>>
      %dma_start3A_60 = arith.constant 0 : i32
      %dma_start3A_61 = arith.constant 0 : i32
      %dma_start3A_62 = tpu.memref_slice %arg3[%run_scoped3A_19, %add3A, %dma_start3A_60, %dma_start3A_61] : memref<2x32x80x128xi32, #tpu.memory_space<hbm>> -> memref<1x1x80x128xi32, #tpu.memory_space<hbm>>
      %dma_start3A_63 = tpu.memref_squeeze %dma_start3A_62 : memref<1x1x80x128xi32, #tpu.memory_space<hbm>> -> memref<80x128xi32, #tpu.memory_space<hbm>>
      tpu.enqueue_dma source(%dma_start3A_63 : memref<80x128xi32, #tpu.memory_space<hbm>>) target(%arg7 : memref<80x128xi32, #tpu.memory_space<vmem>>) target_semaphore(%run_scoped3A_56 : memref<!tpu.dma_semaphore, #tpu.memory_space<semaphore_mem>>)
      %dma_wait3A = arith.constant 0 : i32
      %dma_wait3A_64 = arith.constant 0 : i32
      %dma_wait3A_65 = tpu.memref_slice %arg3[%run_scoped3A_19, %add3A, %dma_wait3A, %dma_wait3A_64] : memref<2x32x80x128xi32, #tpu.memory_space<hbm>> -> memref<1x1x80x128xi32, #tpu.memory_space<hbm>>
      %dma_wait3A_66 = tpu.memref_squeeze %dma_wait3A_65 : memref<1x1x80x128xi32, #tpu.memory_space<hbm>> -> memref<80x128xi32, #tpu.memory_space<hbm>>
      %dma_wait3A_67 = arith.constant 0 : i32
      %dma_wait3A_68 = arith.constant 0 : i32
      %dma_wait3A_69 = tpu.memref_slice %arg3[%run_scoped3A_19, %add3A, %dma_wait3A_67, %dma_wait3A_68] : memref<2x32x80x128xi32, #tpu.memory_space<hbm>> -> memref<1x1x80x128xi32, #tpu.memory_space<hbm>>
      %dma_wait3A_70 = tpu.memref_squeeze %dma_wait3A_69 : memref<1x1x80x128xi32, #tpu.memory_space<hbm>> -> memref<80x128xi32, #tpu.memory_space<hbm>>
      tpu.wait_dma2 semaphore(%run_scoped3A_56 : memref<!tpu.dma_semaphore, #tpu.memory_space<semaphore_mem>>) src(%dma_wait3A_70 : memref<80x128xi32, #tpu.memory_space<hbm>>) dst(%arg7 : memref<80x128xi32, #tpu.memory_space<vmem>>)
      tpu.yield
    }) : () -> ()
    %barrier3A = arith.constant 0 : index
    tpu.barrier barrier_id(%barrier3A)
    %scan3A = arith.constant 0 : i32
    %scan3A_20 = arith.constant 0 : i32
    %scan3A_21 = arith.constant 40 : i32
    %scan3A_22 = arith.addi %scan3A_20, %scan3A_21 : i32
    %scan3A_23 = arith.constant 1 : i32
    scf.for %scan3A_56 = %scan3A_20 to %scan3A_22 step %scan3A_23  : i32 {
      %mul3A_57 = arith.constant 2 : i32
      %mul3A_58 = arith.muli %scan3A_56, %mul3A_57 : i32
      %add3A_59 = arith.constant 0 : i32
      %add3A_60 = arith.addi %mul3A_58, %add3A_59 : i32
      %dma_start3A = arith.constant 0 : i32
      %dma_start3A_61 = arith.constant 0 : i32
      %dma_start3A_62 = arith.constant 0 : i32
      %dma_start3A_63 = tpu.memref_slice %arg8[%dma_start3A, %dma_start3A_61, %dma_start3A_62] : memref<2x128x64xf32, #tpu.memory_space<vmem>> -> memref<1x128x64xf32, #tpu.memory_space<vmem>>
      %dma_start3A_64 = tpu.memref_squeeze %dma_start3A_63 : memref<1x128x64xf32, #tpu.memory_space<vmem>> -> memref<128x64xf32, #tpu.memory_space<vmem>>
      %dma_start3A_65 = arith.constant 0 : i32
      %dma_start3A_66 = tpu.memref_slice %arg6[%add3A_60, %dma_start3A_65] : memref<80x128xi32, #tpu.memory_space<vmem>> -> memref<1x128xi32, #tpu.memory_space<vmem>>
      %dma_start3A_67 = tpu.memref_squeeze %dma_start3A_66 : memref<1x128xi32, #tpu.memory_space<vmem>> -> memref<128xi32, #tpu.memory_space<vmem>>
      %dma_start3A_68 = arith.constant 0 : i32
      %dma_start3A_69 = arith.constant 0 : i32
      %dma_start3A_70 = tpu.memref_slice %arg10[%dma_start3A_68, %dma_start3A_69] : memref<10240x64xf32, #tpu.memory_space<vmem_shared>> -> memref<10240x64xf32, #tpu.memory_space<vmem_shared>>
      tpu.enqueue_indirect_dma source(%dma_start3A_70 : memref<10240x64xf32, #tpu.memory_space<vmem_shared>>) target(%dma_start3A_64 : memref<128x64xf32, #tpu.memory_space<vmem>>) offsets(%dma_start3A_67 : memref<128xi32, #tpu.memory_space<vmem>>) semaphore(%arg11 : memref<!tpu.dma_semaphore, #tpu.memory_space<semaphore_mem>>)
      %add3A_71 = arith.constant 1 : i32
      %add3A_72 = arith.addi %mul3A_58, %add3A_71 : i32
      %dma_start3A_73 = arith.constant 1 : i32
      %dma_start3A_74 = arith.constant 0 : i32
      %dma_start3A_75 = arith.constant 0 : i32
      %dma_start3A_76 = tpu.memref_slice %arg8[%dma_start3A_73, %dma_start3A_74, %dma_start3A_75] : memref<2x128x64xf32, #tpu.memory_space<vmem>> -> memref<1x128x64xf32, #tpu.memory_space<vmem>>
      %dma_start3A_77 = tpu.memref_squeeze %dma_start3A_76 : memref<1x128x64xf32, #tpu.memory_space<vmem>> -> memref<128x64xf32, #tpu.memory_space<vmem>>
      %dma_start3A_78 = arith.constant 0 : i32
      %dma_start3A_79 = tpu.memref_slice %arg6[%add3A_72, %dma_start3A_78] : memref<80x128xi32, #tpu.memory_space<vmem>> -> memref<1x128xi32, #tpu.memory_space<vmem>>
      %dma_start3A_80 = tpu.memref_squeeze %dma_start3A_79 : memref<1x128xi32, #tpu.memory_space<vmem>> -> memref<128xi32, #tpu.memory_space<vmem>>
      %dma_start3A_81 = arith.constant 0 : i32
      %dma_start3A_82 = arith.constant 0 : i32
      %dma_start3A_83 = tpu.memref_slice %arg10[%dma_start3A_81, %dma_start3A_82] : memref<10240x64xf32, #tpu.memory_space<vmem_shared>> -> memref<10240x64xf32, #tpu.memory_space<vmem_shared>>
      tpu.enqueue_indirect_dma source(%dma_start3A_83 : memref<10240x64xf32, #tpu.memory_space<vmem_shared>>) target(%dma_start3A_77 : memref<128x64xf32, #tpu.memory_space<vmem>>) offsets(%dma_start3A_80 : memref<128xi32, #tpu.memory_space<vmem>>) semaphore(%arg12 : memref<!tpu.dma_semaphore, #tpu.memory_space<semaphore_mem>>)
      %dma_wait3A = arith.constant 0 : i32
      %dma_wait3A_84 = arith.constant 0 : i32
      %dma_wait3A_85 = arith.constant 0 : i32
      %dma_wait3A_86 = tpu.memref_slice %arg8[%dma_wait3A, %dma_wait3A_84, %dma_wait3A_85] : memref<2x128x64xf32, #tpu.memory_space<vmem>> -> memref<1x128x64xf32, #tpu.memory_space<vmem>>
      %dma_wait3A_87 = tpu.memref_squeeze %dma_wait3A_86 : memref<1x128x64xf32, #tpu.memory_space<vmem>> -> memref<128x64xf32, #tpu.memory_space<vmem>>
      %dma_wait3A_88 = arith.constant 0 : i32
      %dma_wait3A_89 = tpu.memref_slice %arg6[%add3A_60, %dma_wait3A_88] : memref<80x128xi32, #tpu.memory_space<vmem>> -> memref<1x128xi32, #tpu.memory_space<vmem>>
      %dma_wait3A_90 = tpu.memref_squeeze %dma_wait3A_89 : memref<1x128xi32, #tpu.memory_space<vmem>> -> memref<128xi32, #tpu.memory_space<vmem>>
      %dma_wait3A_91 = arith.constant 0 : i32
      %dma_wait3A_92 = arith.constant 0 : i32
      %dma_wait3A_93 = tpu.memref_slice %arg10[%dma_wait3A_91, %dma_wait3A_92] : memref<10240x64xf32, #tpu.memory_space<vmem_shared>> -> memref<10240x64xf32, #tpu.memory_space<vmem_shared>>
      tpu.wait_indirect_dma semaphore(%arg11 : memref<!tpu.dma_semaphore, #tpu.memory_space<semaphore_mem>>) src(%dma_wait3A_93 : memref<10240x64xf32, #tpu.memory_space<vmem_shared>>) dst(%dma_wait3A_87 : memref<128x64xf32, #tpu.memory_space<vmem>>)
      %add3A_94 = arith.constant 0 : i32
      %add3A_95 = arith.addi %mul3A_58, %add3A_94 : i32
      %dma_start3A_96 = arith.constant 0 : i32
      %dma_start3A_97 = arith.constant 0 : i32
      %dma_start3A_98 = arith.constant 0 : i32
      %dma_start3A_99 = tpu.memref_slice %arg8[%dma_start3A_96, %dma_start3A_97, %dma_start3A_98] : memref<2x128x64xf32, #tpu.memory_space<vmem>> -> memref<1x128x64xf32, #tpu.memory_space<vmem>>
      %dma_start3A_100 = tpu.memref_squeeze %dma_start3A_99 : memref<1x128x64xf32, #tpu.memory_space<vmem>> -> memref<128x64xf32, #tpu.memory_space<vmem>>
      %dma_start3A_101 = arith.constant 0 : i32
      %dma_start3A_102 = tpu.memref_slice %arg7[%add3A_95, %dma_start3A_101] : memref<80x128xi32, #tpu.memory_space<vmem>> -> memref<1x128xi32, #tpu.memory_space<vmem>>
      %dma_start3A_103 = tpu.memref_squeeze %dma_start3A_102 : memref<1x128xi32, #tpu.memory_space<vmem>> -> memref<128xi32, #tpu.memory_space<vmem>>
      %dma_start3A_104 = arith.constant 0 : i32
      %dma_start3A_105 = arith.constant 0 : i32
      %dma_start3A_106 = tpu.memref_slice %arg9[%dma_start3A_104, %dma_start3A_105] : memref<10240x64xf32, #tpu.memory_space<vmem_shared>> -> memref<10240x64xf32, #tpu.memory_space<vmem_shared>>
      tpu.enqueue_indirect_dma source(%dma_start3A_100 : memref<128x64xf32, #tpu.memory_space<vmem>>) target(%dma_start3A_106 : memref<10240x64xf32, #tpu.memory_space<vmem_shared>>) offsets(%dma_start3A_103 : memref<128xi32, #tpu.memory_space<vmem>>) semaphore(%arg13 : memref<!tpu.dma_semaphore, #tpu.memory_space<semaphore_mem>>) {add = true}
      %dma_wait3A_107 = arith.constant 1 : i32
      %dma_wait3A_108 = arith.constant 0 : i32
      %dma_wait3A_109 = arith.constant 0 : i32
      %dma_wait3A_110 = tpu.memref_slice %arg8[%dma_wait3A_107, %dma_wait3A_108, %dma_wait3A_109] : memref<2x128x64xf32, #tpu.memory_space<vmem>> -> memref<1x128x64xf32, #tpu.memory_space<vmem>>
      %dma_wait3A_111 = tpu.memref_squeeze %dma_wait3A_110 : memref<1x128x64xf32, #tpu.memory_space<vmem>> -> memref<128x64xf32, #tpu.memory_space<vmem>>
      %dma_wait3A_112 = arith.constant 0 : i32
      %dma_wait3A_113 = tpu.memref_slice %arg6[%add3A_72, %dma_wait3A_112] : memref<80x128xi32, #tpu.memory_space<vmem>> -> memref<1x128xi32, #tpu.memory_space<vmem>>
      %dma_wait3A_114 = tpu.memref_squeeze %dma_wait3A_113 : memref<1x128xi32, #tpu.memory_space<vmem>> -> memref<128xi32, #tpu.memory_space<vmem>>
      %dma_wait3A_115 = arith.constant 0 : i32
      %dma_wait3A_116 = arith.constant 0 : i32
      %dma_wait3A_117 = tpu.memref_slice %arg10[%dma_wait3A_115, %dma_wait3A_116] : memref<10240x64xf32, #tpu.memory_space<vmem_shared>> -> memref<10240x64xf32, #tpu.memory_space<vmem_shared>>
      tpu.wait_indirect_dma semaphore(%arg12 : memref<!tpu.dma_semaphore, #tpu.memory_space<semaphore_mem>>) src(%dma_wait3A_117 : memref<10240x64xf32, #tpu.memory_space<vmem_shared>>) dst(%dma_wait3A_111 : memref<128x64xf32, #tpu.memory_space<vmem>>)
      %add3A_118 = arith.constant 1 : i32
      %add3A_119 = arith.addi %mul3A_58, %add3A_118 : i32
      %dma_start3A_120 = arith.constant 1 : i32
      %dma_start3A_121 = arith.constant 0 : i32
      %dma_start3A_122 = arith.constant 0 : i32
      %dma_start3A_123 = tpu.memref_slice %arg8[%dma_start3A_120, %dma_start3A_121, %dma_start3A_122] : memref<2x128x64xf32, #tpu.memory_space<vmem>> -> memref<1x128x64xf32, #tpu.memory_space<vmem>>
      %dma_start3A_124 = tpu.memref_squeeze %dma_start3A_123 : memref<1x128x64xf32, #tpu.memory_space<vmem>> -> memref<128x64xf32, #tpu.memory_space<vmem>>
      %dma_start3A_125 = arith.constant 0 : i32
      %dma_start3A_126 = tpu.memref_slice %arg7[%add3A_119, %dma_start3A_125] : memref<80x128xi32, #tpu.memory_space<vmem>> -> memref<1x128xi32, #tpu.memory_space<vmem>>
      %dma_start3A_127 = tpu.memref_squeeze %dma_start3A_126 : memref<1x128xi32, #tpu.memory_space<vmem>> -> memref<128xi32, #tpu.memory_space<vmem>>
      %dma_start3A_128 = arith.constant 0 : i32
      %dma_start3A_129 = arith.constant 0 : i32
      %dma_start3A_130 = tpu.memref_slice %arg9[%dma_start3A_128, %dma_start3A_129] : memref<10240x64xf32, #tpu.memory_space<vmem_shared>> -> memref<10240x64xf32, #tpu.memory_space<vmem_shared>>
      tpu.enqueue_indirect_dma source(%dma_start3A_124 : memref<128x64xf32, #tpu.memory_space<vmem>>) target(%dma_start3A_130 : memref<10240x64xf32, #tpu.memory_space<vmem_shared>>) offsets(%dma_start3A_127 : memref<128xi32, #tpu.memory_space<vmem>>) semaphore(%arg14 : memref<!tpu.dma_semaphore, #tpu.memory_space<semaphore_mem>>) {add = true}
      %dma_wait3A_131 = arith.constant 0 : i32
      %dma_wait3A_132 = arith.constant 0 : i32
      %dma_wait3A_133 = arith.constant 0 : i32
      %dma_wait3A_134 = tpu.memref_slice %arg8[%dma_wait3A_131, %dma_wait3A_132, %dma_wait3A_133] : memref<2x128x64xf32, #tpu.memory_space<vmem>> -> memref<1x128x64xf32, #tpu.memory_space<vmem>>
      %dma_wait3A_135 = tpu.memref_squeeze %dma_wait3A_134 : memref<1x128x64xf32, #tpu.memory_space<vmem>> -> memref<128x64xf32, #tpu.memory_space<vmem>>
      %dma_wait3A_136 = arith.constant 0 : i32
      %dma_wait3A_137 = tpu.memref_slice %arg7[%add3A_95, %dma_wait3A_136] : memref<80x128xi32, #tpu.memory_space<vmem>> -> memref<1x128xi32, #tpu.memory_space<vmem>>
      %dma_wait3A_138 = tpu.memref_squeeze %dma_wait3A_137 : memref<1x128xi32, #tpu.memory_space<vmem>> -> memref<128xi32, #tpu.memory_space<vmem>>
      %dma_wait3A_139 = arith.constant 0 : i32
      %dma_wait3A_140 = arith.constant 0 : i32
      %dma_wait3A_141 = tpu.memref_slice %arg9[%dma_wait3A_139, %dma_wait3A_140] : memref<10240x64xf32, #tpu.memory_space<vmem_shared>> -> memref<10240x64xf32, #tpu.memory_space<vmem_shared>>
      tpu.wait_indirect_dma semaphore(%arg13 : memref<!tpu.dma_semaphore, #tpu.memory_space<semaphore_mem>>) src(%dma_wait3A_135 : memref<128x64xf32, #tpu.memory_space<vmem>>) dst(%dma_wait3A_141 : memref<10240x64xf32, #tpu.memory_space<vmem_shared>>)
      %dma_wait3A_142 = arith.constant 1 : i32
      %dma_wait3A_143 = arith.constant 0 : i32
      %dma_wait3A_144 = arith.constant 0 : i32
      %dma_wait3A_145 = tpu.memref_slice %arg8[%dma_wait3A_142, %dma_wait3A_143, %dma_wait3A_144] : memref<2x128x64xf32, #tpu.memory_space<vmem>> -> memref<1x128x64xf32, #tpu.memory_space<vmem>>
      %dma_wait3A_146 = tpu.memref_squeeze %dma_wait3A_145 : memref<1x128x64xf32, #tpu.memory_space<vmem>> -> memref<128x64xf32, #tpu.memory_space<vmem>>
      %dma_wait3A_147 = arith.constant 0 : i32
      %dma_wait3A_148 = tpu.memref_slice %arg7[%add3A_119, %dma_wait3A_147] : memref<80x128xi32, #tpu.memory_space<vmem>> -> memref<1x128xi32, #tpu.memory_space<vmem>>
      %dma_wait3A_149 = tpu.memref_squeeze %dma_wait3A_148 : memref<1x128xi32, #tpu.memory_space<vmem>> -> memref<128xi32, #tpu.memory_space<vmem>>
      %dma_wait3A_150 = arith.constant 0 : i32
      %dma_wait3A_151 = arith.constant 0 : i32
      %dma_wait3A_152 = tpu.memref_slice %arg9[%dma_wait3A_150, %dma_wait3A_151] : memref<10240x64xf32, #tpu.memory_space<vmem_shared>> -> memref<10240x64xf32, #tpu.memory_space<vmem_shared>>
      tpu.wait_indirect_dma semaphore(%arg14 : memref<!tpu.dma_semaphore, #tpu.memory_space<semaphore_mem>>) src(%dma_wait3A_146 : memref<128x64xf32, #tpu.memory_space<vmem>>) dst(%dma_wait3A_152 : memref<10240x64xf32, #tpu.memory_space<vmem_shared>>)
    }
    %scan3A_24 = arith.constant 40 : i32
    %barrier3A_25 = arith.constant 0 : index
    tpu.barrier barrier_id(%barrier3A_25)
    %add3A_26 = arith.constant 0 : i32
    %add3A_27 = arith.addi %mul3A_2, %add3A_26 : i32
    %run_scoped3A_28 = arith.constant 0 : i32
    "tpu.region"() ({
      %run_scoped3A_56 = tpu.sem_alloc : memref<!tpu.dma_semaphore, #tpu.memory_space<semaphore_mem>>
      %dma_start3A = arith.constant 0 : i32
      %dma_start3A_57 = arith.constant 0 : i32
      %dma_start3A_58 = tpu.memref_slice %arg8[%run_scoped3A_28, %dma_start3A, %dma_start3A_57] : memref<2x128x64xf32, #tpu.memory_space<vmem>> -> memref<1x128x64xf32, #tpu.memory_space<vmem>>
      %dma_start3A_59 = tpu.memref_squeeze %dma_start3A_58 : memref<1x128x64xf32, #tpu.memory_space<vmem>> -> memref<128x64xf32, #tpu.memory_space<vmem>>
      %dma_start3A_60 = arith.constant 0 : i32
      %dma_start3A_61 = tpu.memref_slice %arg9[%add3A_27, %dma_start3A_60] : memref<10240x64xf32, #tpu.memory_space<vmem_shared>> -> memref<128x64xf32, #tpu.memory_space<vmem_shared>>
      %dma_start3A_62 = arith.constant 0 : i32
      %dma_start3A_63 = arith.constant 0 : i32
      %dma_start3A_64 = tpu.memref_slice %arg8[%run_scoped3A_28, %dma_start3A_62, %dma_start3A_63] : memref<2x128x64xf32, #tpu.memory_space<vmem>> -> memref<1x128x64xf32, #tpu.memory_space<vmem>>
      %dma_start3A_65 = tpu.memref_squeeze %dma_start3A_64 : memref<1x128x64xf32, #tpu.memory_space<vmem>> -> memref<128x64xf32, #tpu.memory_space<vmem>>
      %dma_start3A_66 = arith.constant 0 : i32
      %dma_start3A_67 = tpu.memref_slice %arg9[%add3A_27, %dma_start3A_66] : memref<10240x64xf32, #tpu.memory_space<vmem_shared>> -> memref<128x64xf32, #tpu.memory_space<vmem_shared>>
      tpu.enqueue_dma source(%dma_start3A_67 : memref<128x64xf32, #tpu.memory_space<vmem_shared>>) target(%dma_start3A_65 : memref<128x64xf32, #tpu.memory_space<vmem>>) target_semaphore(%run_scoped3A_56 : memref<!tpu.dma_semaphore, #tpu.memory_space<semaphore_mem>>)
      %dma_wait3A = arith.constant 0 : i32
      %dma_wait3A_68 = arith.constant 0 : i32
      %dma_wait3A_69 = tpu.memref_slice %arg8[%run_scoped3A_28, %dma_wait3A, %dma_wait3A_68] : memref<2x128x64xf32, #tpu.memory_space<vmem>> -> memref<1x128x64xf32, #tpu.memory_space<vmem>>
      %dma_wait3A_70 = tpu.memref_squeeze %dma_wait3A_69 : memref<1x128x64xf32, #tpu.memory_space<vmem>> -> memref<128x64xf32, #tpu.memory_space<vmem>>
      %dma_wait3A_71 = arith.constant 0 : i32
      %dma_wait3A_72 = tpu.memref_slice %arg9[%add3A_27, %dma_wait3A_71] : memref<10240x64xf32, #tpu.memory_space<vmem_shared>> -> memref<128x64xf32, #tpu.memory_space<vmem_shared>>
      %dma_wait3A_73 = arith.constant 0 : i32
      %dma_wait3A_74 = arith.constant 0 : i32
      %dma_wait3A_75 = tpu.memref_slice %arg8[%run_scoped3A_28, %dma_wait3A_73, %dma_wait3A_74] : memref<2x128x64xf32, #tpu.memory_space<vmem>> -> memref<1x128x64xf32, #tpu.memory_space<vmem>>
      %dma_wait3A_76 = tpu.memref_squeeze %dma_wait3A_75 : memref<1x128x64xf32, #tpu.memory_space<vmem>> -> memref<128x64xf32, #tpu.memory_space<vmem>>
      %dma_wait3A_77 = arith.constant 0 : i32
      %dma_wait3A_78 = tpu.memref_slice %arg9[%add3A_27, %dma_wait3A_77] : memref<10240x64xf32, #tpu.memory_space<vmem_shared>> -> memref<128x64xf32, #tpu.memory_space<vmem_shared>>
      tpu.wait_dma2 semaphore(%run_scoped3A_56 : memref<!tpu.dma_semaphore, #tpu.memory_space<semaphore_mem>>) src(%dma_wait3A_78 : memref<128x64xf32, #tpu.memory_space<vmem_shared>>) dst(%dma_wait3A_76 : memref<128x64xf32, #tpu.memory_space<vmem>>)
      tpu.yield
    }) : () -> ()
    %add3A_29 = arith.constant 0 : i32
    %add3A_30 = arith.addi %mul3A_2, %add3A_29 : i32
    %run_scoped3A_31 = arith.constant 0 : i32
    "tpu.region"() ({
      %run_scoped3A_56 = tpu.sem_alloc : memref<!tpu.dma_semaphore, #tpu.memory_space<semaphore_mem>>
      %dma_start3A = arith.constant 0 : i32
      %dma_start3A_57 = arith.constant 0 : i32
      %dma_start3A_58 = tpu.memref_slice %arg8[%run_scoped3A_31, %dma_start3A, %dma_start3A_57] : memref<2x128x64xf32, #tpu.memory_space<vmem>> -> memref<1x128x64xf32, #tpu.memory_space<vmem>>
      %dma_start3A_59 = tpu.memref_squeeze %dma_start3A_58 : memref<1x128x64xf32, #tpu.memory_space<vmem>> -> memref<128x64xf32, #tpu.memory_space<vmem>>
      %dma_start3A_60 = arith.constant 0 : i32
      %dma_start3A_61 = tpu.memref_slice %arg5[%arg0, %add3A_30, %dma_start3A_60] : memref<2x10240x64xf32, #tpu.memory_space<hbm>> -> memref<1x128x64xf32, #tpu.memory_space<hbm>>
      %dma_start3A_62 = tpu.memref_squeeze %dma_start3A_61 : memref<1x128x64xf32, #tpu.memory_space<hbm>> -> memref<128x64xf32, #tpu.memory_space<hbm>>
      %dma_start3A_63 = arith.constant 0 : i32
      %dma_start3A_64 = tpu.memref_slice %arg5[%arg0, %add3A_30, %dma_start3A_63] : memref<2x10240x64xf32, #tpu.memory_space<hbm>> -> memref<1x128x64xf32, #tpu.memory_space<hbm>>
      %dma_start3A_65 = tpu.memref_squeeze %dma_start3A_64 : memref<1x128x64xf32, #tpu.memory_space<hbm>> -> memref<128x64xf32, #tpu.memory_space<hbm>>
      %dma_start3A_66 = arith.constant 0 : i32
      %dma_start3A_67 = arith.constant 0 : i32
      %dma_start3A_68 = tpu.memref_slice %arg8[%run_scoped3A_31, %dma_start3A_66, %dma_start3A_67] : memref<2x128x64xf32, #tpu.memory_space<vmem>> -> memref<1x128x64xf32, #tpu.memory_space<vmem>>
      %dma_start3A_69 = tpu.memref_squeeze %dma_start3A_68 : memref<1x128x64xf32, #tpu.memory_space<vmem>> -> memref<128x64xf32, #tpu.memory_space<vmem>>
      tpu.enqueue_dma source(%dma_start3A_69 : memref<128x64xf32, #tpu.memory_space<vmem>>) target(%dma_start3A_65 : memref<128x64xf32, #tpu.memory_space<hbm>>) target_semaphore(%run_scoped3A_56 : memref<!tpu.dma_semaphore, #tpu.memory_space<semaphore_mem>>)
      %dma_wait3A = arith.constant 0 : i32
      %dma_wait3A_70 = arith.constant 0 : i32
      %dma_wait3A_71 = tpu.memref_slice %arg8[%run_scoped3A_31, %dma_wait3A, %dma_wait3A_70] : memref<2x128x64xf32, #tpu.memory_space<vmem>> -> memref<1x128x64xf32, #tpu.memory_space<vmem>>
      %dma_wait3A_72 = tpu.memref_squeeze %dma_wait3A_71 : memref<1x128x64xf32, #tpu.memory_space<vmem>> -> memref<128x64xf32, #tpu.memory_space<vmem>>
      %dma_wait3A_73 = arith.constant 0 : i32
      %dma_wait3A_74 = tpu.memref_slice %arg5[%arg0, %add3A_30, %dma_wait3A_73] : memref<2x10240x64xf32, #tpu.memory_space<hbm>> -> memref<1x128x64xf32, #tpu.memory_space<hbm>>
      %dma_wait3A_75 = tpu.memref_squeeze %dma_wait3A_74 : memref<1x128x64xf32, #tpu.memory_space<hbm>> -> memref<128x64xf32, #tpu.memory_space<hbm>>
      %dma_wait3A_76 = arith.constant 0 : i32
      %dma_wait3A_77 = tpu.memref_slice %arg5[%arg0, %add3A_30, %dma_wait3A_76] : memref<2x10240x64xf32, #tpu.memory_space<hbm>> -> memref<1x128x64xf32, #tpu.memory_space<hbm>>
      %dma_wait3A_78 = tpu.memref_squeeze %dma_wait3A_77 : memref<1x128x64xf32, #tpu.memory_space<hbm>> -> memref<128x64xf32, #tpu.memory_space<hbm>>
      %dma_wait3A_79 = arith.constant 0 : i32
      %dma_wait3A_80 = arith.constant 0 : i32
      %dma_wait3A_81 = tpu.memref_slice %arg8[%run_scoped3A_31, %dma_wait3A_79, %dma_wait3A_80] : memref<2x128x64xf32, #tpu.memory_space<vmem>> -> memref<1x128x64xf32, #tpu.memory_space<vmem>>
      %dma_wait3A_82 = tpu.memref_squeeze %dma_wait3A_81 : memref<1x128x64xf32, #tpu.memory_space<vmem>> -> memref<128x64xf32, #tpu.memory_space<vmem>>
      tpu.wait_dma2 semaphore(%run_scoped3A_56 : memref<!tpu.dma_semaphore, #tpu.memory_space<semaphore_mem>>) src(%dma_wait3A_82 : memref<128x64xf32, #tpu.memory_space<vmem>>) dst(%dma_wait3A_78 : memref<128x64xf32, #tpu.memory_space<hbm>>)
      tpu.yield
    }) : () -> ()
    %add3A_32 = arith.constant 128 : i32
    %add3A_33 = arith.addi %mul3A_2, %add3A_32 : i32
    %run_scoped3A_34 = arith.constant 0 : i32
    "tpu.region"() ({
      %run_scoped3A_56 = tpu.sem_alloc : memref<!tpu.dma_semaphore, #tpu.memory_space<semaphore_mem>>
      %dma_start3A = arith.constant 0 : i32
      %dma_start3A_57 = arith.constant 0 : i32
      %dma_start3A_58 = tpu.memref_slice %arg8[%run_scoped3A_34, %dma_start3A, %dma_start3A_57] : memref<2x128x64xf32, #tpu.memory_space<vmem>> -> memref<1x128x64xf32, #tpu.memory_space<vmem>>
      %dma_start3A_59 = tpu.memref_squeeze %dma_start3A_58 : memref<1x128x64xf32, #tpu.memory_space<vmem>> -> memref<128x64xf32, #tpu.memory_space<vmem>>
      %dma_start3A_60 = arith.constant 0 : i32
      %dma_start3A_61 = tpu.memref_slice %arg9[%add3A_33, %dma_start3A_60] : memref<10240x64xf32, #tpu.memory_space<vmem_shared>> -> memref<128x64xf32, #tpu.memory_space<vmem_shared>>
      %dma_start3A_62 = arith.constant 0 : i32
      %dma_start3A_63 = arith.constant 0 : i32
      %dma_start3A_64 = tpu.memref_slice %arg8[%run_scoped3A_34, %dma_start3A_62, %dma_start3A_63] : memref<2x128x64xf32, #tpu.memory_space<vmem>> -> memref<1x128x64xf32, #tpu.memory_space<vmem>>
      %dma_start3A_65 = tpu.memref_squeeze %dma_start3A_64 : memref<1x128x64xf32, #tpu.memory_space<vmem>> -> memref<128x64xf32, #tpu.memory_space<vmem>>
      %dma_start3A_66 = arith.constant 0 : i32
      %dma_start3A_67 = tpu.memref_slice %arg9[%add3A_33, %dma_start3A_66] : memref<10240x64xf32, #tpu.memory_space<vmem_shared>> -> memref<128x64xf32, #tpu.memory_space<vmem_shared>>
      tpu.enqueue_dma source(%dma_start3A_67 : memref<128x64xf32, #tpu.memory_space<vmem_shared>>) target(%dma_start3A_65 : memref<128x64xf32, #tpu.memory_space<vmem>>) target_semaphore(%run_scoped3A_56 : memref<!tpu.dma_semaphore, #tpu.memory_space<semaphore_mem>>)
      %dma_wait3A = arith.constant 0 : i32
      %dma_wait3A_68 = arith.constant 0 : i32
      %dma_wait3A_69 = tpu.memref_slice %arg8[%run_scoped3A_34, %dma_wait3A, %dma_wait3A_68] : memref<2x128x64xf32, #tpu.memory_space<vmem>> -> memref<1x128x64xf32, #tpu.memory_space<vmem>>
      %dma_wait3A_70 = tpu.memref_squeeze %dma_wait3A_69 : memref<1x128x64xf32, #tpu.memory_space<vmem>> -> memref<128x64xf32, #tpu.memory_space<vmem>>
      %dma_wait3A_71 = arith.constant 0 : i32
      %dma_wait3A_72 = tpu.memref_slice %arg9[%add3A_33, %dma_wait3A_71] : memref<10240x64xf32, #tpu.memory_space<vmem_shared>> -> memref<128x64xf32, #tpu.memory_space<vmem_shared>>
      %dma_wait3A_73 = arith.constant 0 : i32
      %dma_wait3A_74 = arith.constant 0 : i32
      %dma_wait3A_75 = tpu.memref_slice %arg8[%run_scoped3A_34, %dma_wait3A_73, %dma_wait3A_74] : memref<2x128x64xf32, #tpu.memory_space<vmem>> -> memref<1x128x64xf32, #tpu.memory_space<vmem>>
      %dma_wait3A_76 = tpu.memref_squeeze %dma_wait3A_75 : memref<1x128x64xf32, #tpu.memory_space<vmem>> -> memref<128x64xf32, #tpu.memory_space<vmem>>
      %dma_wait3A_77 = arith.constant 0 : i32
      %dma_wait3A_78 = tpu.memref_slice %arg9[%add3A_33, %dma_wait3A_77] : memref<10240x64xf32, #tpu.memory_space<vmem_shared>> -> memref<128x64xf32, #tpu.memory_space<vmem_shared>>
      tpu.wait_dma2 semaphore(%run_scoped3A_56 : memref<!tpu.dma_semaphore, #tpu.memory_space<semaphore_mem>>) src(%dma_wait3A_78 : memref<128x64xf32, #tpu.memory_space<vmem_shared>>) dst(%dma_wait3A_76 : memref<128x64xf32, #tpu.memory_space<vmem>>)
      tpu.yield
    }) : () -> ()
    %add3A_35 = arith.constant 128 : i32
    %add3A_36 = arith.addi %mul3A_2, %add3A_35 : i32
    %run_scoped3A_37 = arith.constant 0 : i32
    "tpu.region"() ({
      %run_scoped3A_56 = tpu.sem_alloc : memref<!tpu.dma_semaphore, #tpu.memory_space<semaphore_mem>>
      %dma_start3A = arith.constant 0 : i32
      %dma_start3A_57 = arith.constant 0 : i32
      %dma_start3A_58 = tpu.memref_slice %arg8[%run_scoped3A_37, %dma_start3A, %dma_start3A_57] : memref<2x128x64xf32, #tpu.memory_space<vmem>> -> memref<1x128x64xf32, #tpu.memory_space<vmem>>
      %dma_start3A_59 = tpu.memref_squeeze %dma_start3A_58 : memref<1x128x64xf32, #tpu.memory_space<vmem>> -> memref<128x64xf32, #tpu.memory_space<vmem>>
      %dma_start3A_60 = arith.constant 0 : i32
      %dma_start3A_61 = tpu.memref_slice %arg5[%arg0, %add3A_36, %dma_start3A_60] : memref<2x10240x64xf32, #tpu.memory_space<hbm>> -> memref<1x128x64xf32, #tpu.memory_space<hbm>>
      %dma_start3A_62 = tpu.memref_squeeze %dma_start3A_61 : memref<1x128x64xf32, #tpu.memory_space<hbm>> -> memref<128x64xf32, #tpu.memory_space<hbm>>
      %dma_start3A_63 = arith.constant 0 : i32
      %dma_start3A_64 = tpu.memref_slice %arg5[%arg0, %add3A_36, %dma_start3A_63] : memref<2x10240x64xf32, #tpu.memory_space<hbm>> -> memref<1x128x64xf32, #tpu.memory_space<hbm>>
      %dma_start3A_65 = tpu.memref_squeeze %dma_start3A_64 : memref<1x128x64xf32, #tpu.memory_space<hbm>> -> memref<128x64xf32, #tpu.memory_space<hbm>>
      %dma_start3A_66 = arith.constant 0 : i32
      %dma_start3A_67 = arith.constant 0 : i32
      %dma_start3A_68 = tpu.memref_slice %arg8[%run_scoped3A_37, %dma_start3A_66, %dma_start3A_67] : memref<2x128x64xf32, #tpu.memory_space<vmem>> -> memref<1x128x64xf32, #tpu.memory_space<vmem>>
      %dma_start3A_69 = tpu.memref_squeeze %dma_start3A_68 : memref<1x128x64xf32, #tpu.memory_space<vmem>> -> memref<128x64xf32, #tpu.memory_space<vmem>>
      tpu.enqueue_dma source(%dma_start3A_69 : memref<128x64xf32, #tpu.memory_space<vmem>>) target(%dma_start3A_65 : memref<128x64xf32, #tpu.memory_space<hbm>>) target_semaphore(%run_scoped3A_56 : memref<!tpu.dma_semaphore, #tpu.memory_space<semaphore_mem>>)
      %dma_wait3A = arith.constant 0 : i32
      %dma_wait3A_70 = arith.constant 0 : i32
      %dma_wait3A_71 = tpu.memref_slice %arg8[%run_scoped3A_37, %dma_wait3A, %dma_wait3A_70] : memref<2x128x64xf32, #tpu.memory_space<vmem>> -> memref<1x128x64xf32, #tpu.memory_space<vmem>>
      %dma_wait3A_72 = tpu.memref_squeeze %dma_wait3A_71 : memref<1x128x64xf32, #tpu.memory_space<vmem>> -> memref<128x64xf32, #tpu.memory_space<vmem>>
      %dma_wait3A_73 = arith.constant 0 : i32
      %dma_wait3A_74 = tpu.memref_slice %arg5[%arg0, %add3A_36, %dma_wait3A_73] : memref<2x10240x64xf32, #tpu.memory_space<hbm>> -> memref<1x128x64xf32, #tpu.memory_space<hbm>>
      %dma_wait3A_75 = tpu.memref_squeeze %dma_wait3A_74 : memref<1x128x64xf32, #tpu.memory_space<hbm>> -> memref<128x64xf32, #tpu.memory_space<hbm>>
      %dma_wait3A_76 = arith.constant 0 : i32
      %dma_wait3A_77 = tpu.memref_slice %arg5[%arg0, %add3A_36, %dma_wait3A_76] : memref<2x10240x64xf32, #tpu.memory_space<hbm>> -> memref<1x128x64xf32, #tpu.memory_space<hbm>>
      %dma_wait3A_78 = tpu.memref_squeeze %dma_wait3A_77 : memref<1x128x64xf32, #tpu.memory_space<hbm>> -> memref<128x64xf32, #tpu.memory_space<hbm>>
      %dma_wait3A_79 = arith.constant 0 : i32
      %dma_wait3A_80 = arith.constant 0 : i32
      %dma_wait3A_81 = tpu.memref_slice %arg8[%run_scoped3A_37, %dma_wait3A_79, %dma_wait3A_80] : memref<2x128x64xf32, #tpu.memory_space<vmem>> -> memref<1x128x64xf32, #tpu.memory_space<vmem>>
      %dma_wait3A_82 = tpu.memref_squeeze %dma_wait3A_81 : memref<1x128x64xf32, #tpu.memory_space<vmem>> -> memref<128x64xf32, #tpu.memory_space<vmem>>
      tpu.wait_dma2 semaphore(%run_scoped3A_56 : memref<!tpu.dma_semaphore, #tpu.memory_space<semaphore_mem>>) src(%dma_wait3A_82 : memref<128x64xf32, #tpu.memory_space<vmem>>) dst(%dma_wait3A_78 : memref<128x64xf32, #tpu.memory_space<hbm>>)
      tpu.yield
    }) : () -> ()
    %add3A_38 = arith.constant 256 : i32
    %add3A_39 = arith.addi %mul3A_2, %add3A_38 : i32
    %run_scoped3A_40 = arith.constant 0 : i32
    "tpu.region"() ({
      %run_scoped3A_56 = tpu.sem_alloc : memref<!tpu.dma_semaphore, #tpu.memory_space<semaphore_mem>>
      %dma_start3A = arith.constant 0 : i32
      %dma_start3A_57 = arith.constant 0 : i32
      %dma_start3A_58 = tpu.memref_slice %arg8[%run_scoped3A_40, %dma_start3A, %dma_start3A_57] : memref<2x128x64xf32, #tpu.memory_space<vmem>> -> memref<1x128x64xf32, #tpu.memory_space<vmem>>
      %dma_start3A_59 = tpu.memref_squeeze %dma_start3A_58 : memref<1x128x64xf32, #tpu.memory_space<vmem>> -> memref<128x64xf32, #tpu.memory_space<vmem>>
      %dma_start3A_60 = arith.constant 0 : i32
      %dma_start3A_61 = tpu.memref_slice %arg9[%add3A_39, %dma_start3A_60] : memref<10240x64xf32, #tpu.memory_space<vmem_shared>> -> memref<128x64xf32, #tpu.memory_space<vmem_shared>>
      %dma_start3A_62 = arith.constant 0 : i32
      %dma_start3A_63 = arith.constant 0 : i32
      %dma_start3A_64 = tpu.memref_slice %arg8[%run_scoped3A_40, %dma_start3A_62, %dma_start3A_63] : memref<2x128x64xf32, #tpu.memory_space<vmem>> -> memref<1x128x64xf32, #tpu.memory_space<vmem>>
      %dma_start3A_65 = tpu.memref_squeeze %dma_start3A_64 : memref<1x128x64xf32, #tpu.memory_space<vmem>> -> memref<128x64xf32, #tpu.memory_space<vmem>>
      %dma_start3A_66 = arith.constant 0 : i32
      %dma_start3A_67 = tpu.memref_slice %arg9[%add3A_39, %dma_start3A_66] : memref<10240x64xf32, #tpu.memory_space<vmem_shared>> -> memref<128x64xf32, #tpu.memory_space<vmem_shared>>
      tpu.enqueue_dma source(%dma_start3A_67 : memref<128x64xf32, #tpu.memory_space<vmem_shared>>) target(%dma_start3A_65 : memref<128x64xf32, #tpu.memory_space<vmem>>) target_semaphore(%run_scoped3A_56 : memref<!tpu.dma_semaphore, #tpu.memory_space<semaphore_mem>>)
      %dma_wait3A = arith.constant 0 : i32
      %dma_wait3A_68 = arith.constant 0 : i32
      %dma_wait3A_69 = tpu.memref_slice %arg8[%run_scoped3A_40, %dma_wait3A, %dma_wait3A_68] : memref<2x128x64xf32, #tpu.memory_space<vmem>> -> memref<1x128x64xf32, #tpu.memory_space<vmem>>
      %dma_wait3A_70 = tpu.memref_squeeze %dma_wait3A_69 : memref<1x128x64xf32, #tpu.memory_space<vmem>> -> memref<128x64xf32, #tpu.memory_space<vmem>>
      %dma_wait3A_71 = arith.constant 0 : i32
      %dma_wait3A_72 = tpu.memref_slice %arg9[%add3A_39, %dma_wait3A_71] : memref<10240x64xf32, #tpu.memory_space<vmem_shared>> -> memref<128x64xf32, #tpu.memory_space<vmem_shared>>
      %dma_wait3A_73 = arith.constant 0 : i32
      %dma_wait3A_74 = arith.constant 0 : i32
      %dma_wait3A_75 = tpu.memref_slice %arg8[%run_scoped3A_40, %dma_wait3A_73, %dma_wait3A_74] : memref<2x128x64xf32, #tpu.memory_space<vmem>> -> memref<1x128x64xf32, #tpu.memory_space<vmem>>
      %dma_wait3A_76 = tpu.memref_squeeze %dma_wait3A_75 : memref<1x128x64xf32, #tpu.memory_space<vmem>> -> memref<128x64xf32, #tpu.memory_space<vmem>>
      %dma_wait3A_77 = arith.constant 0 : i32
      %dma_wait3A_78 = tpu.memref_slice %arg9[%add3A_39, %dma_wait3A_77] : memref<10240x64xf32, #tpu.memory_space<vmem_shared>> -> memref<128x64xf32, #tpu.memory_space<vmem_shared>>
      tpu.wait_dma2 semaphore(%run_scoped3A_56 : memref<!tpu.dma_semaphore, #tpu.memory_space<semaphore_mem>>) src(%dma_wait3A_78 : memref<128x64xf32, #tpu.memory_space<vmem_shared>>) dst(%dma_wait3A_76 : memref<128x64xf32, #tpu.memory_space<vmem>>)
      tpu.yield
    }) : () -> ()
    %add3A_41 = arith.constant 256 : i32
    %add3A_42 = arith.addi %mul3A_2, %add3A_41 : i32
    %run_scoped3A_43 = arith.constant 0 : i32
    "tpu.region"() ({
      %run_scoped3A_56 = tpu.sem_alloc : memref<!tpu.dma_semaphore, #tpu.memory_space<semaphore_mem>>
      %dma_start3A = arith.constant 0 : i32
      %dma_start3A_57 = arith.constant 0 : i32
      %dma_start3A_58 = tpu.memref_slice %arg8[%run_scoped3A_43, %dma_start3A, %dma_start3A_57] : memref<2x128x64xf32, #tpu.memory_space<vmem>> -> memref<1x128x64xf32, #tpu.memory_space<vmem>>
      %dma_start3A_59 = tpu.memref_squeeze %dma_start3A_58 : memref<1x128x64xf32, #tpu.memory_space<vmem>> -> memref<128x64xf32, #tpu.memory_space<vmem>>
      %dma_start3A_60 = arith.constant 0 : i32
      %dma_start3A_61 = tpu.memref_slice %arg5[%arg0, %add3A_42, %dma_start3A_60] : memref<2x10240x64xf32, #tpu.memory_space<hbm>> -> memref<1x128x64xf32, #tpu.memory_space<hbm>>
      %dma_start3A_62 = tpu.memref_squeeze %dma_start3A_61 : memref<1x128x64xf32, #tpu.memory_space<hbm>> -> memref<128x64xf32, #tpu.memory_space<hbm>>
      %dma_start3A_63 = arith.constant 0 : i32
      %dma_start3A_64 = tpu.memref_slice %arg5[%arg0, %add3A_42, %dma_start3A_63] : memref<2x10240x64xf32, #tpu.memory_space<hbm>> -> memref<1x128x64xf32, #tpu.memory_space<hbm>>
      %dma_start3A_65 = tpu.memref_squeeze %dma_start3A_64 : memref<1x128x64xf32, #tpu.memory_space<hbm>> -> memref<128x64xf32, #tpu.memory_space<hbm>>
      %dma_start3A_66 = arith.constant 0 : i32
      %dma_start3A_67 = arith.constant 0 : i32
      %dma_start3A_68 = tpu.memref_slice %arg8[%run_scoped3A_43, %dma_start3A_66, %dma_start3A_67] : memref<2x128x64xf32, #tpu.memory_space<vmem>> -> memref<1x128x64xf32, #tpu.memory_space<vmem>>
      %dma_start3A_69 = tpu.memref_squeeze %dma_start3A_68 : memref<1x128x64xf32, #tpu.memory_space<vmem>> -> memref<128x64xf32, #tpu.memory_space<vmem>>
      tpu.enqueue_dma source(%dma_start3A_69 : memref<128x64xf32, #tpu.memory_space<vmem>>) target(%dma_start3A_65 : memref<128x64xf32, #tpu.memory_space<hbm>>) target_semaphore(%run_scoped3A_56 : memref<!tpu.dma_semaphore, #tpu.memory_space<semaphore_mem>>)
      %dma_wait3A = arith.constant 0 : i32
      %dma_wait3A_70 = arith.constant 0 : i32
      %dma_wait3A_71 = tpu.memref_slice %arg8[%run_scoped3A_43, %dma_wait3A, %dma_wait3A_70] : memref<2x128x64xf32, #tpu.memory_space<vmem>> -> memref<1x128x64xf32, #tpu.memory_space<vmem>>
      %dma_wait3A_72 = tpu.memref_squeeze %dma_wait3A_71 : memref<1x128x64xf32, #tpu.memory_space<vmem>> -> memref<128x64xf32, #tpu.memory_space<vmem>>
      %dma_wait3A_73 = arith.constant 0 : i32
      %dma_wait3A_74 = tpu.memref_slice %arg5[%arg0, %add3A_42, %dma_wait3A_73] : memref<2x10240x64xf32, #tpu.memory_space<hbm>> -> memref<1x128x64xf32, #tpu.memory_space<hbm>>
      %dma_wait3A_75 = tpu.memref_squeeze %dma_wait3A_74 : memref<1x128x64xf32, #tpu.memory_space<hbm>> -> memref<128x64xf32, #tpu.memory_space<hbm>>
      %dma_wait3A_76 = arith.constant 0 : i32
      %dma_wait3A_77 = tpu.memref_slice %arg5[%arg0, %add3A_42, %dma_wait3A_76] : memref<2x10240x64xf32, #tpu.memory_space<hbm>> -> memref<1x128x64xf32, #tpu.memory_space<hbm>>
      %dma_wait3A_78 = tpu.memref_squeeze %dma_wait3A_77 : memref<1x128x64xf32, #tpu.memory_space<hbm>> -> memref<128x64xf32, #tpu.memory_space<hbm>>
      %dma_wait3A_79 = arith.constant 0 : i32
      %dma_wait3A_80 = arith.constant 0 : i32
      %dma_wait3A_81 = tpu.memref_slice %arg8[%run_scoped3A_43, %dma_wait3A_79, %dma_wait3A_80] : memref<2x128x64xf32, #tpu.memory_space<vmem>> -> memref<1x128x64xf32, #tpu.memory_space<vmem>>
      %dma_wait3A_82 = tpu.memref_squeeze %dma_wait3A_81 : memref<1x128x64xf32, #tpu.memory_space<vmem>> -> memref<128x64xf32, #tpu.memory_space<vmem>>
      tpu.wait_dma2 semaphore(%run_scoped3A_56 : memref<!tpu.dma_semaphore, #tpu.memory_space<semaphore_mem>>) src(%dma_wait3A_82 : memref<128x64xf32, #tpu.memory_space<vmem>>) dst(%dma_wait3A_78 : memref<128x64xf32, #tpu.memory_space<hbm>>)
      tpu.yield
    }) : () -> ()
    %add3A_44 = arith.constant 384 : i32
    %add3A_45 = arith.addi %mul3A_2, %add3A_44 : i32
    %run_scoped3A_46 = arith.constant 0 : i32
    "tpu.region"() ({
      %run_scoped3A_56 = tpu.sem_alloc : memref<!tpu.dma_semaphore, #tpu.memory_space<semaphore_mem>>
      %dma_start3A = arith.constant 0 : i32
      %dma_start3A_57 = arith.constant 0 : i32
      %dma_start3A_58 = tpu.memref_slice %arg8[%run_scoped3A_46, %dma_start3A, %dma_start3A_57] : memref<2x128x64xf32, #tpu.memory_space<vmem>> -> memref<1x128x64xf32, #tpu.memory_space<vmem>>
      %dma_start3A_59 = tpu.memref_squeeze %dma_start3A_58 : memref<1x128x64xf32, #tpu.memory_space<vmem>> -> memref<128x64xf32, #tpu.memory_space<vmem>>
      %dma_start3A_60 = arith.constant 0 : i32
      %dma_start3A_61 = tpu.memref_slice %arg9[%add3A_45, %dma_start3A_60] : memref<10240x64xf32, #tpu.memory_space<vmem_shared>> -> memref<128x64xf32, #tpu.memory_space<vmem_shared>>
      %dma_start3A_62 = arith.constant 0 : i32
      %dma_start3A_63 = arith.constant 0 : i32
      %dma_start3A_64 = tpu.memref_slice %arg8[%run_scoped3A_46, %dma_start3A_62, %dma_start3A_63] : memref<2x128x64xf32, #tpu.memory_space<vmem>> -> memref<1x128x64xf32, #tpu.memory_space<vmem>>
      %dma_start3A_65 = tpu.memref_squeeze %dma_start3A_64 : memref<1x128x64xf32, #tpu.memory_space<vmem>> -> memref<128x64xf32, #tpu.memory_space<vmem>>
      %dma_start3A_66 = arith.constant 0 : i32
      %dma_start3A_67 = tpu.memref_slice %arg9[%add3A_45, %dma_start3A_66] : memref<10240x64xf32, #tpu.memory_space<vmem_shared>> -> memref<128x64xf32, #tpu.memory_space<vmem_shared>>
      tpu.enqueue_dma source(%dma_start3A_67 : memref<128x64xf32, #tpu.memory_space<vmem_shared>>) target(%dma_start3A_65 : memref<128x64xf32, #tpu.memory_space<vmem>>) target_semaphore(%run_scoped3A_56 : memref<!tpu.dma_semaphore, #tpu.memory_space<semaphore_mem>>)
      %dma_wait3A = arith.constant 0 : i32
      %dma_wait3A_68 = arith.constant 0 : i32
      %dma_wait3A_69 = tpu.memref_slice %arg8[%run_scoped3A_46, %dma_wait3A, %dma_wait3A_68] : memref<2x128x64xf32, #tpu.memory_space<vmem>> -> memref<1x128x64xf32, #tpu.memory_space<vmem>>
      %dma_wait3A_70 = tpu.memref_squeeze %dma_wait3A_69 : memref<1x128x64xf32, #tpu.memory_space<vmem>> -> memref<128x64xf32, #tpu.memory_space<vmem>>
      %dma_wait3A_71 = arith.constant 0 : i32
      %dma_wait3A_72 = tpu.memref_slice %arg9[%add3A_45, %dma_wait3A_71] : memref<10240x64xf32, #tpu.memory_space<vmem_shared>> -> memref<128x64xf32, #tpu.memory_space<vmem_shared>>
      %dma_wait3A_73 = arith.constant 0 : i32
      %dma_wait3A_74 = arith.constant 0 : i32
      %dma_wait3A_75 = tpu.memref_slice %arg8[%run_scoped3A_46, %dma_wait3A_73, %dma_wait3A_74] : memref<2x128x64xf32, #tpu.memory_space<vmem>> -> memref<1x128x64xf32, #tpu.memory_space<vmem>>
      %dma_wait3A_76 = tpu.memref_squeeze %dma_wait3A_75 : memref<1x128x64xf32, #tpu.memory_space<vmem>> -> memref<128x64xf32, #tpu.memory_space<vmem>>
      %dma_wait3A_77 = arith.constant 0 : i32
      %dma_wait3A_78 = tpu.memref_slice %arg9[%add3A_45, %dma_wait3A_77] : memref<10240x64xf32, #tpu.memory_space<vmem_shared>> -> memref<128x64xf32, #tpu.memory_space<vmem_shared>>
      tpu.wait_dma2 semaphore(%run_scoped3A_56 : memref<!tpu.dma_semaphore, #tpu.memory_space<semaphore_mem>>) src(%dma_wait3A_78 : memref<128x64xf32, #tpu.memory_space<vmem_shared>>) dst(%dma_wait3A_76 : memref<128x64xf32, #tpu.memory_space<vmem>>)
      tpu.yield
    }) : () -> ()
    %add3A_47 = arith.constant 384 : i32
    %add3A_48 = arith.addi %mul3A_2, %add3A_47 : i32
    %run_scoped3A_49 = arith.constant 0 : i32
    "tpu.region"() ({
      %run_scoped3A_56 = tpu.sem_alloc : memref<!tpu.dma_semaphore, #tpu.memory_space<semaphore_mem>>
      %dma_start3A = arith.constant 0 : i32
      %dma_start3A_57 = arith.constant 0 : i32
      %dma_start3A_58 = tpu.memref_slice %arg8[%run_scoped3A_49, %dma_start3A, %dma_start3A_57] : memref<2x128x64xf32, #tpu.memory_space<vmem>> -> memref<1x128x64xf32, #tpu.memory_space<vmem>>
      %dma_start3A_59 = tpu.memref_squeeze %dma_start3A_58 : memref<1x128x64xf32, #tpu.memory_space<vmem>> -> memref<128x64xf32, #tpu.memory_space<vmem>>
      %dma_start3A_60 = arith.constant 0 : i32
      %dma_start3A_61 = tpu.memref_slice %arg5[%arg0, %add3A_48, %dma_start3A_60] : memref<2x10240x64xf32, #tpu.memory_space<hbm>> -> memref<1x128x64xf32, #tpu.memory_space<hbm>>
      %dma_start3A_62 = tpu.memref_squeeze %dma_start3A_61 : memref<1x128x64xf32, #tpu.memory_space<hbm>> -> memref<128x64xf32, #tpu.memory_space<hbm>>
      %dma_start3A_63 = arith.constant 0 : i32
      %dma_start3A_64 = tpu.memref_slice %arg5[%arg0, %add3A_48, %dma_start3A_63] : memref<2x10240x64xf32, #tpu.memory_space<hbm>> -> memref<1x128x64xf32, #tpu.memory_space<hbm>>
      %dma_start3A_65 = tpu.memref_squeeze %dma_start3A_64 : memref<1x128x64xf32, #tpu.memory_space<hbm>> -> memref<128x64xf32, #tpu.memory_space<hbm>>
      %dma_start3A_66 = arith.constant 0 : i32
      %dma_start3A_67 = arith.constant 0 : i32
      %dma_start3A_68 = tpu.memref_slice %arg8[%run_scoped3A_49, %dma_start3A_66, %dma_start3A_67] : memref<2x128x64xf32, #tpu.memory_space<vmem>> -> memref<1x128x64xf32, #tpu.memory_space<vmem>>
      %dma_start3A_69 = tpu.memref_squeeze %dma_start3A_68 : memref<1x128x64xf32, #tpu.memory_space<vmem>> -> memref<128x64xf32, #tpu.memory_space<vmem>>
      tpu.enqueue_dma source(%dma_start3A_69 : memref<128x64xf32, #tpu.memory_space<vmem>>) target(%dma_start3A_65 : memref<128x64xf32, #tpu.memory_space<hbm>>) target_semaphore(%run_scoped3A_56 : memref<!tpu.dma_semaphore, #tpu.memory_space<semaphore_mem>>)
      %dma_wait3A = arith.constant 0 : i32
      %dma_wait3A_70 = arith.constant 0 : i32
      %dma_wait3A_71 = tpu.memref_slice %arg8[%run_scoped3A_49, %dma_wait3A, %dma_wait3A_70] : memref<2x128x64xf32, #tpu.memory_space<vmem>> -> memref<1x128x64xf32, #tpu.memory_space<vmem>>
      %dma_wait3A_72 = tpu.memref_squeeze %dma_wait3A_71 : memref<1x128x64xf32, #tpu.memory_space<vmem>> -> memref<128x64xf32, #tpu.memory_space<vmem>>
      %dma_wait3A_73 = arith.constant 0 : i32
      %dma_wait3A_74 = tpu.memref_slice %arg5[%arg0, %add3A_48, %dma_wait3A_73] : memref<2x10240x64xf32, #tpu.memory_space<hbm>> -> memref<1x128x64xf32, #tpu.memory_space<hbm>>
      %dma_wait3A_75 = tpu.memref_squeeze %dma_wait3A_74 : memref<1x128x64xf32, #tpu.memory_space<hbm>> -> memref<128x64xf32, #tpu.memory_space<hbm>>
      %dma_wait3A_76 = arith.constant 0 : i32
      %dma_wait3A_77 = tpu.memref_slice %arg5[%arg0, %add3A_48, %dma_wait3A_76] : memref<2x10240x64xf32, #tpu.memory_space<hbm>> -> memref<1x128x64xf32, #tpu.memory_space<hbm>>
      %dma_wait3A_78 = tpu.memref_squeeze %dma_wait3A_77 : memref<1x128x64xf32, #tpu.memory_space<hbm>> -> memref<128x64xf32, #tpu.memory_space<hbm>>
      %dma_wait3A_79 = arith.constant 0 : i32
      %dma_wait3A_80 = arith.constant 0 : i32
      %dma_wait3A_81 = tpu.memref_slice %arg8[%run_scoped3A_49, %dma_wait3A_79, %dma_wait3A_80] : memref<2x128x64xf32, #tpu.memory_space<vmem>> -> memref<1x128x64xf32, #tpu.memory_space<vmem>>
      %dma_wait3A_82 = tpu.memref_squeeze %dma_wait3A_81 : memref<1x128x64xf32, #tpu.memory_space<vmem>> -> memref<128x64xf32, #tpu.memory_space<vmem>>
      tpu.wait_dma2 semaphore(%run_scoped3A_56 : memref<!tpu.dma_semaphore, #tpu.memory_space<semaphore_mem>>) src(%dma_wait3A_82 : memref<128x64xf32, #tpu.memory_space<vmem>>) dst(%dma_wait3A_78 : memref<128x64xf32, #tpu.memory_space<hbm>>)
      tpu.yield
    }) : () -> ()
    %add3A_50 = arith.constant 512 : i32
    %add3A_51 = arith.addi %mul3A_2, %add3A_50 : i32
    %run_scoped3A_52 = arith.constant 0 : i32
    "tpu.region"() ({
      %run_scoped3A_56 = tpu.sem_alloc : memref<!tpu.dma_semaphore, #tpu.memory_space<semaphore_mem>>
      %dma_start3A = arith.constant 0 : i32
      %dma_start3A_57 = arith.constant 0 : i32
      %dma_start3A_58 = tpu.memref_slice %arg8[%run_scoped3A_52, %dma_start3A, %dma_start3A_57] : memref<2x128x64xf32, #tpu.memory_space<vmem>> -> memref<1x128x64xf32, #tpu.memory_space<vmem>>
      %dma_start3A_59 = tpu.memref_squeeze %dma_start3A_58 : memref<1x128x64xf32, #tpu.memory_space<vmem>> -> memref<128x64xf32, #tpu.memory_space<vmem>>
      %dma_start3A_60 = arith.constant 0 : i32
      %dma_start3A_61 = tpu.memref_slice %arg9[%add3A_51, %dma_start3A_60] : memref<10240x64xf32, #tpu.memory_space<vmem_shared>> -> memref<128x64xf32, #tpu.memory_space<vmem_shared>>
      %dma_start3A_62 = arith.constant 0 : i32
      %dma_start3A_63 = arith.constant 0 : i32
      %dma_start3A_64 = tpu.memref_slice %arg8[%run_scoped3A_52, %dma_start3A_62, %dma_start3A_63] : memref<2x128x64xf32, #tpu.memory_space<vmem>> -> memref<1x128x64xf32, #tpu.memory_space<vmem>>
      %dma_start3A_65 = tpu.memref_squeeze %dma_start3A_64 : memref<1x128x64xf32, #tpu.memory_space<vmem>> -> memref<128x64xf32, #tpu.memory_space<vmem>>
      %dma_start3A_66 = arith.constant 0 : i32
      %dma_start3A_67 = tpu.memref_slice %arg9[%add3A_51, %dma_start3A_66] : memref<10240x64xf32, #tpu.memory_space<vmem_shared>> -> memref<128x64xf32, #tpu.memory_space<vmem_shared>>
      tpu.enqueue_dma source(%dma_start3A_67 : memref<128x64xf32, #tpu.memory_space<vmem_shared>>) target(%dma_start3A_65 : memref<128x64xf32, #tpu.memory_space<vmem>>) target_semaphore(%run_scoped3A_56 : memref<!tpu.dma_semaphore, #tpu.memory_space<semaphore_mem>>)
      %dma_wait3A = arith.constant 0 : i32
      %dma_wait3A_68 = arith.constant 0 : i32
      %dma_wait3A_69 = tpu.memref_slice %arg8[%run_scoped3A_52, %dma_wait3A, %dma_wait3A_68] : memref<2x128x64xf32, #tpu.memory_space<vmem>> -> memref<1x128x64xf32, #tpu.memory_space<vmem>>
      %dma_wait3A_70 = tpu.memref_squeeze %dma_wait3A_69 : memref<1x128x64xf32, #tpu.memory_space<vmem>> -> memref<128x64xf32, #tpu.memory_space<vmem>>
      %dma_wait3A_71 = arith.constant 0 : i32
      %dma_wait3A_72 = tpu.memref_slice %arg9[%add3A_51, %dma_wait3A_71] : memref<10240x64xf32, #tpu.memory_space<vmem_shared>> -> memref<128x64xf32, #tpu.memory_space<vmem_shared>>
      %dma_wait3A_73 = arith.constant 0 : i32
      %dma_wait3A_74 = arith.constant 0 : i32
      %dma_wait3A_75 = tpu.memref_slice %arg8[%run_scoped3A_52, %dma_wait3A_73, %dma_wait3A_74] : memref<2x128x64xf32, #tpu.memory_space<vmem>> -> memref<1x128x64xf32, #tpu.memory_space<vmem>>
      %dma_wait3A_76 = tpu.memref_squeeze %dma_wait3A_75 : memref<1x128x64xf32, #tpu.memory_space<vmem>> -> memref<128x64xf32, #tpu.memory_space<vmem>>
      %dma_wait3A_77 = arith.constant 0 : i32
      %dma_wait3A_78 = tpu.memref_slice %arg9[%add3A_51, %dma_wait3A_77] : memref<10240x64xf32, #tpu.memory_space<vmem_shared>> -> memref<128x64xf32, #tpu.memory_space<vmem_shared>>
      tpu.wait_dma2 semaphore(%run_scoped3A_56 : memref<!tpu.dma_semaphore, #tpu.memory_space<semaphore_mem>>) src(%dma_wait3A_78 : memref<128x64xf32, #tpu.memory_space<vmem_shared>>) dst(%dma_wait3A_76 : memref<128x64xf32, #tpu.memory_space<vmem>>)
      tpu.yield
    }) : () -> ()
    %add3A_53 = arith.constant 512 : i32
    %add3A_54 = arith.addi %mul3A_2, %add3A_53 : i32
    %run_scoped3A_55 = arith.constant 0 : i32
    "tpu.region"() ({
      %run_scoped3A_56 = tpu.sem_alloc : memref<!tpu.dma_semaphore, #tpu.memory_space<semaphore_mem>>
      %dma_start3A = arith.constant 0 : i32
      %dma_start3A_57 = arith.constant 0 : i32
      %dma_start3A_58 = tpu.memref_slice %arg8[%run_scoped3A_55, %dma_start3A, %dma_start3A_57] : memref<2x128x64xf32, #tpu.memory_space<vmem>> -> memref<1x128x64xf32, #tpu.memory_space<vmem>>
      %dma_start3A_59 = tpu.memref_squeeze %dma_start3A_58 : memref<1x128x64xf32, #tpu.memory_space<vmem>> -> memref<128x64xf32, #tpu.memory_space<vmem>>
      %dma_start3A_60 = arith.constant 0 : i32
      %dma_start3A_61 = tpu.memref_slice %arg5[%arg0, %add3A_54, %dma_start3A_60] : memref<2x10240x64xf32, #tpu.memory_space<hbm>> -> memref<1x128x64xf32, #tpu.memory_space<hbm>>
      %dma_start3A_62 = tpu.memref_squeeze %dma_start3A_61 : memref<1x128x64xf32, #tpu.memory_space<hbm>> -> memref<128x64xf32, #tpu.memory_space<hbm>>
      %dma_start3A_63 = arith.constant 0 : i32
      %dma_start3A_64 = tpu.memref_slice %arg5[%arg0, %add3A_54, %dma_start3A_63] : memref<2x10240x64xf32, #tpu.memory_space<hbm>> -> memref<1x128x64xf32, #tpu.memory_space<hbm>>
      %dma_start3A_65 = tpu.memref_squeeze %dma_start3A_64 : memref<1x128x64xf32, #tpu.memory_space<hbm>> -> memref<128x64xf32, #tpu.memory_space<hbm>>
      %dma_start3A_66 = arith.constant 0 : i32
      %dma_start3A_67 = arith.constant 0 : i32
      %dma_start3A_68 = tpu.memref_slice %arg8[%run_scoped3A_55, %dma_start3A_66, %dma_start3A_67] : memref<2x128x64xf32, #tpu.memory_space<vmem>> -> memref<1x128x64xf32, #tpu.memory_space<vmem>>
      %dma_start3A_69 = tpu.memref_squeeze %dma_start3A_68 : memref<1x128x64xf32, #tpu.memory_space<vmem>> -> memref<128x64xf32, #tpu.memory_space<vmem>>
      tpu.enqueue_dma source(%dma_start3A_69 : memref<128x64xf32, #tpu.memory_space<vmem>>) target(%dma_start3A_65 : memref<128x64xf32, #tpu.memory_space<hbm>>) target_semaphore(%run_scoped3A_56 : memref<!tpu.dma_semaphore, #tpu.memory_space<semaphore_mem>>)
      %dma_wait3A = arith.constant 0 : i32
      %dma_wait3A_70 = arith.constant 0 : i32
      %dma_wait3A_71 = tpu.memref_slice %arg8[%run_scoped3A_55, %dma_wait3A, %dma_wait3A_70] : memref<2x128x64xf32, #tpu.memory_space<vmem>> -> memref<1x128x64xf32, #tpu.memory_space<vmem>>
      %dma_wait3A_72 = tpu.memref_squeeze %dma_wait3A_71 : memref<1x128x64xf32, #tpu.memory_space<vmem>> -> memref<128x64xf32, #tpu.memory_space<vmem>>
      %dma_wait3A_73 = arith.constant 0 : i32
      %dma_wait3A_74 = tpu.memref_slice %arg5[%arg0, %add3A_54, %dma_wait3A_73] : memref<2x10240x64xf32, #tpu.memory_space<hbm>> -> memref<1x128x64xf32, #tpu.memory_space<hbm>>
      %dma_wait3A_75 = tpu.memref_squeeze %dma_wait3A_74 : memref<1x128x64xf32, #tpu.memory_space<hbm>> -> memref<128x64xf32, #tpu.memory_space<hbm>>
      %dma_wait3A_76 = arith.constant 0 : i32
      %dma_wait3A_77 = tpu.memref_slice %arg5[%arg0, %add3A_54, %dma_wait3A_76] : memref<2x10240x64xf32, #tpu.memory_space<hbm>> -> memref<1x128x64xf32, #tpu.memory_space<hbm>>
      %dma_wait3A_78 = tpu.memref_squeeze %dma_wait3A_77 : memref<1x128x64xf32, #tpu.memory_space<hbm>> -> memref<128x64xf32, #tpu.memory_space<hbm>>
      %dma_wait3A_79 = arith.constant 0 : i32
      %dma_wait3A_80 = arith.constant 0 : i32
      %dma_wait3A_81 = tpu.memref_slice %arg8[%run_scoped3A_55, %dma_wait3A_79, %dma_wait3A_80] : memref<2x128x64xf32, #tpu.memory_space<vmem>> -> memref<1x128x64xf32, #tpu.memory_space<vmem>>
      %dma_wait3A_82 = tpu.memref_squeeze %dma_wait3A_81 : memref<1x128x64xf32, #tpu.memory_space<vmem>> -> memref<128x64xf32, #tpu.memory_space<vmem>>
      tpu.wait_dma2 semaphore(%run_scoped3A_56 : memref<!tpu.dma_semaphore, #tpu.memory_space<semaphore_mem>>) src(%dma_wait3A_82 : memref<128x64xf32, #tpu.memory_space<vmem>>) dst(%dma_wait3A_78 : memref<128x64xf32, #tpu.memory_space<hbm>>)
      tpu.yield
    }) : () -> ()
    return
  }
}

module attributes {stable_mosaic.version = 14 : i64} {
  func.func @_mlp1_body(%arg0: i32, %arg1: memref<5120x128xf32, #tpu.memory_space<vmem>>, %arg2: memref<2x5120x128xf32, #tpu.memory_space<vmem>>, %arg3: memref<128x64xf32, #tpu.memory_space<vmem>>, %arg4: memref<1x64xf32, #tpu.memory_space<vmem>>, %arg5: memref<64x64xf32, #tpu.memory_space<vmem>>, %arg6: memref<1x64xf32, #tpu.memory_space<vmem>>, %arg7: memref<5120x64xf32, #tpu.memory_space<vmem>>) attributes {dimension_semantics = [#tpu.dimension_semantics<arbitrary>], iteration_bounds = array<i64: 2>, scalar_prefetch = 0 : i64, scratch_operands = 0 : i64, tpu.core_type = #tpu.core_type<tc>, window_params = [{transform_indices = @transform_0, window_bounds = array<i64: 5120, 128>}, {transform_indices = @transform_1, window_bounds = array<i64: 2, 5120, 128>}, {pipeline_mode = #tpu.pipeline_mode<synchronous>, transform_indices = @transform_2, window_bounds = array<i64: 128, 64>}, {pipeline_mode = #tpu.pipeline_mode<synchronous>, transform_indices = @transform_3, window_bounds = array<i64: 1, 64>}, {pipeline_mode = #tpu.pipeline_mode<synchronous>, transform_indices = @transform_4, window_bounds = array<i64: 64, 64>}, {pipeline_mode = #tpu.pipeline_mode<synchronous>, transform_indices = @transform_5, window_bounds = array<i64: 1, 64>}, {transform_indices = @transform_6, window_bounds = array<i64: 5120, 64>}]} {
    %get3A = arith.constant 0 : index
    %get3A_0 = arith.constant 0 : index
    %get3A_1 = vector.load %arg1[%get3A, %get3A_0] : memref<5120x128xf32, #tpu.memory_space<vmem>>, vector<5120x128xf32>
    %get3A_2 = arith.constant 0 : index
    %get3A_3 = arith.constant 0 : index
    %get3A_4 = arith.constant 0 : index
    %get3A_5 = vector.load %arg2[%get3A_2, %get3A_3, %get3A_4] : memref<2x5120x128xf32, #tpu.memory_space<vmem>>, vector<1x5120x128xf32>
    %get3A_6 = vector.shape_cast %get3A_5 : vector<1x5120x128xf32> to vector<5120x128xf32>
    %add3A = arith.addf %get3A_1, %get3A_6 : vector<5120x128xf32>
    %get3A_7 = arith.constant 1 : index
    %get3A_8 = arith.constant 0 : index
    %get3A_9 = arith.constant 0 : index
    %get3A_10 = vector.load %arg2[%get3A_7, %get3A_8, %get3A_9] : memref<2x5120x128xf32, #tpu.memory_space<vmem>>, vector<1x5120x128xf32>
    %get3A_11 = vector.shape_cast %get3A_10 : vector<1x5120x128xf32> to vector<5120x128xf32>
    %add3A_12 = arith.addf %add3A, %get3A_11 : vector<5120x128xf32>
    %get3A_13 = arith.constant 0 : index
    %get3A_14 = arith.constant 0 : index
    %get3A_15 = vector.load %arg3[%get3A_13, %get3A_14] : memref<128x64xf32, #tpu.memory_space<vmem>>, vector<128x64xf32>
    %convert_element_type3A = arith.truncf %add3A_12 : vector<5120x128xf32> to vector<5120x128xbf16>
    %convert_element_type3A_16 = arith.truncf %get3A_15 : vector<128x64xf32> to vector<128x64xbf16>
    %dot_general3A = arith.constant dense<0.000000e+00> : vector<5120x64xf32>
    %dot_general3A_17 = tpu.matmul %convert_element_type3A, %convert_element_type3A_16, %dot_general3A {dimension_numbers = #tpu.dot_dimension_numbers<[1], [0], [0], [1], [0, 0, 1, 1], [], []>, transpose_lhs_hint = false} : vector<5120x128xbf16>, vector<128x64xbf16>, vector<5120x64xf32> -> vector<5120x64xf32>
    %get3A_18 = arith.constant 0 : index
    %get3A_19 = arith.constant 0 : index
    %get3A_20 = vector.load %arg4[%get3A_18, %get3A_19] : memref<1x64xf32, #tpu.memory_space<vmem>>, vector<1x64xf32>
    %add3A_21 = vector.broadcast %get3A_20 : vector<1x64xf32> to vector<5120x64xf32>
    %add3A_22 = arith.addf %dot_general3A_17, %add3A_21 : vector<5120x64xf32>
    %max3A = arith.constant 0.000000e+00 : f32
    %max3A_23 = vector.broadcast %max3A : f32 to vector<5120x64xf32>
    %max3A_24 = arith.maximumf %add3A_22, %max3A_23 : vector<5120x64xf32>
    %get3A_25 = arith.constant 0 : index
    %get3A_26 = arith.constant 0 : index
    %get3A_27 = vector.load %arg5[%get3A_25, %get3A_26] : memref<64x64xf32, #tpu.memory_space<vmem>>, vector<64x64xf32>
    %convert_element_type3A_28 = arith.truncf %max3A_24 : vector<5120x64xf32> to vector<5120x64xbf16>
    %convert_element_type3A_29 = arith.truncf %get3A_27 : vector<64x64xf32> to vector<64x64xbf16>
    %dot_general3A_30 = arith.constant dense<0.000000e+00> : vector<5120x64xf32>
    %dot_general3A_31 = tpu.matmul %convert_element_type3A_28, %convert_element_type3A_29, %dot_general3A_30 {dimension_numbers = #tpu.dot_dimension_numbers<[1], [0], [0], [1], [0, 0, 1, 1], [], []>, transpose_lhs_hint = false} : vector<5120x64xbf16>, vector<64x64xbf16>, vector<5120x64xf32> -> vector<5120x64xf32>
    %get3A_32 = arith.constant 0 : index
    %get3A_33 = arith.constant 0 : index
    %get3A_34 = vector.load %arg6[%get3A_32, %get3A_33] : memref<1x64xf32, #tpu.memory_space<vmem>>, vector<1x64xf32>
    %add3A_35 = vector.broadcast %get3A_34 : vector<1x64xf32> to vector<5120x64xf32>
    %add3A_36 = arith.addf %dot_general3A_31, %add3A_35 : vector<5120x64xf32>
    %swap3A = arith.constant 0 : index
    %swap3A_37 = arith.constant 0 : index
    %swap3A_38 = vector.load %arg7[%swap3A, %swap3A_37] : memref<5120x64xf32, #tpu.memory_space<vmem>>, vector<5120x64xf32>
    tpu.vector_store %arg7[%swap3A, %swap3A_37], %add3A_36 {strides = array<i32>} : memref<5120x64xf32, #tpu.memory_space<vmem>>, vector<5120x64xf32>,
    return
  }
  func.func @transform_0(%arg0: i32) -> (i32, i32) {
    %c0_i32 = arith.constant 0 : i32
    %c0_i32_0 = arith.constant 0 : i32
    return %arg0, %c0_i32 : i32, i32
  }
  func.func @transform_1(%arg0: i32) -> (i32, i32, i32) {
    %c0_i32 = arith.constant 0 : i32
    %c0_i32_0 = arith.constant 0 : i32
    %c0_i32_1 = arith.constant 0 : i32
    return %c0_i32, %arg0, %c0_i32_0 : i32, i32, i32
  }
  func.func @transform_2(%arg0: i32) -> (i32, i32) {
    %c0_i32 = arith.constant 0 : i32
    %c0_i32_0 = arith.constant 0 : i32
    %c0_i32_1 = arith.constant 0 : i32
    return %c0_i32, %c0_i32_0 : i32, i32
  }
  func.func @transform_3(%arg0: i32) -> (i32, i32) {
    %c0_i32 = arith.constant 0 : i32
    %c0_i32_0 = arith.constant 0 : i32
    %c0_i32_1 = arith.constant 0 : i32
    return %c0_i32, %c0_i32_0 : i32, i32
  }
  func.func @transform_4(%arg0: i32) -> (i32, i32) {
    %c0_i32 = arith.constant 0 : i32
    %c0_i32_0 = arith.constant 0 : i32
    %c0_i32_1 = arith.constant 0 : i32
    return %c0_i32, %c0_i32_0 : i32, i32
  }
  func.func @transform_5(%arg0: i32) -> (i32, i32) {
    %c0_i32 = arith.constant 0 : i32
    %c0_i32_0 = arith.constant 0 : i32
    %c0_i32_1 = arith.constant 0 : i32
    return %c0_i32, %c0_i32_0 : i32, i32
  }
  func.func @transform_6(%arg0: i32) -> (i32, i32) {
    %c0_i32 = arith.constant 0 : i32
    %c0_i32_0 = arith.constant 0 : i32
    return %arg0, %c0_i32 : i32, i32
  }
}

module attributes {stable_mosaic.version = 14 : i64} {
  func.func @_mlp2_body(%arg0: i32, %arg1: memref<5120x64xf32, #tpu.memory_space<vmem>>, %arg2: memref<2x5120x64xf32, #tpu.memory_space<vmem>>, %arg3: memref<64x64xf32, #tpu.memory_space<vmem>>, %arg4: memref<1x64xf32, #tpu.memory_space<vmem>>, %arg5: memref<64x64xf32, #tpu.memory_space<vmem>>, %arg6: memref<1x64xf32, #tpu.memory_space<vmem>>, %arg7: memref<64x1xf32, #tpu.memory_space<vmem>>, %arg8: memref<1x1xf32, #tpu.memory_space<vmem>>, %arg9: memref<5120x1xf32, #tpu.memory_space<vmem>>) attributes {dimension_semantics = [#tpu.dimension_semantics<arbitrary>], iteration_bounds = array<i64: 2>, scalar_prefetch = 0 : i64, scratch_operands = 0 : i64, tpu.core_type = #tpu.core_type<tc>, window_params = [{transform_indices = @transform_0, window_bounds = array<i64: 5120, 64>}, {transform_indices = @transform_1, window_bounds = array<i64: 2, 5120, 64>}, {pipeline_mode = #tpu.pipeline_mode<synchronous>, transform_indices = @transform_2, window_bounds = array<i64: 64, 64>}, {pipeline_mode = #tpu.pipeline_mode<synchronous>, transform_indices = @transform_3, window_bounds = array<i64: 1, 64>}, {pipeline_mode = #tpu.pipeline_mode<synchronous>, transform_indices = @transform_4, window_bounds = array<i64: 64, 64>}, {pipeline_mode = #tpu.pipeline_mode<synchronous>, transform_indices = @transform_5, window_bounds = array<i64: 1, 64>}, {pipeline_mode = #tpu.pipeline_mode<synchronous>, transform_indices = @transform_6, window_bounds = array<i64: 64, 1>}, {pipeline_mode = #tpu.pipeline_mode<synchronous>, transform_indices = @transform_7, window_bounds = array<i64: 1, 1>}, {transform_indices = @transform_8, window_bounds = array<i64: 5120, 1>}]} {
    %get3A = arith.constant 0 : index
    %get3A_0 = arith.constant 0 : index
    %get3A_1 = vector.load %arg1[%get3A, %get3A_0] : memref<5120x64xf32, #tpu.memory_space<vmem>>, vector<5120x64xf32>
    %get3A_2 = arith.constant 0 : index
    %get3A_3 = arith.constant 0 : index
    %get3A_4 = arith.constant 0 : index
    %get3A_5 = vector.load %arg2[%get3A_2, %get3A_3, %get3A_4] : memref<2x5120x64xf32, #tpu.memory_space<vmem>>, vector<1x5120x64xf32>
    %get3A_6 = vector.shape_cast %get3A_5 : vector<1x5120x64xf32> to vector<5120x64xf32>
    %add3A = arith.addf %get3A_1, %get3A_6 : vector<5120x64xf32>
    %get3A_7 = arith.constant 1 : index
    %get3A_8 = arith.constant 0 : index
    %get3A_9 = arith.constant 0 : index
    %get3A_10 = vector.load %arg2[%get3A_7, %get3A_8, %get3A_9] : memref<2x5120x64xf32, #tpu.memory_space<vmem>>, vector<1x5120x64xf32>
    %get3A_11 = vector.shape_cast %get3A_10 : vector<1x5120x64xf32> to vector<5120x64xf32>
    %add3A_12 = arith.addf %add3A, %get3A_11 : vector<5120x64xf32>
    %get3A_13 = arith.constant 0 : index
    %get3A_14 = arith.constant 0 : index
    %get3A_15 = vector.load %arg3[%get3A_13, %get3A_14] : memref<64x64xf32, #tpu.memory_space<vmem>>, vector<64x64xf32>
    %convert_element_type3A = arith.truncf %add3A_12 : vector<5120x64xf32> to vector<5120x64xbf16>
    %convert_element_type3A_16 = arith.truncf %get3A_15 : vector<64x64xf32> to vector<64x64xbf16>
    %dot_general3A = arith.constant dense<0.000000e+00> : vector<5120x64xf32>
    %dot_general3A_17 = tpu.matmul %convert_element_type3A, %convert_element_type3A_16, %dot_general3A {dimension_numbers = #tpu.dot_dimension_numbers<[1], [0], [0], [1], [0, 0, 1, 1], [], []>, transpose_lhs_hint = false} : vector<5120x64xbf16>, vector<64x64xbf16>, vector<5120x64xf32> -> vector<5120x64xf32>
    %get3A_18 = arith.constant 0 : index
    %get3A_19 = arith.constant 0 : index
    %get3A_20 = vector.load %arg4[%get3A_18, %get3A_19] : memref<1x64xf32, #tpu.memory_space<vmem>>, vector<1x64xf32>
    %add3A_21 = vector.broadcast %get3A_20 : vector<1x64xf32> to vector<5120x64xf32>
    %add3A_22 = arith.addf %dot_general3A_17, %add3A_21 : vector<5120x64xf32>
    %max3A = arith.constant 0.000000e+00 : f32
    %max3A_23 = vector.broadcast %max3A : f32 to vector<5120x64xf32>
    %max3A_24 = arith.maximumf %add3A_22, %max3A_23 : vector<5120x64xf32>
    %get3A_25 = arith.constant 0 : index
    %get3A_26 = arith.constant 0 : index
    %get3A_27 = vector.load %arg5[%get3A_25, %get3A_26] : memref<64x64xf32, #tpu.memory_space<vmem>>, vector<64x64xf32>
    %convert_element_type3A_28 = arith.truncf %max3A_24 : vector<5120x64xf32> to vector<5120x64xbf16>
    %convert_element_type3A_29 = arith.truncf %get3A_27 : vector<64x64xf32> to vector<64x64xbf16>
    %dot_general3A_30 = arith.constant dense<0.000000e+00> : vector<5120x64xf32>
    %dot_general3A_31 = tpu.matmul %convert_element_type3A_28, %convert_element_type3A_29, %dot_general3A_30 {dimension_numbers = #tpu.dot_dimension_numbers<[1], [0], [0], [1], [0, 0, 1, 1], [], []>, transpose_lhs_hint = false} : vector<5120x64xbf16>, vector<64x64xbf16>, vector<5120x64xf32> -> vector<5120x64xf32>
    %get3A_32 = arith.constant 0 : index
    %get3A_33 = arith.constant 0 : index
    %get3A_34 = vector.load %arg6[%get3A_32, %get3A_33] : memref<1x64xf32, #tpu.memory_space<vmem>>, vector<1x64xf32>
    %add3A_35 = vector.broadcast %get3A_34 : vector<1x64xf32> to vector<5120x64xf32>
    %add3A_36 = arith.addf %dot_general3A_31, %add3A_35 : vector<5120x64xf32>
    %convert_element_type3A_37 = arith.truncf %add3A_36 : vector<5120x64xf32> to vector<5120x64xbf16>
    %convert_element_type3A_38 = arith.extf %convert_element_type3A_37 : vector<5120x64xbf16> to vector<5120x64xf32>
    %get3A_39 = arith.constant 0 : index
    %get3A_40 = arith.constant 0 : index
    %get3A_41 = vector.load %arg7[%get3A_39, %get3A_40] : memref<64x1xf32, #tpu.memory_space<vmem>>, vector<64x1xf32>
    %convert_element_type3A_42 = arith.truncf %get3A_41 : vector<64x1xf32> to vector<64x1xbf16>
    %convert_element_type3A_43 = arith.extf %convert_element_type3A_42 : vector<64x1xbf16> to vector<64x1xf32>
    %squeeze3A = vector.shape_cast %convert_element_type3A_43 : vector<64x1xf32> to vector<64xf32>
    %broadcast_in_dim3A = vector.shape_cast %squeeze3A : vector<64xf32> to vector<1x64xf32>
    %mul3A = vector.broadcast %broadcast_in_dim3A : vector<1x64xf32> to vector<5120x64xf32>
    %mul3A_44 = arith.mulf %convert_element_type3A_38, %mul3A : vector<5120x64xf32>
    %reduce_sum3A = arith.constant dense<0.000000e+00> : vector<5120xf32>
    %reduce_sum3A_45 = vector.multi_reduction <add>, %mul3A_44, %reduce_sum3A [1] : vector<5120x64xf32> to vector<5120xf32>
    %broadcast_in_dim3A_46 = vector.shape_cast %reduce_sum3A_45 : vector<5120xf32> to vector<5120x1xf32>
    %get3A_47 = arith.constant 0 : index
    %get3A_48 = arith.constant 0 : index
    %get3A_49 = vector.load %arg8[%get3A_47, %get3A_48] : memref<1x1xf32, #tpu.memory_space<vmem>>, vector<1x1xf32>
    %add3A_50 = vector.broadcast %get3A_49 : vector<1x1xf32> to vector<5120x1xf32>
    %add3A_51 = arith.addf %broadcast_in_dim3A_46, %add3A_50 : vector<5120x1xf32>
    %swap3A = arith.constant 0 : index
    %swap3A_52 = arith.constant 0 : index
    %swap3A_53 = vector.load %arg9[%swap3A, %swap3A_52] : memref<5120x1xf32, #tpu.memory_space<vmem>>, vector<5120x1xf32>
    tpu.vector_store %arg9[%swap3A, %swap3A_52], %add3A_51 {strides = array<i32>} : memref<5120x1xf32, #tpu.memory_space<vmem>>, vector<5120x1xf32>,
    return
  }
  func.func @transform_0(%arg0: i32) -> (i32, i32) {
    %c0_i32 = arith.constant 0 : i32
    %c0_i32_0 = arith.constant 0 : i32
    return %arg0, %c0_i32 : i32, i32
  }
  func.func @transform_1(%arg0: i32) -> (i32, i32, i32) {
    %c0_i32 = arith.constant 0 : i32
    %c0_i32_0 = arith.constant 0 : i32
    %c0_i32_1 = arith.constant 0 : i32
    return %c0_i32, %arg0, %c0_i32_0 : i32, i32, i32
  }
  func.func @transform_2(%arg0: i32) -> (i32, i32) {
    %c0_i32 = arith.constant 0 : i32
    %c0_i32_0 = arith.constant 0 : i32
    %c0_i32_1 = arith.constant 0 : i32
    return %c0_i32, %c0_i32_0 : i32, i32
  }
  func.func @transform_3(%arg0: i32) -> (i32, i32) {
    %c0_i32 = arith.constant 0 : i32
    %c0_i32_0 = arith.constant 0 : i32
    %c0_i32_1 = arith.constant 0 : i32
    return %c0_i32, %c0_i32_0 : i32, i32
  }
  func.func @transform_4(%arg0: i32) -> (i32, i32) {
    %c0_i32 = arith.constant 0 : i32
    %c0_i32_0 = arith.constant 0 : i32
    %c0_i32_1 = arith.constant 0 : i32
    return %c0_i32, %c0_i32_0 : i32, i32
  }
  func.func @transform_5(%arg0: i32) -> (i32, i32) {
    %c0_i32 = arith.constant 0 : i32
    %c0_i32_0 = arith.constant 0 : i32
    %c0_i32_1 = arith.constant 0 : i32
    return %c0_i32, %c0_i32_0 : i32, i32
  }
  func.func @transform_6(%arg0: i32) -> (i32, i32) {
    %c0_i32 = arith.constant 0 : i32
    %c0_i32_0 = arith.constant 0 : i32
    %c0_i32_1 = arith.constant 0 : i32
    return %c0_i32, %c0_i32_0 : i32, i32
  }
  func.func @transform_7(%arg0: i32) -> (i32, i32) {
    %c0_i32 = arith.constant 0 : i32
    %c0_i32_0 = arith.constant 0 : i32
    %c0_i32_1 = arith.constant 0 : i32
    return %c0_i32, %c0_i32_0 : i32, i32
  }
  func.func @transform_8(%arg0: i32) -> (i32, i32) {
    %c0_i32 = arith.constant 0 : i32
    %c0_i32_0 = arith.constant 0 : i32
    return %arg0, %c0_i32 : i32, i32
  }
}

</mosaic_0001>

<sc_bundles>
// kernel: kernel.6.cloned.1.call-start
scs
__scs_entry_jumppad:
0x0: {  	(pc) =	sbr.rel $0x88, $3  }
0x1: {  	(tag) =	ssettag $0x0;
	lr =	simm.s32 $0x1  }
0x2: {  	[smem:$0x3F95] =	sst lr;
	_ =	strace $0xD0000000  }
0x3: {  	_ = 	snop  }
0x4: {  	_ = 	snop  }
0x5: {  	_ = 	snop  }
0x6: {  	_ = 	snop  }
0x7: {  	_ = 	snop  }
__scs_overlays_trampoline_lowered:
0x8: {  	[smem:$0x3FA4] =	sst s0  }
0x9: {  	[smem:$0x3FA5] =	sst s1  }
0xa: {  	[smem:$0x3FA6] =	sst s2  }
0xb: {  	[smem:$0x3FA7] =	sst s3  }
0xc: {  	[smem:$0x3FA8] =	sst s4  }
0xd: {  	[smem:$0x3FA9] =	sst s5  }
0xe: {  	[smem:$0x3FAA] =	sst s6  }
0xf: {  	[smem:$0x3FAB] =	sst s7  }
0x10: {  	[smem:$0x3FAC] =	sst s8  }
0x11: {  	[smem:$0x3FAD] =	sst s9;
	s0 =	simm.s32 @!p0 $0x0  }
0x12: {  	s1 =	sld [smem:$0x3F93];
	s0 =	simm.s32 @p0 $0x1  }
0x13: {  	[smem:$0x3FAE] =	sst s0;
	s0 =	simm.s32 @!p1 $0x0  }
0x14: {  	s2 =	sld [smem:$0x3F92];
	s0 =	simm.s32 @p1 $0x1  }
0x15: {  	[smem:$0x3FAF] =	sst s0;
	s0 =	simm.s32 @!p2 $0x0  }
0x16: {  	s3 =	sld [smem:$0x3FDB];
	s0 =	simm.s32 @p2 $0x1  }
0x17: {  	s4 =	simm.s32 $0x1BF5;
	[smem:$0x3FB1] =	sst s0  }
0x18: {  	s0 =	sld [smem:$0x3F94];
	_ =	swait.ge [sflag:s4], $0x0  }
0x19: {  	s7 =	sld [smem:$0x3F95]  }
0x1a: {  	s8 =	sadd.s32 $0xFFFFE003, lr  }
0x1b: {  	s9 =	sadd.s32 $0xFFFFFEF7, lr;
	s5 =	simm.s32 $0xFFFFFFFF;
	p2 =	slt.u32 s8, $0xFFFFF086  }
0x1c: {  	p1 =	slt.u32 s9, $0xF7A;
	s5 =	simm.s32 @!p2 $0x0  }
0x1d: {  	s5 =	simm.s32 @p1 $0x1;
	p0 =	seq.s32 s7, s2  }
0x1e: {  	s7 =	smul.u32 @!p0 $0xF7A, s2;
	p2 =	seq.s32 @!p0 s5, $0x0  }
0x1f: {  	s9 =	smul.u32 $0xF7A, s1;
	s8 =	simm.s32 @!p0 $0x1BF5;
	p2 =	por !p2, p0  }
0x20: {  	[sflag:s8] =	ssyncset.s32 @!p0 $0xFFFFF086;
	s6 =	sadd.s32 @!p0 s3, s7;
	s7 =	simm.s32 @!p0 $0x108  }
0x21: {  	s3 =	sadd.s32 s3, s9;
	s6 =	sadd.s32 @!p0 $0x88, s6;
	s7 =	simm.s32 @p2 $0x1082  }
0x22: {  	[simem:s7], [sflag:s8] =	dma.local @!p0 [hbm:s6], $0xF7A  }
0x23: {  	s9 =	sor.u32 $0xD0000000, s2;
	s6 =	simm.s32 $0x108;
	_ =	swait.ge @!p0 [sflag:s8], $0x0  }
0x24: {  	s3 =	sadd.s32 $0x88, s3;
	s6 =	simm.s32 @!p1 $0x1082;
	[sflag:s4] =	ssyncset.s32 $0xFFFFF086  }
0x25: {  	[simem:s6], [sflag:s4] =	dma.local [hbm:s3], $0xF7A  }
0x26: {  	[smem:$0x3F95] =	sst s1;
	(tag) =	ssettag s2;
	_ =	strace s9  }
0x27: {  	s1 =	sld [smem:$0x3FA5]  }
0x28: {  	s2 =	sld [smem:$0x3FA6]  }
0x29: {  	s4 =	sld [smem:$0x3FA8]  }
0x2a: {  	p0 =	seq.s32 s5, $0x0;
	s5 =	sld [smem:$0x3FA9]  }
0x2b: {  	s6 =	sld [smem:$0x3FAA]  }
0x2c: {  	s7 =	sld [smem:$0x3FAB]  }
0x2d: {  	s3 =	simm.s32 $0x108;
	s8 =	sld [smem:$0x3FAC]  }
0x2e: {  	s3 =	simm.s32 @!p0 $0x1082;
	s9 =	sld [smem:$0x3FAD]  }
0x2f: {  	lr =	sadd.s32 s0, s3;
	s0 =	sld [smem:$0x3FA4]  }
0x30: {  	s3 =	sld [smem:$0x3FA7]  }
0x31: {  	[smem:$0x3FB0] =	sst s10  }
0x32: {  	s10 =	sld [smem:$0x3FAE];
	_ =	sdelay $0x3  }
0x33: {  	p0 =	seq.s32 s10, $0x1;
	s10 =	sld [smem:$0x3FB0];
	_ =	sdelay $0x3  }
0x34: {  	[smem:$0x3FB0] =	sst s10  }
0x35: {  	s10 =	sld [smem:$0x3FAF];
	_ =	sdelay $0x3  }
0x36: {  	p1 =	seq.s32 s10, $0x1;
	s10 =	sld [smem:$0x3FB0];
	_ =	sdelay $0x3  }
0x37: {  	[smem:$0x3FB0] =	sst s10  }
0x38: {  	s10 =	sld [smem:$0x3FB1]  }
0x39: {  	_ = 	snop;
	(pc) =	sbr.ind lr, $3  }
0x3a: {  	_ = 	snop  }
0x3b: {  	_ = 	snop  }
0x3c: {  	p2 =	seq.s32 s10, $0x1;
	s10 =	sld [smem:$0x3FB0]  }
0x3d: {  	_ =	shalt  }
0x3e: {  	_ =	shalt  }
0x3f: {  	_ =	shalt  }
0x40: {  	_ =	shalt  }
0x41: {  	_ =	shalt  }
0x42: {  	_ =	shalt  }
0x43: {  	_ =	shalt  }
0x44: {  	_ =	shalt  }
0x45: {  	_ =	shalt  }
0x46: {  	_ =	shalt  }
0x47: {  	_ =	shalt  }
0x48: {  	_ =	shalt  }
0x49: {  	_ =	shalt  }
0x4a: {  	_ =	shalt  }
0x4b: {  	_ =	shalt  }
0x4c: {  	_ =	shalt  }
0x4d: {  	_ =	shalt  }
0x4e: {  	_ =	shalt  }
0x4f: {  	_ =	shalt  }
0x50: {  	_ =	shalt  }
0x51: {  	_ =	shalt  }
0x52: {  	_ =	shalt  }
0x53: {  	_ =	shalt  }
0x54: {  	_ =	shalt  }
0x55: {  	_ =	shalt  }
0x56: {  	_ =	shalt  }
0x57: {  	_ =	shalt  }
0x58: {  	_ =	shalt  }
0x59: {  	_ =	shalt  }
0x5a: {  	_ =	shalt  }
0x5b: {  	_ =	shalt  }
0x5c: {  	_ =	shalt  }
0x5d: {  	_ =	shalt  }
0x5e: {  	_ =	shalt  }
0x5f: {  	_ =	shalt  }
0x60: {  	_ =	shalt  }
0x61: {  	_ =	shalt  }
0x62: {  	_ =	shalt  }
0x63: {  	_ =	shalt  }
0x64: {  	_ =	shalt  }
0x65: {  	_ =	shalt  }
0x66: {  	_ =	shalt  }
0x67: {  	_ =	shalt  }
0x68: {  	_ =	shalt  }
0x69: {  	_ =	shalt  }
0x6a: {  	_ =	shalt  }
0x6b: {  	_ =	shalt  }
0x6c: {  	_ =	shalt  }
0x6d: {  	_ =	shalt  }
0x6e: {  	_ =	shalt  }
0x6f: {  	_ =	shalt  }
0x70: {  	_ =	shalt  }
0x71: {  	_ =	shalt  }
0x72: {  	_ =	shalt  }
0x73: {  	_ =	shalt  }
0x74: {  	_ =	shalt  }
0x75: {  	_ =	shalt  }
0x76: {  	_ =	shalt  }
0x77: {  	_ =	shalt  }
0x78: {  	_ =	shalt  }
0x79: {  	_ =	shalt  }
0x7a: {  	_ =	shalt  }
0x7b: {  	_ =	shalt  }
0x7c: {  	_ =	shalt  }
0x7d: {  	_ =	shalt  }
0x7e: {  	_ =	shalt  }
0x7f: {  	_ =	shalt  }
0x80: {  	_ =	shalt  }
0x81: {  	_ =	shalt  }
0x82: {  	_ =	shalt  }
0x83: {  	_ =	shalt  }
0x84: {  	_ =	shalt  }
0x85: {  	_ =	shalt  }
0x86: {  	_ =	shalt  }
0x87: {  	_ =	shalt  }
.Lfunc_end0:
.L_simem_size_0:
called_computation_lowered:
.L_overlay_start_0:
0x88: {  	s2 =	sld [smem:$0x3FD9]  }
0x89: {  	s3 =	sld [smem:$0x3FFE];
	_ =	sdelay $0x1  }
0x8a: {  	s1 =	srdreg.scid  }
0x8b: {  	s0 =	sand.u32 $0x1, s1  }
0x8c: {  	s17 =	sshll.u32 s0, $0xA;
	s2 =	sadd.s32 s3, s2  }
0x8d: {  	s2 =	sadd.s32 s2, s17  }
0x8e: {  	[smem:$0x3FBC] =	sst s2  }
0x8f: {  	_ = 	snop  }
0x90: {  	s2 =	sld [smem:$0x3FD0];
	(tm) =	ssettm $0x1  }
0x91: {  	s18 =	sld [smem:$0x3FFB];
	_ =	sdelay $0x3  }
0x92: {  	_ =	strace s18  }
0x93: {  	s3 =	sld [smem:$0x3FFC];
	_ =	sdelay $0x3  }
0x94: {  	_ =	strace s3  }
0x95: {  	s3 =	sld [smem:$0x3FFD];
	_ =	sdelay $0x3  }
0x96: {  	_ =	strace s3  }
0x97: {  	_ =	strace $0x8FFFFFFF  }
0x98: {  	s19 =	sld [smem:$0x3FDB];
	_ =	sdelay $0x1  }
0x99: {  	s4 =	simm.s32 $_scs_section_size  }
0x9a: {  	s5 =	simm.s32 $_size__tile_overlayer_lowered;
	s6 =	simm.s32 $_tile_overlayer_lowered  }
0x9b: {  	s22 =	simm.s32 $0x1BFF;
	s21 =	sshll.u32 s6, $0x1;
	s3 =	sadd.s32 s4, s19  }
0x9c: {  	s7 =	simm.s32 $0x0;
	s20 =	sshll.u32 s5, $0x1;
	s5 =	sadd.s32 s21, s3  }
0x9d: {  	[timem:s7], [sflag:s22] =	dma.local [hbm:s5], s20  }
0x9e: {  	_ =	swait.ge [sflag:s22], s20  }
0x9f: {  	s4 =	ssub.s32 $0x0, s20;
	[sflag:s22] =	ssyncset.done $0x0  }
0xa0: {  	[sflag:s22] =	ssyncadd.s32 s4;
	_ =	sdelay $0x1  }
0xa1: {  	s23 =	simm.s32 $0x1B8B  }
0xa2: {  	_ =	swait.ge [sflag:s23], $0x1  }
0xa3: {  	[sflag:s23] =	ssyncset.done $0x0  }
0xa4: {  	s25 =	simm.s32 $0x1B8E;
	s24 =	sld [smem:$0x3FFE];
	[sflag:s23] =	ssyncadd.s32 $0xFFFFFFFF  }
0xa5: {  	s26 =	simm.s32 $execute0_lowered;
	[smem:$0x3FD2] =	sst s25  }
0xa6: {  	s5 =	sshll.u32 s26, $0x1;
	_ =	strace $0x80000046;
	[dreg:$0x1] =	wrdreg $0xFFFFFFFF  }
0xa7: {  	s28 =	simm.s32 $_size_execute0_lowered;
	s3 =	sadd.s32 s3, s5;
	[dreg:$0x0] =	wrdreg $0x0  }
0xa8: {  	s5 =	sshll.u32 s28, $0x1;
	[dreg:$0x2] =	wrdreg s3  }
0xa9: {  	[dreg:$0x3] =	wrdreg s5  }
0xaa: {  	[dreg:$0x4] =	wrdreg $0xC0  }
0xab: {  	_ =	task [dreg:s7], $0x5FFFF  }
0xac: {  	[dreg:$0x1] =	wrdreg $0xFFFFFFFF  }
0xad: {  	[dreg:$0x0] =	wrdreg $0x60  }
0xae: {  	[dreg:$0x2] =	wrdreg s24  }
0xaf: {  	[dreg:$0x3] =	wrdreg s2  }
0xb0: {  	[dreg:$0x4] =	wrdreg $0x130000  }
0xb1: {  	[dreg:$0x5] =	wrdreg $0x90000  }
0xb2: {  	[dreg:$0x6] =	wrdreg $0x9  }
0xb3: {  	_ =	task.clear_ibuf [dreg:s7], $0x7FFFF;
	_ =	strace $0x90000046  }
0xb4: {  	s29 =	simm.s32 $0x9;
	_ =	strace $0x80000048  }
0xb5: {  	_ =	swait.ge [sflag:s29], $0x1  }
0xb6: {  	[sflag:s29] =	ssyncadd.s32 $0xFFFFFFFF  }
0xb7: {  	_ =	strace $0x90000048  }
0xb8: {  	_ =	sfence  }
0xb9: {  	s30 =	sld [smem:$0x0];
	_ =	sdelay $0x2  }
0xba: {  	s31 =	sshll.u32 s1, $0xD;
	s1 =	sshrl.u32 s1, $0x2  }
0xbb: {  	s3 =	sand.u32 $0x4000, s31;
	s1 =	sadd.s32 s1, s30  }
0xbc: {  	s0 =	sor.u32 s3, s0;
	s1 =	sshll.u32 s1, $0x11  }
0xbd: {  	s0 =	sor.u32 s1, s0  }
0xbe: {  	s0 =	sadd.s32 $0x8F2B, s0  }
0xbf: {  	[sflag:s0] =	ssyncadd.remote.s32 $0x1  }
0xc0: {  	_ =	sfence.sel $0xFFFF  }
0xc1: {  	[dreg:$0x0] =	wrdreg $0xFFFFFFFF;
	(pc) =	sbr.abs _section_cstart, $3  }
0xc2: {  	[dreg:$0x1] =	wrdreg $0xFFFFFFFF  }
0xc3: {  	_ =	task.clear_ibuf [dreg:s7], $0x2FFFF;
	_ =	strace $0x9FFFFFFF  }
0xc4: {  	(tm) =	ssettm $0x7FFFFFFF  }
0xc5: {  	_ =	shalt  }
tec
execute0_lowered:
.L_overlay_start_1:
0x0: {  	(tag) =	ssettag $0x1  }
0x1: {  	s0 =	rddreg [dreg:$0x0];
	s1 =	srdreg.scid  }
0x2: {  	s3 =	rddreg [dreg:$0x2];
	s12 =	stileid.u32  }
0x3: {  	s4 =	rddreg [dreg:$0x3];
	s5 =	simm.s32 $0x0;
	s28 =	simm.s32 $0x5  }
0x4: {  	s30 =	simm.s32 $0x1;
	s31 =	simm.s32 $0x8;
	s29 =	simm.s32 $0x80  }
0x5: {  	s1 =	sand.u32 $0x1, s1;
	s6 =	smul.u32 $0x14000, s12;
	[smem:$0x7FF] =	sst s5  }
0x6: {  	s9 =	sadd.s32 $0x3E200, s0;
	s11 =	smul.u32 $0x280, s12;
	s2 =	sshll.u32 s1, $0x4  }
0x7: {  	_ =	strace $0x80000047;
	s8 =	ssub.s32 $0x2, s1;
	s1 =	smul.u32 $0x140000, s1  }
0x8: {  	s2 =	sor.u32 s12, s2;
	s7 =	sshrl.u32 s6, $0x3;
	s10 =	sshrl.u32 s8, $0x1  }
0x9: {  	s12 =	smul.u32 $0xA000, s12;
	s23 =	sadd.s32 $0x80, s11;
	s24 =	sadd.s32 $0x100, s11  }
0xa: {  	s13 =	sadd.s32 $0x180, s11;
	s11 =	sadd.s32 $0x200, s11;
	s2 =	smul.u32 $0x2800, s2  }
0xb: {  	s7 =	sadd.s32 s7, s0;
	s8 =	ssub.s32 s8, s10;
	s14 =	sshll.u32 s23, $0x7  }
0xc: {  	s6 =	sadd.s32 s6, s1;
	s15 =	sshll.u32 s24, $0x7;
	s17 =	sshll.u32 s11, $0x7  }
0xd: {  	s14 =	sadd.s32 s1, s14;
	s6 =	sshrl.u32 s6, $0x3;
	s15 =	sadd.s32 s1, s15  }
0xe: {  	s2 =	sshrl.u32 s2, $0x3;
	s14 =	sshrl.u32 s14, $0x3;
	s16 =	sadd.s32 s9, s6  }
0xf: {  	s15 =	sshrl.u32 s15, $0x3;
	[dreg:$0x7] =	wrdreg s16;
	s25 =	sadd.s32 s9, s14  }
0x10: {  	s2 =	sadd.s32 s2, s0;
	s18 =	sadd.s32 s9, s15;
	[dreg:$0x8] =	wrdreg s25  }
0x11: {  	s23 =	sshll.u32 s23, $0x6;
	s26 =	sadd.s32 $0x2200, s2;
	[dreg:$0x9] =	wrdreg s18  }
0x12: {  	s0 =	sadd.s32 $0x3E208, s0;
	s2 =	sadd.s32 $0xC200, s2;
	[dreg:$0x5] =	wrdreg s26  }
0x13: {  	s24 =	sshll.u32 s24, $0x6;
	s6 =	sadd.s32 s6, s0;
	[dreg:$0x6] =	wrdreg s2  }
0x14: {  	s10 =	simm.s32 $0x0;
	s20 =	sadd.s32 s14, s0;
	[dreg:$0xc] =	wrdreg s6  }
0x15: {  	s21 =	sadd.s32 s15, s0;
	s18 =	sadd.s32 s12, s3;
	[dreg:$0xd] =	wrdreg s20  }
0x16: {  	s25 =	sshll.u32 s13, $0x6;
	s26 =	sshll.u32 s13, $0x7;
	[dreg:$0xe] =	wrdreg s21  }
0x17: {  	s20 =	sadd.s32 s23, s4;
	s21 =	sadd.s32 s24, s4;
	s24 =	sadd.s32 $0x16200, s7  }
0x18: {  	s2 =	simm.s32 $0x10;
	s6 =	simm.s32 $0x2;
	s16 =	sadd.s32 s1, s26  }
0x19: {  	s1 =	sadd.s32 s1, s17;
	s26 =	sshll.u32 s11, $0x6;
	s16 =	sshrl.u32 s16, $0x3  }
0x1a: {  	s1 =	sshrl.u32 s1, $0x3;
	s23 =	sadd.s32 s26, s4;
	s26 =	smax.u32 s8, $0x1  }
0x1b: {  	s8 =	simm.s32 $0x4;
	s19 =	sadd.s32 s9, s16;
	s9 =	sadd.s32 s9, s1  }
0x1c: {  	s22 =	sadd.s32 s16, s0;
	s17 =	sadd.s32 s1, s0;
	[dreg:$0xa] =	wrdreg s19  }
0x1d: {  	s0 =	simm.s32 $0x5000;
	s1 =	simm.s32 $0x7000;
	[dreg:$0xb] =	wrdreg s9  }
0x1e: {  	[dreg:$0xf] =	wrdreg s22;
	s19 =	sadd.s32 s12, s4;
	s22 =	sadd.s32 s25, s4  }
0x1f: {  	s25 =	sadd.s32 $0x16208, s7;
	s7 =	simm.s32 $0x3;
	s9 =	simm.s32 $0x40  }
.LBB2_1:
0x20: {  	s11 =	rddreg [dreg:$0x5]  }
0x21: {  	[tilespmem:s5], [sflag:$0x5] =	stream.linear.gather [hbm4b:s11+s5], $0x2800, $0x38;
	[tilespmem:$0x1D000] =	vst v63  }
0x22: {  	_ =	swait.ge [sflag:s28], $0x2800  }
0x23: {  	[sflag:s28] =	ssyncset.done $0x0  }
0x24: {  	s12 =	simm.s32 $0x2800;
	s14 =	rddreg [dreg:$0x6];
	[sflag:s28] =	ssyncadd.s32 $0xFFFFD800  }
0x25: {  	[tilespmem:s12], [sflag:$0x5] =	stream.linear.gather [hbm4b:s14+s5], $0x2800, $0x38;
	[tilespmem:$0x1D000] =	vst v63  }
0x26: {  	s15 =	stileid.u32;
	_ =	swait.ge [sflag:s28], $0x2800  }
0x27: {  	s11 =	sshll.u32 s15, $0x6;
	[sflag:s28] =	ssyncset.done $0x0  }
0x28: {  	s11 =	sor.u32 $0x1C05, s11;
	s12 =	sshrl.u32 s18, $0x3;
	[sflag:s28] =	ssyncadd.s32 $0xFFFFD800  }
0x29: {  	[spmem:s12@s31], [sflag:s11] =	dma.strided [hbm:s24@s2], $0x1400, s30, $0x8   }
0x2a: {  	_ =	swait.ge [sflag:s28], $0x1400  }
0x2b: {  	[sflag:s28] =	ssyncset.done $0x0  }
0x2c: {  	[sflag:s28] =	ssyncadd.s32 $0xFFFFEC00  }
0x2d: {  	s13 =	rddreg [dreg:$0x1]  }
0x2e: {  	[tilespmem:s0], [sflag:$0x5] =	stream.linear.gather [hbm4b:s13+s5], $0x2000, $0x38;
	[tilespmem:$0x1D000] =	vst v63  }
0x2f: {  	_ =	swait.ge [sflag:s28], $0x2000  }
0x30: {  	[sflag:s28] =	ssyncset.done $0x0  }
0x31: {  	[sflag:s28] =	ssyncadd.s32 $0xFFFFE000  }
0x32: {  	[spmem:s19] =	stream.linear.scatter [tilespmem:s0], [sflag:$0x5], $0x2000, $0x38;
	[tilespmem:$0x1D000] =	vst v63  }
0x33: {  	_ =	swait.ge [sflag:s28], $0x2000  }
0x34: {  	[sflag:s28] =	ssyncset.done $0x0  }
0x35: {  	[sflag:s28] =	ssyncadd.s32 $0xFFFFE000  }
0x36: {  	[spmem:s20] =	stream.linear.scatter [tilespmem:s0], [sflag:$0x5], $0x2000, $0x38;
	[tilespmem:$0x1D000] =	vst v63  }
0x37: {  	_ =	swait.ge [sflag:s28], $0x2000  }
0x38: {  	[sflag:s28] =	ssyncset.done $0x0  }
0x39: {  	[sflag:s28] =	ssyncadd.s32 $0xFFFFE000  }
0x3a: {  	[spmem:s21] =	stream.linear.scatter [tilespmem:s0], [sflag:$0x5], $0x2000, $0x38;
	[tilespmem:$0x1D000] =	vst v63  }
0x3b: {  	_ =	swait.ge [sflag:s28], $0x2000  }
0x3c: {  	[sflag:s28] =	ssyncset.done $0x0  }
0x3d: {  	[sflag:s28] =	ssyncadd.s32 $0xFFFFE000  }
0x3e: {  	[spmem:s22] =	stream.linear.scatter [tilespmem:s0], [sflag:$0x5], $0x2000, $0x38;
	[tilespmem:$0x1D000] =	vst v63  }
0x3f: {  	_ =	swait.ge [sflag:s28], $0x2000  }
0x40: {  	[sflag:s28] =	ssyncset.done $0x0  }
0x41: {  	[sflag:s28] =	ssyncadd.s32 $0xFFFFE000  }
0x42: {  	[spmem:s23] =	stream.linear.scatter [tilespmem:s0], [sflag:$0x5], $0x2000, $0x38;
	[tilespmem:$0x1D000] =	vst v63  }
0x43: {  	_ =	swait.ge [sflag:s28], $0x2000  }
0x44: {  	[sflag:s28] =	ssyncset.done $0x0  }
0x45: {  	[sflag:s28] =	ssyncadd.s32 $0xFFFFE000  }
0x46: {  	s16 =	simm.s32 $0x0;
	[bflag:$0x0] =	sbarrier.arrive $0xFFFF  }
0x47: {  	[tilespmem:s0], [sflag:$0x1] =	stream.indirect.gather [spmem:s3], $0x40, s16, s29, $0xb8;
	[tilespmem:$0x1D000] =	vst v63  }
0x48: {  	s14 =	simm.s32 $0x80  }
0x49: {  	[tilespmem:s1], [sflag:$0x2] =	stream.indirect.gather [spmem:s3], $0x40, s14, s29, $0xb8;
	[tilespmem:$0x1D000] =	vst v63  }
0x4a: {  	_ =	swait.ge [sflag:s30], $0x2000  }
0x4b: {  	[sflag:s30] =	ssyncset.done $0x0  }
0x4c: {  	s15 =	simm.s32 $0x2800;
	[sflag:s30] =	ssyncadd.s32 $0xFFFFE000  }
0x4d: {  	[spmem:s4] =	stream.indirect.scatter.add.f32 [tilespmem:s0], [sflag:$0x3], $0x40, s15, s29, $0xb8;
	[tilespmem:$0x1D000] =	vst v63  }
0x4e: {  	_ =	swait.ge [sflag:s6], $0x2000  }
0x4f: {  	[sflag:s6] =	ssyncset.done $0x0  }
0x50: {  	s16 =	simm.s32 $0x2880;
	[sflag:s6] =	ssyncadd.s32 $0xFFFFE000  }
0x51: {  	[spmem:s4] =	stream.indirect.scatter.add.f32 [tilespmem:s1], [sflag:$0x4], $0x40, s16, s29, $0xb8;
	[tilespmem:$0x1D000] =	vst v63  }
0x52: {  	_ =	swait.ge [sflag:s7], $0x2000  }
0x53: {  	[sflag:s7] =	ssyncset.done $0x0  }
0x54: {  	[sflag:s7] =	ssyncadd.s32 $0xFFFFE000  }
0x55: {  	_ =	swait.ge [sflag:s8], $0x2000  }
0x56: {  	s13 =	simm.s32 $0x400;
	s14 =	simm.s32 $0x800;
	[sflag:s8] =	ssyncset.done $0x0  }
.LBB2_2:
0x57: {  	s15 =	sshra.s32 s13, $0x2  }
0x58: {  	[sflag:s8] =	ssyncadd.s32 $0xFFFFE000;
	s13 =	smov.u32 s14;
	s16 =	sadd.s32 $0x400, s14  }
0x59: {  	[tilespmem:s0], [sflag:$0x1] =	stream.indirect.gather [spmem:s3], $0x40, s15, s29, $0xb8;
	[tilespmem:$0x1D000] =	vst v63  }
0x5a: {  	p0 =	sne.s32 s14, $0x9C00;
	s14 =	sadd.s32 $0x80, s15  }
0x5b: {  	[tilespmem:s1], [sflag:$0x2] =	stream.indirect.gather [spmem:s3], $0x40, s14, s29, $0xb8;
	[tilespmem:$0x1D000] =	vst v63  }
0x5c: {  	_ =	swait.ge [sflag:s30], $0x2000  }
0x5d: {  	[sflag:s30] =	ssyncset.done $0x0  }
0x5e: {  	s14 =	sadd.s32 $0x2800, s15;
	[sflag:s30] =	ssyncadd.s32 $0xFFFFE000  }
0x5f: {  	[spmem:s4] =	stream.indirect.scatter.add.f32 [tilespmem:s0], [sflag:$0x3], $0x40, s14, s29, $0xb8;
	[tilespmem:$0x1D000] =	vst v63  }
0x60: {  	_ =	swait.ge [sflag:s6], $0x2000  }
0x61: {  	[sflag:s6] =	ssyncset.done $0x0  }
0x62: {  	s14 =	sadd.s32 $0x2880, s15;
	[sflag:s6] =	ssyncadd.s32 $0xFFFFE000  }
0x63: {  	[spmem:s4] =	stream.indirect.scatter.add.f32 [tilespmem:s1], [sflag:$0x4], $0x40, s14, s29, $0xb8;
	[tilespmem:$0x1D000] =	vst v63  }
.Ltmp0:
0x64: {  	_ =	swait.ge [sflag:s7], $0x2000;
	(pc) =	sbr.rel @p0 .LBB2_2-.Ltmp0, $4  }
0x65: {  	[sflag:s7] =	ssyncset.done $0x0  }
0x66: {  	[sflag:s7] =	ssyncadd.s32 $0xFFFFE000  }
0x67: {  	_ =	swait.ge [sflag:s8], $0x2000  }
0x68: {  	s14 =	smov.u32 s16;
	[sflag:s8] =	ssyncset.done $0x0  }
0x69: {  	s13 =	sshra.s32 s13, $0x2;
	[sflag:s8] =	ssyncadd.s32 $0xFFFFE000  }
0x6a: {  	[tilespmem:s0], [sflag:$0x1] =	stream.indirect.gather [spmem:s3], $0x40, s13, s29, $0xb8;
	[tilespmem:$0x1D000] =	vst v63  }
0x6b: {  	s14 =	sadd.s32 $0x80, s13  }
0x6c: {  	[tilespmem:s1], [sflag:$0x2] =	stream.indirect.gather [spmem:s3], $0x40, s14, s29, $0xb8;
	[tilespmem:$0x1D000] =	vst v63  }
0x6d: {  	_ =	swait.ge [sflag:s30], $0x2000  }
0x6e: {  	[sflag:s30] =	ssyncset.done $0x0  }
0x6f: {  	s15 =	sadd.s32 $0x2800, s13;
	[sflag:s30] =	ssyncadd.s32 $0xFFFFE000  }
0x70: {  	[spmem:s4] =	stream.indirect.scatter.add.f32 [tilespmem:s0], [sflag:$0x3], $0x40, s15, s29, $0xb8;
	[tilespmem:$0x1D000] =	vst v63  }
0x71: {  	_ =	swait.ge [sflag:s6], $0x2000  }
0x72: {  	[sflag:s6] =	ssyncset.done $0x0  }
0x73: {  	s13 =	sadd.s32 $0x2880, s13;
	[sflag:s6] =	ssyncadd.s32 $0xFFFFE000  }
0x74: {  	[spmem:s4] =	stream.indirect.scatter.add.f32 [tilespmem:s1], [sflag:$0x4], $0x40, s13, s29, $0xb8;
	[tilespmem:$0x1D000] =	vst v63  }
0x75: {  	_ =	swait.ge [sflag:s7], $0x2000  }
0x76: {  	[sflag:s7] =	ssyncset.done $0x0  }
0x77: {  	[sflag:s7] =	ssyncadd.s32 $0xFFFFE000  }
0x78: {  	_ =	swait.ge [sflag:s8], $0x2000  }
0x79: {  	[sflag:s8] =	ssyncset.done $0x0  }
0x7a: {  	[sflag:s8] =	ssyncadd.s32 $0xFFFFE000  }
0x7b: {  	[bflag:$0x0] =	sbarrier.arrive $0xFFFF  }
0x7c: {  	[tilespmem:s0], [sflag:$0x5] =	stream.linear.gather [spmem:s19], $0x2000, $0x38;
	[tilespmem:$0x1D000] =	vst v63  }
0x7d: {  	_ =	swait.ge [sflag:s28], $0x2000  }
0x7e: {  	[sflag:s28] =	ssyncset.done $0x0  }
0x7f: {  	s16 =	rddreg [dreg:$0x7];
	[sflag:s28] =	ssyncadd.s32 $0xFFFFE000  }
0x80: {  	[hbm4b:s16+s9] =	stream.strided.scatter [tilespmem:s0], [sflag:$0x5], $0x2000, s29, s9, $0x38;
	[tilespmem:$0x1D000] =	vst v63  }
0x81: {  	_ =	swait.ge [sflag:s28], $0x2000  }
0x82: {  	[sflag:s28] =	ssyncset.done $0x0  }
0x83: {  	[sflag:s28] =	ssyncadd.s32 $0xFFFFE000  }
0x84: {  	[tilespmem:s0], [sflag:$0x5] =	stream.linear.gather [spmem:s20], $0x2000, $0x38;
	[tilespmem:$0x1D000] =	vst v63  }
0x85: {  	_ =	swait.ge [sflag:s28], $0x2000  }
0x86: {  	[sflag:s28] =	ssyncset.done $0x0  }
0x87: {  	s14 =	rddreg [dreg:$0x8];
	[sflag:s28] =	ssyncadd.s32 $0xFFFFE000  }
0x88: {  	[hbm4b:s14+s9] =	stream.strided.scatter [tilespmem:s0], [sflag:$0x5], $0x2000, s29, s9, $0x38;
	[tilespmem:$0x1D000] =	vst v63  }
0x89: {  	_ =	swait.ge [sflag:s28], $0x2000  }
0x8a: {  	[sflag:s28] =	ssyncset.done $0x0  }
0x8b: {  	[sflag:s28] =	ssyncadd.s32 $0xFFFFE000  }
0x8c: {  	[tilespmem:s0], [sflag:$0x5] =	stream.linear.gather [spmem:s21], $0x2000, $0x38;
	[tilespmem:$0x1D000] =	vst v63  }
0x8d: {  	_ =	swait.ge [sflag:s28], $0x2000  }
0x8e: {  	[sflag:s28] =	ssyncset.done $0x0  }
0x8f: {  	s15 =	rddreg [dreg:$0x9];
	[sflag:s28] =	ssyncadd.s32 $0xFFFFE000  }
0x90: {  	[hbm4b:s15+s9] =	stream.strided.scatter [tilespmem:s0], [sflag:$0x5], $0x2000, s29, s9, $0x38;
	[tilespmem:$0x1D000] =	vst v63  }
0x91: {  	_ =	swait.ge [sflag:s28], $0x2000  }
0x92: {  	[sflag:s28] =	ssyncset.done $0x0  }
0x93: {  	[sflag:s28] =	ssyncadd.s32 $0xFFFFE000  }
0x94: {  	[tilespmem:s0], [sflag:$0x5] =	stream.linear.gather [spmem:s22], $0x2000, $0x38;
	[tilespmem:$0x1D000] =	vst v63  }
0x95: {  	_ =	swait.ge [sflag:s28], $0x2000  }
0x96: {  	[sflag:s28] =	ssyncset.done $0x0  }
0x97: {  	s16 =	rddreg [dreg:$0xa];
	[sflag:s28] =	ssyncadd.s32 $0xFFFFE000  }
0x98: {  	[hbm4b:s16+s9] =	stream.strided.scatter [tilespmem:s0], [sflag:$0x5], $0x2000, s29, s9, $0x38;
	[tilespmem:$0x1D000] =	vst v63  }
0x99: {  	_ =	swait.ge [sflag:s28], $0x2000  }
0x9a: {  	[sflag:s28] =	ssyncset.done $0x0  }
0x9b: {  	[sflag:s28] =	ssyncadd.s32 $0xFFFFE000  }
0x9c: {  	[tilespmem:s0], [sflag:$0x5] =	stream.linear.gather [spmem:s23], $0x2000, $0x38;
	[tilespmem:$0x1D000] =	vst v63  }
0x9d: {  	_ =	swait.ge [sflag:s28], $0x2000  }
0x9e: {  	[sflag:s28] =	ssyncset.done $0x0  }
0x9f: {  	s14 =	rddreg [dreg:$0xb];
	[sflag:s28] =	ssyncadd.s32 $0xFFFFE000  }
0xa0: {  	[hbm4b:s14+s9] =	stream.strided.scatter [tilespmem:s0], [sflag:$0x5], $0x2000, s29, s9, $0x38;
	[tilespmem:$0x1D000] =	vst v63  }
0xa1: {  	_ =	swait.ge [sflag:s28], $0x2000  }
0xa2: {  	[sflag:s28] =	ssyncset.done $0x0  }
0xa3: {  	[sflag:s28] =	ssyncadd.s32 $0xFFFFE000  }
0xa4: {  	[bflag:$0x0] =	sbarrier.arrive $0xFFFF  }
0xa5: {  	[spmem:s12@s31], [sflag:s11] =	dma.strided [hbm:s25@s2], $0x1400, s30, $0x8   }
0xa6: {  	_ =	swait.ge [sflag:s28], $0x1400  }
0xa7: {  	[sflag:s28] =	ssyncset.done $0x0  }
0xa8: {  	[sflag:s28] =	ssyncadd.s32 $0xFFFFEC00  }
0xa9: {  	s15 =	simm.s32 $0x0;
	s16 =	rddreg [dreg:$0x1]  }
0xaa: {  	[tilespmem:s0], [sflag:$0x5] =	stream.linear.gather [hbm4b:s16+s15], $0x2000, $0x38;
	[tilespmem:$0x1D000] =	vst v63  }
0xab: {  	_ =	swait.ge [sflag:s28], $0x2000  }
0xac: {  	[sflag:s28] =	ssyncset.done $0x0  }
0xad: {  	[sflag:s28] =	ssyncadd.s32 $0xFFFFE000  }
0xae: {  	[spmem:s19] =	stream.linear.scatter [tilespmem:s0], [sflag:$0x5], $0x2000, $0x38;
	[tilespmem:$0x1D000] =	vst v63  }
0xaf: {  	_ =	swait.ge [sflag:s28], $0x2000  }
0xb0: {  	[sflag:s28] =	ssyncset.done $0x0  }
0xb1: {  	[sflag:s28] =	ssyncadd.s32 $0xFFFFE000  }
0xb2: {  	[spmem:s20] =	stream.linear.scatter [tilespmem:s0], [sflag:$0x5], $0x2000, $0x38;
	[tilespmem:$0x1D000] =	vst v63  }
0xb3: {  	_ =	swait.ge [sflag:s28], $0x2000  }
0xb4: {  	[sflag:s28] =	ssyncset.done $0x0  }
0xb5: {  	[sflag:s28] =	ssyncadd.s32 $0xFFFFE000  }
0xb6: {  	[spmem:s21] =	stream.linear.scatter [tilespmem:s0], [sflag:$0x5], $0x2000, $0x38;
	[tilespmem:$0x1D000] =	vst v63  }
0xb7: {  	_ =	swait.ge [sflag:s28], $0x2000  }
0xb8: {  	[sflag:s28] =	ssyncset.done $0x0  }
0xb9: {  	[sflag:s28] =	ssyncadd.s32 $0xFFFFE000  }
0xba: {  	[spmem:s22] =	stream.linear.scatter [tilespmem:s0], [sflag:$0x5], $0x2000, $0x38;
	[tilespmem:$0x1D000] =	vst v63  }
0xbb: {  	_ =	swait.ge [sflag:s28], $0x2000  }
0xbc: {  	[sflag:s28] =	ssyncset.done $0x0  }
0xbd: {  	[sflag:s28] =	ssyncadd.s32 $0xFFFFE000  }
0xbe: {  	[spmem:s23] =	stream.linear.scatter [tilespmem:s0], [sflag:$0x5], $0x2000, $0x38;
	[tilespmem:$0x1D000] =	vst v63  }
0xbf: {  	_ =	swait.ge [sflag:s28], $0x2000  }
0xc0: {  	[sflag:s28] =	ssyncset.done $0x0  }
0xc1: {  	[sflag:s28] =	ssyncadd.s32 $0xFFFFE000  }
0xc2: {  	s13 =	simm.s32 $0x0;
	[bflag:$0x0] =	sbarrier.arrive $0xFFFF  }
0xc3: {  	[tilespmem:s0], [sflag:$0x1] =	stream.indirect.gather [spmem:s3], $0x40, s13, s29, $0xb8;
	[tilespmem:$0x1D000] =	vst v63  }
0xc4: {  	s14 =	simm.s32 $0x80  }
0xc5: {  	[tilespmem:s1], [sflag:$0x2] =	stream.indirect.gather [spmem:s3], $0x40, s14, s29, $0xb8;
	[tilespmem:$0x1D000] =	vst v63  }
0xc6: {  	_ =	swait.ge [sflag:s30], $0x2000  }
0xc7: {  	[sflag:s30] =	ssyncset.done $0x0  }
0xc8: {  	s15 =	simm.s32 $0x2800;
	[sflag:s30] =	ssyncadd.s32 $0xFFFFE000  }
0xc9: {  	[spmem:s4] =	stream.indirect.scatter.add.f32 [tilespmem:s0], [sflag:$0x3], $0x40, s15, s29, $0xb8;
	[tilespmem:$0x1D000] =	vst v63  }
0xca: {  	_ =	swait.ge [sflag:s6], $0x2000  }
0xcb: {  	[sflag:s6] =	ssyncset.done $0x0  }
0xcc: {  	s16 =	simm.s32 $0x2880;
	[sflag:s6] =	ssyncadd.s32 $0xFFFFE000  }
0xcd: {  	[spmem:s4] =	stream.indirect.scatter.add.f32 [tilespmem:s1], [sflag:$0x4], $0x40, s16, s29, $0xb8;
	[tilespmem:$0x1D000] =	vst v63  }
0xce: {  	_ =	swait.ge [sflag:s7], $0x2000  }
0xcf: {  	[sflag:s7] =	ssyncset.done $0x0  }
0xd0: {  	[sflag:s7] =	ssyncadd.s32 $0xFFFFE000  }
0xd1: {  	_ =	swait.ge [sflag:s8], $0x2000  }
0xd2: {  	s11 =	simm.s32 $0x400;
	s12 =	simm.s32 $0x800;
	[sflag:s8] =	ssyncset.done $0x0  }
.LBB2_4:
0xd3: {  	s13 =	sshra.s32 s11, $0x2  }
0xd4: {  	[sflag:s8] =	ssyncadd.s32 $0xFFFFE000;
	s11 =	smov.u32 s12;
	s14 =	sadd.s32 $0x400, s12  }
0xd5: {  	[tilespmem:s0], [sflag:$0x1] =	stream.indirect.gather [spmem:s3], $0x40, s13, s29, $0xb8;
	[tilespmem:$0x1D000] =	vst v63  }
0xd6: {  	p0 =	sne.s32 s12, $0x9C00;
	s12 =	sadd.s32 $0x80, s13  }
0xd7: {  	[tilespmem:s1], [sflag:$0x2] =	stream.indirect.gather [spmem:s3], $0x40, s12, s29, $0xb8;
	[tilespmem:$0x1D000] =	vst v63  }
0xd8: {  	_ =	swait.ge [sflag:s30], $0x2000  }
0xd9: {  	[sflag:s30] =	ssyncset.done $0x0  }
0xda: {  	s12 =	sadd.s32 $0x2800, s13;
	[sflag:s30] =	ssyncadd.s32 $0xFFFFE000  }
0xdb: {  	[spmem:s4] =	stream.indirect.scatter.add.f32 [tilespmem:s0], [sflag:$0x3], $0x40, s12, s29, $0xb8;
	[tilespmem:$0x1D000] =	vst v63  }
0xdc: {  	_ =	swait.ge [sflag:s6], $0x2000  }
0xdd: {  	[sflag:s6] =	ssyncset.done $0x0  }
0xde: {  	s12 =	sadd.s32 $0x2880, s13;
	[sflag:s6] =	ssyncadd.s32 $0xFFFFE000  }
0xdf: {  	[spmem:s4] =	stream.indirect.scatter.add.f32 [tilespmem:s1], [sflag:$0x4], $0x40, s12, s29, $0xb8;
	[tilespmem:$0x1D000] =	vst v63  }
.Ltmp1:
0xe0: {  	_ =	swait.ge [sflag:s7], $0x2000;
	(pc) =	sbr.rel @p0 .LBB2_4-.Ltmp1, $4  }
0xe1: {  	[sflag:s7] =	ssyncset.done $0x0  }
0xe2: {  	[sflag:s7] =	ssyncadd.s32 $0xFFFFE000  }
0xe3: {  	_ =	swait.ge [sflag:s8], $0x2000  }
0xe4: {  	s12 =	smov.u32 s14;
	[sflag:s8] =	ssyncset.done $0x0  }
0xe5: {  	s11 =	sshra.s32 s11, $0x2;
	[sflag:s8] =	ssyncadd.s32 $0xFFFFE000  }
0xe6: {  	[tilespmem:s0], [sflag:$0x1] =	stream.indirect.gather [spmem:s3], $0x40, s11, s29, $0xb8;
	[tilespmem:$0x1D000] =	vst v63  }
0xe7: {  	s12 =	sadd.s32 $0x80, s11  }
0xe8: {  	[tilespmem:s1], [sflag:$0x2] =	stream.indirect.gather [spmem:s3], $0x40, s12, s29, $0xb8;
	[tilespmem:$0x1D000] =	vst v63  }
0xe9: {  	_ =	swait.ge [sflag:s30], $0x2000  }
0xea: {  	[sflag:s30] =	ssyncset.done $0x0  }
0xeb: {  	s16 =	sadd.s32 $0x2800, s11;
	[sflag:s30] =	ssyncadd.s32 $0xFFFFE000  }
0xec: {  	[spmem:s4] =	stream.indirect.scatter.add.f32 [tilespmem:s0], [sflag:$0x3], $0x40, s16, s29, $0xb8;
	[tilespmem:$0x1D000] =	vst v63  }
0xed: {  	_ =	swait.ge [sflag:s6], $0x2000  }
0xee: {  	[sflag:s6] =	ssyncset.done $0x0  }
0xef: {  	s11 =	sadd.s32 $0x2880, s11;
	[sflag:s6] =	ssyncadd.s32 $0xFFFFE000  }
0xf0: {  	[spmem:s4] =	stream.indirect.scatter.add.f32 [tilespmem:s1], [sflag:$0x4], $0x40, s11, s29, $0xb8;
	[tilespmem:$0x1D000] =	vst v63  }
0xf1: {  	_ =	swait.ge [sflag:s7], $0x2000  }
0xf2: {  	[sflag:s7] =	ssyncset.done $0x0  }
0xf3: {  	[sflag:s7] =	ssyncadd.s32 $0xFFFFE000  }
0xf4: {  	_ =	swait.ge [sflag:s8], $0x2000  }
0xf5: {  	[sflag:s8] =	ssyncset.done $0x0  }
0xf6: {  	[sflag:s8] =	ssyncadd.s32 $0xFFFFE000  }
0xf7: {  	[bflag:$0x0] =	sbarrier.arrive $0xFFFF  }
0xf8: {  	[tilespmem:s0], [sflag:$0x5] =	stream.linear.gather [spmem:s19], $0x2000, $0x38;
	[tilespmem:$0x1D000] =	vst v63  }
0xf9: {  	_ =	swait.ge [sflag:s28], $0x2000  }
0xfa: {  	[sflag:s28] =	ssyncset.done $0x0  }
0xfb: {  	s13 =	rddreg [dreg:$0xc];
	[sflag:s28] =	ssyncadd.s32 $0xFFFFE000  }
0xfc: {  	[hbm4b:s13+s9] =	stream.strided.scatter [tilespmem:s0], [sflag:$0x5], $0x2000, s29, s9, $0x38;
	[tilespmem:$0x1D000] =	vst v63  }
0xfd: {  	_ =	swait.ge [sflag:s28], $0x2000  }
0xfe: {  	[sflag:s28] =	ssyncset.done $0x0  }
0xff: {  	[sflag:s28] =	ssyncadd.s32 $0xFFFFE000  }
0x100: {  	[tilespmem:s0], [sflag:$0x5] =	stream.linear.gather [spmem:s20], $0x2000, $0x38;
	[tilespmem:$0x1D000] =	vst v63  }
0x101: {  	_ =	swait.ge [sflag:s28], $0x2000  }
0x102: {  	[sflag:s28] =	ssyncset.done $0x0  }
0x103: {  	s14 =	rddreg [dreg:$0xd];
	[sflag:s28] =	ssyncadd.s32 $0xFFFFE000  }
0x104: {  	[hbm4b:s14+s9] =	stream.strided.scatter [tilespmem:s0], [sflag:$0x5], $0x2000, s29, s9, $0x38;
	[tilespmem:$0x1D000] =	vst v63  }
0x105: {  	_ =	swait.ge [sflag:s28], $0x2000  }
0x106: {  	[sflag:s28] =	ssyncset.done $0x0  }
0x107: {  	[sflag:s28] =	ssyncadd.s32 $0xFFFFE000  }
0x108: {  	[tilespmem:s0], [sflag:$0x5] =	stream.linear.gather [spmem:s21], $0x2000, $0x38;
	[tilespmem:$0x1D000] =	vst v63  }
0x109: {  	_ =	swait.ge [sflag:s28], $0x2000  }
0x10a: {  	[sflag:s28] =	ssyncset.done $0x0  }
0x10b: {  	s15 =	rddreg [dreg:$0xe];
	[sflag:s28] =	ssyncadd.s32 $0xFFFFE000  }
0x10c: {  	[hbm4b:s15+s9] =	stream.strided.scatter [tilespmem:s0], [sflag:$0x5], $0x2000, s29, s9, $0x38;
	[tilespmem:$0x1D000] =	vst v63  }
0x10d: {  	_ =	swait.ge [sflag:s28], $0x2000  }
0x10e: {  	[sflag:s28] =	ssyncset.done $0x0  }
0x10f: {  	[sflag:s28] =	ssyncadd.s32 $0xFFFFE000  }
0x110: {  	[tilespmem:s0], [sflag:$0x5] =	stream.linear.gather [spmem:s22], $0x2000, $0x38;
	[tilespmem:$0x1D000] =	vst v63  }
0x111: {  	_ =	swait.ge [sflag:s28], $0x2000  }
0x112: {  	[sflag:s28] =	ssyncset.done $0x0  }
0x113: {  	s16 =	rddreg [dreg:$0xf];
	[sflag:s28] =	ssyncadd.s32 $0xFFFFE000  }
0x114: {  	[hbm4b:s16+s9] =	stream.strided.scatter [tilespmem:s0], [sflag:$0x5], $0x2000, s29, s9, $0x38;
	[tilespmem:$0x1D000] =	vst v63  }
0x115: {  	_ =	swait.ge [sflag:s28], $0x2000  }
0x116: {  	[sflag:s28] =	ssyncset.done $0x0  }
0x117: {  	[sflag:s28] =	ssyncadd.s32 $0xFFFFE000  }
0x118: {  	[tilespmem:s0], [sflag:$0x5] =	stream.linear.gather [spmem:s23], $0x2000, $0x38;
	[tilespmem:$0x1D000] =	vst v63  }
0x119: {  	_ =	swait.ge [sflag:s28], $0x2000  }
0x11a: {  	s10 =	sadd.s32 $0x1, s10;
	[sflag:s28] =	ssyncset.done $0x0  }
0x11b: {  	p0 =	sne.s32 s10, s26;
	[sflag:s28] =	ssyncadd.s32 $0xFFFFE000  }
0x11c: {  	[hbm4b:s17+s9] =	stream.strided.scatter [tilespmem:s0], [sflag:$0x5], $0x2000, s29, s9, $0x38;
	[tilespmem:$0x1D000] =	vst v63  }
.Ltmp2:
0x11d: {  	_ =	swait.ge [sflag:s28], $0x2000;
	(pc) =	sbr.rel @p0 .LBB2_1-.Ltmp2, $3  }
0x11e: {  	[sflag:s28] =	ssyncset.done $0x0  }
0x11f: {  	[sflag:s28] =	ssyncadd.s32 $0xFFFFE000  }
0x120: {  	[bflag:$0x0] =	sbarrier.arrive $0xFFFF;
	_ =	sdelay $0x1  }
0x121: {  	_ =	sfence.sel $0x180000  }
0x122: {  	[bflag:$0x0] =	sbarrier.arrive $0xFFFF  }
0x123: {  	_ =	strace $0x90000047  }
0x124: {  	s0 =	stileid.u32;
	[bflag:$0x2] =	sbarrier.arrive $0xFFFF  }
0x125: {  	p0 =	sne.s32 s0, $0x0;
	s0 =	rddreg [dreg:$0x4]  }
0x126: {  	s0 =	sadd.s32 @!p0 $0x100000, s0  }
0x127: {  	[sflag:s0] =	ssyncadd.tile.s32 @!p0 $0x1;
	_ =	shalt  }
.Lfunc_end2:
_tile_overlayer_lowered:
.L_overlay_start_2:
0x128: {  	(tag) =	ssettag $0x2  }
0x129: {  	s0 =	rddreg [dreg:$0x0];
	s2 =	stileid.u32  }
0x12a: {  	s1 =	rddreg [dreg:$0x1];
	p0 =	sne.s32 s2, $0x0  }
0x12b: {  	s3 =	rddreg [dreg:$0x2];
	[bflag:$0x3] =	sbarrier.arrive $0xFFFF;
	s2 =	simm.s32 @!p0 $0x1C05  }
0x12c: {  	[timem:s3], [sflag:s2] =	dma.local @!p0 [hbm:s0], s1  }
0x12d: {  	s0 =	simm.s32 @!p0 $0x5  }
0x12e: {  	_ =	swait.ge @!p0 [sflag:s0], s1  }
0x12f: {  	s1 =	ssub.s32 @!p0 $0x0, s1;
	[sflag:s0] =	ssyncset.done @!p0 $0x0  }
0x130: {  	[sflag:s0] =	ssyncadd.s32 @!p0 s1  }
0x131: {  	[bflag:$0x3] =	sbarrier.arrive $0xFFFF  }
0x132: {  	_ =	shalt  }

// kernel: kernel.9.cloned.1.call-start
scs
__scs_entry_jumppad:
0x0: {  	(pc) =	sbr.rel $0x88, $3  }
0x1: {  	(tag) =	ssettag $0x0;
	lr =	simm.s32 $0x1  }
0x2: {  	[smem:$0x3F95] =	sst lr;
	_ =	strace $0xD0000000  }
0x3: {  	_ = 	snop  }
0x4: {  	_ = 	snop  }
0x5: {  	_ = 	snop  }
0x6: {  	_ = 	snop  }
0x7: {  	_ = 	snop  }
__scs_overlays_trampoline_lowered:
0x8: {  	[smem:$0x3FA4] =	sst s0  }
0x9: {  	[smem:$0x3FA5] =	sst s1  }
0xa: {  	[smem:$0x3FA6] =	sst s2  }
0xb: {  	[smem:$0x3FA7] =	sst s3  }
0xc: {  	[smem:$0x3FA8] =	sst s4  }
0xd: {  	[smem:$0x3FA9] =	sst s5  }
0xe: {  	[smem:$0x3FAA] =	sst s6  }
0xf: {  	[smem:$0x3FAB] =	sst s7  }
0x10: {  	[smem:$0x3FAC] =	sst s8  }
0x11: {  	[smem:$0x3FAD] =	sst s9;
	s0 =	simm.s32 @!p0 $0x0  }
0x12: {  	s1 =	sld [smem:$0x3F93];
	s0 =	simm.s32 @p0 $0x1  }
0x13: {  	[smem:$0x3FAE] =	sst s0;
	s0 =	simm.s32 @!p1 $0x0  }
0x14: {  	s2 =	sld [smem:$0x3F92];
	s0 =	simm.s32 @p1 $0x1  }
0x15: {  	[smem:$0x3FAF] =	sst s0;
	s0 =	simm.s32 @!p2 $0x0  }
0x16: {  	s3 =	sld [smem:$0x3FDB];
	s0 =	simm.s32 @p2 $0x1  }
0x17: {  	s4 =	simm.s32 $0x1BF5;
	[smem:$0x3FB1] =	sst s0  }
0x18: {  	s0 =	sld [smem:$0x3F94];
	_ =	swait.ge [sflag:s4], $0x0  }
0x19: {  	s7 =	sld [smem:$0x3F95]  }
0x1a: {  	s8 =	sadd.s32 $0xFFFFE003, lr  }
0x1b: {  	s9 =	sadd.s32 $0xFFFFFEF7, lr;
	s5 =	simm.s32 $0xFFFFFFFF;
	p2 =	slt.u32 s8, $0xFFFFF086  }
0x1c: {  	p1 =	slt.u32 s9, $0xF7A;
	s5 =	simm.s32 @!p2 $0x0  }
0x1d: {  	s5 =	simm.s32 @p1 $0x1;
	p0 =	seq.s32 s7, s2  }
0x1e: {  	s7 =	smul.u32 @!p0 $0xF7A, s2;
	p2 =	seq.s32 @!p0 s5, $0x0  }
0x1f: {  	s9 =	smul.u32 $0xF7A, s1;
	s8 =	simm.s32 @!p0 $0x1BF5;
	p2 =	por !p2, p0  }
0x20: {  	[sflag:s8] =	ssyncset.s32 @!p0 $0xFFFFF086;
	s6 =	sadd.s32 @!p0 s3, s7;
	s7 =	simm.s32 @!p0 $0x108  }
0x21: {  	s3 =	sadd.s32 s3, s9;
	s6 =	sadd.s32 @!p0 $0x88, s6;
	s7 =	simm.s32 @p2 $0x1082  }
0x22: {  	[simem:s7], [sflag:s8] =	dma.local @!p0 [hbm:s6], $0xF7A  }
0x23: {  	s9 =	sor.u32 $0xD0000000, s2;
	s6 =	simm.s32 $0x108;
	_ =	swait.ge @!p0 [sflag:s8], $0x0  }
0x24: {  	s3 =	sadd.s32 $0x88, s3;
	s6 =	simm.s32 @!p1 $0x1082;
	[sflag:s4] =	ssyncset.s32 $0xFFFFF086  }
0x25: {  	[simem:s6], [sflag:s4] =	dma.local [hbm:s3], $0xF7A  }
0x26: {  	[smem:$0x3F95] =	sst s1;
	(tag) =	ssettag s2;
	_ =	strace s9  }
0x27: {  	s1 =	sld [smem:$0x3FA5]  }
0x28: {  	s2 =	sld [smem:$0x3FA6]  }
0x29: {  	s4 =	sld [smem:$0x3FA8]  }
0x2a: {  	p0 =	seq.s32 s5, $0x0;
	s5 =	sld [smem:$0x3FA9]  }
0x2b: {  	s6 =	sld [smem:$0x3FAA]  }
0x2c: {  	s7 =	sld [smem:$0x3FAB]  }
0x2d: {  	s3 =	simm.s32 $0x108;
	s8 =	sld [smem:$0x3FAC]  }
0x2e: {  	s3 =	simm.s32 @!p0 $0x1082;
	s9 =	sld [smem:$0x3FAD]  }
0x2f: {  	lr =	sadd.s32 s0, s3;
	s0 =	sld [smem:$0x3FA4]  }
0x30: {  	s3 =	sld [smem:$0x3FA7]  }
0x31: {  	[smem:$0x3FB0] =	sst s10  }
0x32: {  	s10 =	sld [smem:$0x3FAE];
	_ =	sdelay $0x3  }
0x33: {  	p0 =	seq.s32 s10, $0x1;
	s10 =	sld [smem:$0x3FB0];
	_ =	sdelay $0x3  }
0x34: {  	[smem:$0x3FB0] =	sst s10  }
0x35: {  	s10 =	sld [smem:$0x3FAF];
	_ =	sdelay $0x3  }
0x36: {  	p1 =	seq.s32 s10, $0x1;
	s10 =	sld [smem:$0x3FB0];
	_ =	sdelay $0x3  }
0x37: {  	[smem:$0x3FB0] =	sst s10  }
0x38: {  	s10 =	sld [smem:$0x3FB1]  }
0x39: {  	_ = 	snop;
	(pc) =	sbr.ind lr, $3  }
0x3a: {  	_ = 	snop  }
0x3b: {  	_ = 	snop  }
0x3c: {  	p2 =	seq.s32 s10, $0x1;
	s10 =	sld [smem:$0x3FB0]  }
0x3d: {  	_ =	shalt  }
0x3e: {  	_ =	shalt  }
0x3f: {  	_ =	shalt  }
0x40: {  	_ =	shalt  }
0x41: {  	_ =	shalt  }
0x42: {  	_ =	shalt  }
0x43: {  	_ =	shalt  }
0x44: {  	_ =	shalt  }
0x45: {  	_ =	shalt  }
0x46: {  	_ =	shalt  }
0x47: {  	_ =	shalt  }
0x48: {  	_ =	shalt  }
0x49: {  	_ =	shalt  }
0x4a: {  	_ =	shalt  }
0x4b: {  	_ =	shalt  }
0x4c: {  	_ =	shalt  }
0x4d: {  	_ =	shalt  }
0x4e: {  	_ =	shalt  }
0x4f: {  	_ =	shalt  }
0x50: {  	_ =	shalt  }
0x51: {  	_ =	shalt  }
0x52: {  	_ =	shalt  }
0x53: {  	_ =	shalt  }
0x54: {  	_ =	shalt  }
0x55: {  	_ =	shalt  }
0x56: {  	_ =	shalt  }
0x57: {  	_ =	shalt  }
0x58: {  	_ =	shalt  }
0x59: {  	_ =	shalt  }
0x5a: {  	_ =	shalt  }
0x5b: {  	_ =	shalt  }
0x5c: {  	_ =	shalt  }
0x5d: {  	_ =	shalt  }
0x5e: {  	_ =	shalt  }
0x5f: {  	_ =	shalt  }
0x60: {  	_ =	shalt  }
0x61: {  	_ =	shalt  }
0x62: {  	_ =	shalt  }
0x63: {  	_ =	shalt  }
0x64: {  	_ =	shalt  }
0x65: {  	_ =	shalt  }
0x66: {  	_ =	shalt  }
0x67: {  	_ =	shalt  }
0x68: {  	_ =	shalt  }
0x69: {  	_ =	shalt  }
0x6a: {  	_ =	shalt  }
0x6b: {  	_ =	shalt  }
0x6c: {  	_ =	shalt  }
0x6d: {  	_ =	shalt  }
0x6e: {  	_ =	shalt  }
0x6f: {  	_ =	shalt  }
0x70: {  	_ =	shalt  }
0x71: {  	_ =	shalt  }
0x72: {  	_ =	shalt  }
0x73: {  	_ =	shalt  }
0x74: {  	_ =	shalt  }
0x75: {  	_ =	shalt  }
0x76: {  	_ =	shalt  }
0x77: {  	_ =	shalt  }
0x78: {  	_ =	shalt  }
0x79: {  	_ =	shalt  }
0x7a: {  	_ =	shalt  }
0x7b: {  	_ =	shalt  }
0x7c: {  	_ =	shalt  }
0x7d: {  	_ =	shalt  }
0x7e: {  	_ =	shalt  }
0x7f: {  	_ =	shalt  }
0x80: {  	_ =	shalt  }
0x81: {  	_ =	shalt  }
0x82: {  	_ =	shalt  }
0x83: {  	_ =	shalt  }
0x84: {  	_ =	shalt  }
0x85: {  	_ =	shalt  }
0x86: {  	_ =	shalt  }
0x87: {  	_ =	shalt  }
.Lfunc_end0:
.L_simem_size_0:
called_computation.1_lowered:
.L_overlay_start_0:
0x88: {  	s2 =	sld [smem:$0x3FD9]  }
0x89: {  	s3 =	sld [smem:$0x3FFE];
	_ =	sdelay $0x1  }
0x8a: {  	s1 =	srdreg.scid  }
0x8b: {  	s0 =	sand.u32 $0x1, s1  }
0x8c: {  	s17 =	sshll.u32 s0, $0xA;
	s2 =	sadd.s32 s3, s2  }
0x8d: {  	s2 =	sadd.s32 s2, s17  }
0x8e: {  	[smem:$0x3FBC] =	sst s2  }
0x8f: {  	_ = 	snop  }
0x90: {  	s2 =	sld [smem:$0x3FD0];
	(tm) =	ssettm $0x1  }
0x91: {  	s18 =	sld [smem:$0x3FFB];
	_ =	sdelay $0x3  }
0x92: {  	_ =	strace s18  }
0x93: {  	s3 =	sld [smem:$0x3FFC];
	_ =	sdelay $0x3  }
0x94: {  	_ =	strace s3  }
0x95: {  	s3 =	sld [smem:$0x3FFD];
	_ =	sdelay $0x3  }
0x96: {  	_ =	strace s3  }
0x97: {  	_ =	strace $0x8FFFFFFF  }
0x98: {  	s19 =	sld [smem:$0x3FDB];
	_ =	sdelay $0x1  }
0x99: {  	s4 =	simm.s32 $_scs_section_size  }
0x9a: {  	s5 =	simm.s32 $_size__tile_overlayer_lowered;
	s6 =	simm.s32 $_tile_overlayer_lowered  }
0x9b: {  	s22 =	simm.s32 $0x1BFF;
	s21 =	sshll.u32 s6, $0x1;
	s3 =	sadd.s32 s4, s19  }
0x9c: {  	s7 =	simm.s32 $0x0;
	s20 =	sshll.u32 s5, $0x1;
	s5 =	sadd.s32 s21, s3  }
0x9d: {  	[timem:s7], [sflag:s22] =	dma.local [hbm:s5], s20  }
0x9e: {  	_ =	swait.ge [sflag:s22], s20  }
0x9f: {  	s4 =	ssub.s32 $0x0, s20;
	[sflag:s22] =	ssyncset.done $0x0  }
0xa0: {  	[sflag:s22] =	ssyncadd.s32 s4;
	_ =	sdelay $0x1  }
0xa1: {  	s23 =	simm.s32 $0x1B8B  }
0xa2: {  	_ =	swait.ge [sflag:s23], $0x1  }
0xa3: {  	[sflag:s23] =	ssyncset.done $0x0  }
0xa4: {  	s25 =	simm.s32 $0x1B8E;
	s24 =	sld [smem:$0x3FFE];
	[sflag:s23] =	ssyncadd.s32 $0xFFFFFFFF  }
0xa5: {  	s26 =	simm.s32 $execute0_lowered;
	[smem:$0x3FD2] =	sst s25  }
0xa6: {  	s5 =	sshll.u32 s26, $0x1;
	_ =	strace $0x80000049;
	[dreg:$0x1] =	wrdreg $0xFFFFFFFF  }
0xa7: {  	s28 =	simm.s32 $_size_execute0_lowered;
	s3 =	sadd.s32 s3, s5;
	[dreg:$0x0] =	wrdreg $0x0  }
0xa8: {  	s5 =	sshll.u32 s28, $0x1;
	[dreg:$0x2] =	wrdreg s3  }
0xa9: {  	[dreg:$0x3] =	wrdreg s5  }
0xaa: {  	[dreg:$0x4] =	wrdreg $0xC0  }
0xab: {  	_ =	task [dreg:s7], $0x5FFFF  }
0xac: {  	[dreg:$0x1] =	wrdreg $0xFFFFFFFF  }
0xad: {  	[dreg:$0x0] =	wrdreg $0x60  }
0xae: {  	[dreg:$0x2] =	wrdreg s24  }
0xaf: {  	[dreg:$0x3] =	wrdreg s2  }
0xb0: {  	[dreg:$0x4] =	wrdreg $0x130000  }
0xb1: {  	[dreg:$0x5] =	wrdreg $0x90000  }
0xb2: {  	[dreg:$0x6] =	wrdreg $0x9  }
0xb3: {  	_ =	task.clear_ibuf [dreg:s7], $0x7FFFF;
	_ =	strace $0x90000049  }
0xb4: {  	s29 =	simm.s32 $0x9;
	_ =	strace $0x8000004B  }
0xb5: {  	_ =	swait.ge [sflag:s29], $0x1  }
0xb6: {  	[sflag:s29] =	ssyncadd.s32 $0xFFFFFFFF  }
0xb7: {  	_ =	strace $0x9000004B  }
0xb8: {  	_ =	sfence  }
0xb9: {  	s30 =	sld [smem:$0x0];
	_ =	sdelay $0x2  }
0xba: {  	s31 =	sshll.u32 s1, $0xD;
	s1 =	sshrl.u32 s1, $0x2  }
0xbb: {  	s3 =	sand.u32 $0x4000, s31;
	s1 =	sadd.s32 s1, s30  }
0xbc: {  	s0 =	sor.u32 s3, s0;
	s1 =	sshll.u32 s1, $0x11  }
0xbd: {  	s0 =	sor.u32 s1, s0  }
0xbe: {  	s0 =	sadd.s32 $0x8F2B, s0  }
0xbf: {  	[sflag:s0] =	ssyncadd.remote.s32 $0x1  }
0xc0: {  	_ =	sfence.sel $0xFFFF  }
0xc1: {  	[dreg:$0x0] =	wrdreg $0xFFFFFFFF;
	(pc) =	sbr.abs _section_cstart, $3  }
0xc2: {  	[dreg:$0x1] =	wrdreg $0xFFFFFFFF  }
0xc3: {  	_ =	task.clear_ibuf [dreg:s7], $0x2FFFF;
	_ =	strace $0x9FFFFFFF  }
0xc4: {  	(tm) =	ssettm $0x7FFFFFFF  }
0xc5: {  	_ =	shalt  }
tec
execute0_lowered:
.L_overlay_start_1:
0x0: {  	(tag) =	ssettag $0x1  }
0x1: {  	s0 =	rddreg [dreg:$0x0]  }
0x2: {  	s2 =	rddreg [dreg:$0x2]  }
0x3: {  	s1 =	srdreg.scid;
	s4 =	rddreg [dreg:$0x3]  }
0x4: {  	s9 =	stileid.u32;
	s5 =	simm.s32 $0x0;
	s22 =	simm.s32 $0x5  }
0x5: {  	s23 =	simm.s32 $0x5000;
	s28 =	simm.s32 $0x1;
	s29 =	simm.s32 $0x2  }
0x6: {  	s30 =	simm.s32 $0x3;
	s31 =	simm.s32 $0x4;
	s1 =	sand.u32 $0x1, s1  }
0x7: {  	s13 =	smul.u32 $0xA000, s9;
	[smem:$0x7FF] =	sst s5;
	s24 =	sshll.u32 s9, $0x6  }
0x8: {  	s3 =	sshll.u32 s1, $0x4;
	_ =	strace $0x8000004A;
	s7 =	ssub.s32 $0x2, s1  }
0x9: {  	s1 =	smul.u32 $0xA0000, s1;
	s3 =	sor.u32 s9, s3;
	s6 =	sshrl.u32 s13, $0x3  }
0xa: {  	s8 =	sshrl.u32 s7, $0x1;
	s21 =	sadd.s32 s13, s2;
	s14 =	sadd.s32 $0x2000, s13  }
0xb: {  	s17 =	sadd.s32 $0x4000, s13;
	s18 =	sadd.s32 $0x6000, s13;
	s19 =	sadd.s32 $0x8000, s13  }
0xc: {  	s3 =	smul.u32 $0x2800, s3;
	s6 =	sadd.s32 s6, s0;
	s20 =	ssub.s32 s7, s8  }
0xd: {  	s7 =	sor.u32 $0x1C05, s24;
	s8 =	sadd.s32 s13, s4;
	s9 =	sadd.s32 s14, s4  }
0xe: {  	s10 =	sadd.s32 s17, s4;
	s11 =	sadd.s32 s18, s4;
	s12 =	sadd.s32 s19, s4  }
0xf: {  	s15 =	sadd.s32 s13, s1;
	s14 =	sadd.s32 s1, s14;
	s25 =	sadd.s32 s1, s17  }
0x10: {  	s26 =	sadd.s32 s1, s18;
	s1 =	sadd.s32 s1, s19;
	s21 =	sshrl.u32 s21, $0x3  }
0x11: {  	s6 =	sadd.s32 $0x16200, s6;
	s15 =	sshrl.u32 s15, $0x3;
	s16 =	sshrl.u32 s14, $0x3  }
0x12: {  	s18 =	sshrl.u32 s26, $0x3;
	s1 =	sshrl.u32 s1, $0x3;
	s3 =	sshrl.u32 s3, $0x3  }
0x13: {  	s20 =	smax.u32 s20, $0x1;
	s26 =	simm.s32 $0x7000;
	s3 =	sadd.s32 s3, s0  }
0x14: {  	[dreg:$0x5] =	wrdreg s6;
	s0 =	sadd.s32 $0x2A200, s0;
	s13 =	sadd.s32 $0x2200, s3  }
0x15: {  	s14 =	sadd.s32 $0xC200, s3;
	s15 =	sadd.s32 s0, s15;
	s16 =	sadd.s32 s0, s16  }
0x16: {  	s3 =	sshrl.u32 s25, $0x3;
	s18 =	sadd.s32 s0, s18;
	s19 =	sadd.s32 s0, s1  }
0x17: {  	s25 =	simm.s32 $0x80;
	s17 =	sadd.s32 s0, s3;
	s0 =	simm.s32 $0x0  }
.LBB2_1:
0x18: {  	s1 =	rddreg [dreg:$0x5]  }
0x19: {  	[spmem:s21], [sflag:s7] =	dma.local [hbm:s1], $0x1400  }
0x1a: {  	_ =	swait.ge [sflag:s22], $0x1400  }
0x1b: {  	[sflag:s22] =	ssyncset.done $0x0  }
0x1c: {  	[sflag:s22] =	ssyncadd.s32 $0xFFFFEC00  }
0x1d: {  	s3 =	rddreg [dreg:$0x1]  }
0x1e: {  	[tilespmem:s23], [sflag:$0x5] =	stream.linear.gather [hbm4b:s3+s5], $0x2000, $0x38;
	[tilespmem:$0x1D000] =	vst v63  }
0x1f: {  	_ =	swait.ge [sflag:s22], $0x2000  }
0x20: {  	[sflag:s22] =	ssyncset.done $0x0  }
0x21: {  	[sflag:s22] =	ssyncadd.s32 $0xFFFFE000  }
0x22: {  	[spmem:s8] =	stream.linear.scatter [tilespmem:s23], [sflag:$0x5], $0x2000, $0x38;
	[tilespmem:$0x1D000] =	vst v63  }
0x23: {  	_ =	swait.ge [sflag:s22], $0x2000  }
0x24: {  	[sflag:s22] =	ssyncset.done $0x0  }
0x25: {  	[sflag:s22] =	ssyncadd.s32 $0xFFFFE000  }
0x26: {  	[spmem:s9] =	stream.linear.scatter [tilespmem:s23], [sflag:$0x5], $0x2000, $0x38;
	[tilespmem:$0x1D000] =	vst v63  }
0x27: {  	_ =	swait.ge [sflag:s22], $0x2000  }
0x28: {  	[sflag:s22] =	ssyncset.done $0x0  }
0x29: {  	[sflag:s22] =	ssyncadd.s32 $0xFFFFE000  }
0x2a: {  	[spmem:s10] =	stream.linear.scatter [tilespmem:s23], [sflag:$0x5], $0x2000, $0x38;
	[tilespmem:$0x1D000] =	vst v63  }
0x2b: {  	_ =	swait.ge [sflag:s22], $0x2000  }
0x2c: {  	[sflag:s22] =	ssyncset.done $0x0  }
0x2d: {  	[sflag:s22] =	ssyncadd.s32 $0xFFFFE000  }
0x2e: {  	[spmem:s11] =	stream.linear.scatter [tilespmem:s23], [sflag:$0x5], $0x2000, $0x38;
	[tilespmem:$0x1D000] =	vst v63  }
0x2f: {  	_ =	swait.ge [sflag:s22], $0x2000  }
0x30: {  	[sflag:s22] =	ssyncset.done $0x0  }
0x31: {  	[sflag:s22] =	ssyncadd.s32 $0xFFFFE000  }
0x32: {  	[spmem:s12] =	stream.linear.scatter [tilespmem:s23], [sflag:$0x5], $0x2000, $0x38;
	[tilespmem:$0x1D000] =	vst v63  }
0x33: {  	_ =	swait.ge [sflag:s22], $0x2000  }
0x34: {  	[sflag:s22] =	ssyncset.done $0x0  }
0x35: {  	[sflag:s22] =	ssyncadd.s32 $0xFFFFE000  }
0x36: {  	[tilespmem:s5], [sflag:$0x5] =	stream.linear.gather [hbm4b:s13+s5], $0x2800, $0x38;
	[tilespmem:$0x1D000] =	vst v63  }
0x37: {  	_ =	swait.ge [sflag:s22], $0x2800  }
0x38: {  	[sflag:s22] =	ssyncset.done $0x0  }
0x39: {  	s6 =	simm.s32 $0x2800;
	[sflag:s22] =	ssyncadd.s32 $0xFFFFD800  }
0x3a: {  	[tilespmem:s6], [sflag:$0x5] =	stream.linear.gather [hbm4b:s14+s5], $0x2800, $0x38;
	[tilespmem:$0x1D000] =	vst v63  }
0x3b: {  	_ =	swait.ge [sflag:s22], $0x2800  }
0x3c: {  	[sflag:s22] =	ssyncset.done $0x0  }
0x3d: {  	[sflag:s22] =	ssyncadd.s32 $0xFFFFD800  }
0x3e: {  	s24 =	simm.s32 $0x0;
	[bflag:$0x0] =	sbarrier.arrive $0xFFFF  }
0x3f: {  	[tilespmem:s23], [sflag:$0x1] =	stream.indirect.gather [spmem:s2], $0x40, s24, s25, $0xb8;
	[tilespmem:$0x1D000] =	vst v63  }
0x40: {  	s3 =	simm.s32 $0x80  }
0x41: {  	[tilespmem:s26], [sflag:$0x2] =	stream.indirect.gather [spmem:s2], $0x40, s3, s25, $0xb8;
	[tilespmem:$0x1D000] =	vst v63  }
0x42: {  	_ =	swait.ge [sflag:s28], $0x2000  }
0x43: {  	[sflag:s28] =	ssyncset.done $0x0  }
0x44: {  	s6 =	simm.s32 $0x2800;
	[sflag:s28] =	ssyncadd.s32 $0xFFFFE000  }
0x45: {  	[spmem:s4] =	stream.indirect.scatter.add.f32 [tilespmem:s23], [sflag:$0x3], $0x40, s6, s25, $0xb8;
	[tilespmem:$0x1D000] =	vst v63  }
0x46: {  	_ =	swait.ge [sflag:s29], $0x2000  }
0x47: {  	[sflag:s29] =	ssyncset.done $0x0  }
0x48: {  	s24 =	simm.s32 $0x2880;
	[sflag:s29] =	ssyncadd.s32 $0xFFFFE000  }
0x49: {  	[spmem:s4] =	stream.indirect.scatter.add.f32 [tilespmem:s26], [sflag:$0x4], $0x40, s24, s25, $0xb8;
	[tilespmem:$0x1D000] =	vst v63  }
0x4a: {  	_ =	swait.ge [sflag:s30], $0x2000  }
0x4b: {  	[sflag:s30] =	ssyncset.done $0x0  }
0x4c: {  	[sflag:s30] =	ssyncadd.s32 $0xFFFFE000  }
0x4d: {  	_ =	swait.ge [sflag:s31], $0x2000  }
0x4e: {  	s1 =	simm.s32 $0x800;
	s3 =	simm.s32 $0x400;
	[sflag:s31] =	ssyncset.done $0x0  }
.LBB2_2:
0x4f: {  	s24 =	sshra.s32 s3, $0x2  }
0x50: {  	[sflag:s31] =	ssyncadd.s32 $0xFFFFE000;
	s3 =	smov.u32 s1;
	s6 =	sadd.s32 $0x400, s1  }
0x51: {  	[tilespmem:s23], [sflag:$0x1] =	stream.indirect.gather [spmem:s2], $0x40, s24, s25, $0xb8;
	[tilespmem:$0x1D000] =	vst v63  }
0x52: {  	p0 =	sne.s32 s1, $0x9C00;
	s1 =	sadd.s32 $0x80, s24  }
0x53: {  	[tilespmem:s26], [sflag:$0x2] =	stream.indirect.gather [spmem:s2], $0x40, s1, s25, $0xb8;
	[tilespmem:$0x1D000] =	vst v63  }
0x54: {  	_ =	swait.ge [sflag:s28], $0x2000  }
0x55: {  	[sflag:s28] =	ssyncset.done $0x0  }
0x56: {  	s1 =	sadd.s32 $0x2800, s24;
	[sflag:s28] =	ssyncadd.s32 $0xFFFFE000  }
0x57: {  	[spmem:s4] =	stream.indirect.scatter.add.f32 [tilespmem:s23], [sflag:$0x3], $0x40, s1, s25, $0xb8;
	[tilespmem:$0x1D000] =	vst v63  }
0x58: {  	_ =	swait.ge [sflag:s29], $0x2000  }
0x59: {  	[sflag:s29] =	ssyncset.done $0x0  }
0x5a: {  	s1 =	sadd.s32 $0x2880, s24;
	[sflag:s29] =	ssyncadd.s32 $0xFFFFE000  }
0x5b: {  	[spmem:s4] =	stream.indirect.scatter.add.f32 [tilespmem:s26], [sflag:$0x4], $0x40, s1, s25, $0xb8;
	[tilespmem:$0x1D000] =	vst v63  }
.Ltmp0:
0x5c: {  	_ =	swait.ge [sflag:s30], $0x2000;
	(pc) =	sbr.rel @p0 .LBB2_2-.Ltmp0, $4  }
0x5d: {  	[sflag:s30] =	ssyncset.done $0x0  }
0x5e: {  	[sflag:s30] =	ssyncadd.s32 $0xFFFFE000  }
0x5f: {  	_ =	swait.ge [sflag:s31], $0x2000  }
0x60: {  	s1 =	smov.u32 s6;
	[sflag:s31] =	ssyncset.done $0x0  }
0x61: {  	s1 =	sshra.s32 s3, $0x2;
	[sflag:s31] =	ssyncadd.s32 $0xFFFFE000  }
0x62: {  	[tilespmem:s23], [sflag:$0x1] =	stream.indirect.gather [spmem:s2], $0x40, s1, s25, $0xb8;
	[tilespmem:$0x1D000] =	vst v63  }
0x63: {  	s3 =	sadd.s32 $0x80, s1  }
0x64: {  	[tilespmem:s26], [sflag:$0x2] =	stream.indirect.gather [spmem:s2], $0x40, s3, s25, $0xb8;
	[tilespmem:$0x1D000] =	vst v63  }
0x65: {  	_ =	swait.ge [sflag:s28], $0x2000  }
0x66: {  	[sflag:s28] =	ssyncset.done $0x0  }
0x67: {  	s24 =	sadd.s32 $0x2800, s1;
	[sflag:s28] =	ssyncadd.s32 $0xFFFFE000  }
0x68: {  	[spmem:s4] =	stream.indirect.scatter.add.f32 [tilespmem:s23], [sflag:$0x3], $0x40, s24, s25, $0xb8;
	[tilespmem:$0x1D000] =	vst v63  }
0x69: {  	_ =	swait.ge [sflag:s29], $0x2000  }
0x6a: {  	[sflag:s29] =	ssyncset.done $0x0  }
0x6b: {  	s1 =	sadd.s32 $0x2880, s1;
	[sflag:s29] =	ssyncadd.s32 $0xFFFFE000  }
0x6c: {  	[spmem:s4] =	stream.indirect.scatter.add.f32 [tilespmem:s26], [sflag:$0x4], $0x40, s1, s25, $0xb8;
	[tilespmem:$0x1D000] =	vst v63  }
0x6d: {  	_ =	swait.ge [sflag:s30], $0x2000  }
0x6e: {  	[sflag:s30] =	ssyncset.done $0x0  }
0x6f: {  	[sflag:s30] =	ssyncadd.s32 $0xFFFFE000  }
0x70: {  	_ =	swait.ge [sflag:s31], $0x2000  }
0x71: {  	[sflag:s31] =	ssyncset.done $0x0  }
0x72: {  	[sflag:s31] =	ssyncadd.s32 $0xFFFFE000  }
0x73: {  	[bflag:$0x0] =	sbarrier.arrive $0xFFFF  }
0x74: {  	[tilespmem:s23], [sflag:$0x5] =	stream.linear.gather [spmem:s8], $0x2000, $0x38;
	[tilespmem:$0x1D000] =	vst v63  }
0x75: {  	_ =	swait.ge [sflag:s22], $0x2000  }
0x76: {  	[sflag:s22] =	ssyncset.done $0x0  }
0x77: {  	[sflag:s22] =	ssyncadd.s32 $0xFFFFE000  }
0x78: {  	[hbm4b:s15+s5] =	stream.linear.scatter [tilespmem:s23], [sflag:$0x5], $0x2000, $0x38;
	[tilespmem:$0x1D000] =	vst v63  }
0x79: {  	_ =	swait.ge [sflag:s22], $0x2000  }
0x7a: {  	[sflag:s22] =	ssyncset.done $0x0  }
0x7b: {  	[sflag:s22] =	ssyncadd.s32 $0xFFFFE000  }
0x7c: {  	[tilespmem:s23], [sflag:$0x5] =	stream.linear.gather [spmem:s9], $0x2000, $0x38;
	[tilespmem:$0x1D000] =	vst v63  }
0x7d: {  	_ =	swait.ge [sflag:s22], $0x2000  }
0x7e: {  	[sflag:s22] =	ssyncset.done $0x0  }
0x7f: {  	[sflag:s22] =	ssyncadd.s32 $0xFFFFE000  }
0x80: {  	[hbm4b:s16+s5] =	stream.linear.scatter [tilespmem:s23], [sflag:$0x5], $0x2000, $0x38;
	[tilespmem:$0x1D000] =	vst v63  }
0x81: {  	_ =	swait.ge [sflag:s22], $0x2000  }
0x82: {  	[sflag:s22] =	ssyncset.done $0x0  }
0x83: {  	[sflag:s22] =	ssyncadd.s32 $0xFFFFE000  }
0x84: {  	[tilespmem:s23], [sflag:$0x5] =	stream.linear.gather [spmem:s10], $0x2000, $0x38;
	[tilespmem:$0x1D000] =	vst v63  }
0x85: {  	_ =	swait.ge [sflag:s22], $0x2000  }
0x86: {  	[sflag:s22] =	ssyncset.done $0x0  }
0x87: {  	[sflag:s22] =	ssyncadd.s32 $0xFFFFE000  }
0x88: {  	[hbm4b:s17+s5] =	stream.linear.scatter [tilespmem:s23], [sflag:$0x5], $0x2000, $0x38;
	[tilespmem:$0x1D000] =	vst v63  }
0x89: {  	_ =	swait.ge [sflag:s22], $0x2000  }
0x8a: {  	[sflag:s22] =	ssyncset.done $0x0  }
0x8b: {  	[sflag:s22] =	ssyncadd.s32 $0xFFFFE000  }
0x8c: {  	[tilespmem:s23], [sflag:$0x5] =	stream.linear.gather [spmem:s11], $0x2000, $0x38;
	[tilespmem:$0x1D000] =	vst v63  }
0x8d: {  	_ =	swait.ge [sflag:s22], $0x2000  }
0x8e: {  	[sflag:s22] =	ssyncset.done $0x0  }
0x8f: {  	[sflag:s22] =	ssyncadd.s32 $0xFFFFE000  }
0x90: {  	[hbm4b:s18+s5] =	stream.linear.scatter [tilespmem:s23], [sflag:$0x5], $0x2000, $0x38;
	[tilespmem:$0x1D000] =	vst v63  }
0x91: {  	_ =	swait.ge [sflag:s22], $0x2000  }
0x92: {  	[sflag:s22] =	ssyncset.done $0x0  }
0x93: {  	[sflag:s22] =	ssyncadd.s32 $0xFFFFE000  }
0x94: {  	[tilespmem:s23], [sflag:$0x5] =	stream.linear.gather [spmem:s12], $0x2000, $0x38;
	[tilespmem:$0x1D000] =	vst v63  }
0x95: {  	s0 =	sadd.s32 $0x1, s0;
	_ =	swait.ge [sflag:s22], $0x2000  }
0x96: {  	p0 =	sne.s32 s0, s20;
	[sflag:s22] =	ssyncset.done $0x0  }
.Ltmp1:
0x97: {  	[sflag:s22] =	ssyncadd.s32 $0xFFFFE000;
	(pc) =	sbr.rel @p0 .LBB2_1-.Ltmp1, $4  }
0x98: {  	[hbm4b:s19+s5] =	stream.linear.scatter [tilespmem:s23], [sflag:$0x5], $0x2000, $0x38;
	[tilespmem:$0x1D000] =	vst v63  }
0x99: {  	_ =	swait.ge [sflag:s22], $0x2000  }
0x9a: {  	[sflag:s22] =	ssyncset.done $0x0  }
0x9b: {  	[sflag:s22] =	ssyncadd.s32 $0xFFFFE000  }
0x9c: {  	_ =	sfence.sel $0x180000  }
0x9d: {  	[bflag:$0x0] =	sbarrier.arrive $0xFFFF  }
0x9e: {  	_ =	strace $0x9000004A  }
0x9f: {  	s0 =	stileid.u32;
	[bflag:$0x2] =	sbarrier.arrive $0xFFFF  }
0xa0: {  	p0 =	sne.s32 s0, $0x0;
	s0 =	rddreg [dreg:$0x4]  }
0xa1: {  	s0 =	sadd.s32 @!p0 $0x100000, s0  }
0xa2: {  	[sflag:s0] =	ssyncadd.tile.s32 @!p0 $0x1;
	_ =	shalt  }
.Lfunc_end2:
_tile_overlayer_lowered:
.L_overlay_start_2:
0xa3: {  	(tag) =	ssettag $0x2  }
0xa4: {  	s0 =	rddreg [dreg:$0x0];
	s2 =	stileid.u32  }
0xa5: {  	s1 =	rddreg [dreg:$0x1];
	p0 =	sne.s32 s2, $0x0  }
0xa6: {  	s3 =	rddreg [dreg:$0x2];
	[bflag:$0x3] =	sbarrier.arrive $0xFFFF;
	s2 =	simm.s32 @!p0 $0x1C05  }
0xa7: {  	[timem:s3], [sflag:s2] =	dma.local @!p0 [hbm:s0], s1  }
0xa8: {  	s0 =	simm.s32 @!p0 $0x5  }
0xa9: {  	_ =	swait.ge @!p0 [sflag:s0], s1  }
0xaa: {  	s1 =	ssub.s32 @!p0 $0x0, s1;
	[sflag:s0] =	ssyncset.done @!p0 $0x0  }
0xab: {  	[sflag:s0] =	ssyncadd.s32 @!p0 s1  }
0xac: {  	[bflag:$0x3] =	sbarrier.arrive $0xFFFF  }
0xad: {  	_ =	shalt  }

</sc_bundles>
